<compile_context>
chip_gen: v7x
topology: tpu7x:2x2x1
jax: 0.10.2.dev20260603
libtpu: 0.0.44.dev20260713+nightly
codegen_flags: <defaults>
</compile_context>

<pallas_src>
import functools

import jax
import jax.numpy as jnp
from jax import lax
from jax.experimental import pallas as pl
from jax.experimental.pallas import tpu as pltpu
from jax.experimental.pallas import tpu_sc as plsc

N = 10000
NP = 10240
E = 320000
D = 128
ALPHA = 0.1
EPS = 1e-6

NC = 2
NS = 16
EP = 327680
NPAD = EP - E
ROWS_PER_TILE = NP // NS

W = 128
CW = 128
NROW = EP // W
ROWS_PER_SC = NROW // NC
ROWS_PER_TILE_E = ROWS_PER_SC // NS
CH = 16
NCHUNK = ROWS_PER_TILE_E // CH

WG = 128
NROWG = EP // WG
ROWS_PER_SC_G = NROWG // NC
ROWS_PER_TILE_G = ROWS_PER_SC_G // NS
CHG = 16
NCHUNK_G = ROWS_PER_TILE_G // CHG
NBUF = 2
DEPTH = NBUF - 1


def _agg_body(src_hbm, dst_hbm, hp_hbm, zeros_hbm, out_hbm, acc, sidx, didx,
              rows0, rows1, sem0, sem1):
    c = lax.axis_index("c")
    s = lax.axis_index("s")
    r0 = s * ROWS_PER_TILE
    pltpu.sync_copy(zeros_hbm.at[pl.ds(r0, ROWS_PER_TILE)],
                    acc.at[pl.ds(r0, ROWS_PER_TILE)])
    plsc.subcore_barrier()
    rows = (rows0, rows1)
    sems = (sem0, sem1)

    def chunk(k, carry):
        row0 = c * ROWS_PER_SC_G + s * ROWS_PER_TILE_G + k * CHG
        pltpu.sync_copy(src_hbm.at[pl.ds(row0, CHG)], sidx)
        pltpu.sync_copy(dst_hbm.at[pl.ds(row0, CHG)], didx)
        pend = [None] * CHG
        for j in range(min(DEPTH, CHG)):
            pend[j] = pltpu.async_copy(hp_hbm.at[sidx.at[j]],
                                       rows[j % NBUF], sems[j % NBUF])
        for j in range(CHG):
            if j + DEPTH < CHG:
                pend[j + DEPTH] = pltpu.async_copy(
                    hp_hbm.at[sidx.at[j + DEPTH]],
                    rows[(j + DEPTH) % NBUF], sems[(j + DEPTH) % NBUF])
            pend[j].wait()
            pltpu.sync_copy(rows[j % NBUF], acc.at[didx.at[j]], add=True)
        return carry

    lax.fori_loop(0, NCHUNK_G, chunk, None)
    plsc.subcore_barrier()
    pltpu.sync_copy(acc.at[pl.ds(r0, ROWS_PER_TILE)],
                    out_hbm.at[c, pl.ds(r0, ROWS_PER_TILE)])


def _cnt_body(dst_hbm, ones_hbm, zeros_hbm, out_hbm, acc, didx, ones, sem):
    c = lax.axis_index("c")
    s = lax.axis_index("s")
    r0 = s * ROWS_PER_TILE
    pltpu.sync_copy(zeros_hbm.at[pl.ds(r0, ROWS_PER_TILE)],
                    acc.at[pl.ds(r0, ROWS_PER_TILE)])
    pltpu.sync_copy(ones_hbm, ones)
    plsc.subcore_barrier()

    def chunk(k, carry):
        row0 = c * ROWS_PER_SC + s * ROWS_PER_TILE_E + k * CH
        pltpu.sync_copy(dst_hbm.at[pl.ds(row0, CH)], didx)
        ds = [pltpu.async_copy(ones, acc.at[didx.at[j]], sem, add=True)
              for j in range(CH)]
        for d in ds:
            d.wait()
        return carry

    lax.fori_loop(0, NCHUNK, chunk, None)
    plsc.subcore_barrier()
    pltpu.sync_copy(acc.at[pl.ds(r0, ROWS_PER_TILE)],
                    out_hbm.at[c, pl.ds(r0, ROWS_PER_TILE)])


@functools.lru_cache(maxsize=None)
def _sc_kernels():
    mesh = plsc.VectorSubcoreMesh(core_axis_name="c", subcore_axis_name="s",
                                  num_cores=NC, num_subcores=NS)
    agg_kernel = pl.kernel(
        _agg_body,
        out_type=jax.ShapeDtypeStruct((NC, NP, D), jnp.float32),
        mesh=mesh,
        scratch_types=[
            pltpu.VMEM_SHARED((NP, D), jnp.float32),
            pltpu.VMEM((CHG, WG), jnp.int32),
            pltpu.VMEM((CHG, WG), jnp.int32),
            pltpu.VMEM((WG, D), jnp.float32),
            pltpu.VMEM((WG, D), jnp.float32),
            pltpu.SemaphoreType.DMA,
            pltpu.SemaphoreType.DMA,
        ],
    )
    cnt_kernel = pl.kernel(
        _cnt_body,
        out_type=jax.ShapeDtypeStruct((NC, NP, CW), jnp.float32),
        mesh=mesh,
        scratch_types=[
            pltpu.VMEM_SHARED((NP, CW), jnp.float32),
            pltpu.VMEM((CH, W), jnp.int32),
            pltpu.VMEM((W, CW), jnp.float32),
            pltpu.SemaphoreType.DMA,
        ],
    )
    return cnt_kernel, agg_kernel


def _dis_from_parts(degp):
    deg = degp[0, :N, 0:1] + degp[1, :N, 0:1] + 1.0
    return lax.rsqrt(deg)


def _hprime_body(x_ref, wt_ref, b_ref, degp_ref, out_ref):
    dis = _dis_from_parts(degp_ref[...])
    h = jnp.dot(x_ref[...], wt_ref[...], preferred_element_type=jnp.float32)
    out_ref[:N, :] = dis * (h + b_ref[...])
    out_ref[N:, :] = jnp.zeros((NP - N, D), jnp.float32)


def _fin_body(agg_ref, hp_ref, degp_ref, x0_ref, w1t_ref, w2t_ref, g_ref,
              b_ref, out_ref):
    dis = _dis_from_parts(degp_ref[...])
    ax = (agg_ref[0, :N, :] + agg_ref[1, :N, :] + hp_ref[:N, :]) * dis
    out = ((1.0 - ALPHA) * jnp.dot(ax, w1t_ref[...],
                                   preferred_element_type=jnp.float32)
           + ALPHA * jnp.dot(x0_ref[...], w2t_ref[...],
                             preferred_element_type=jnp.float32))
    msq = jnp.mean(out * out, axis=0, keepdims=True)
    rms = jnp.sqrt(msq + EPS)
    out_ref[...] = jnp.maximum(g_ref[...] * (out / rms) + b_ref[...], 0.0)


def kernel(x, x0, edge_index, W_gcn, b_gcn, W1, W2, gamma, beta):
    pad = N + (jnp.arange(NPAD, dtype=jnp.int32) % (NP - N))
    src = jnp.concatenate([edge_index[0].astype(jnp.int32), pad])
    dst = jnp.concatenate([edge_index[1].astype(jnp.int32), pad])
    srcg = src.reshape(NROWG, WG)
    dstg = dst.reshape(NROWG, WG)
    dst = dst.reshape(NROW, W)
    zeros_nd = jnp.zeros((NP, D), jnp.float32)
    zeros_cw = jnp.zeros((NP, CW), jnp.float32)
    ones_w = jnp.ones((W, CW), jnp.float32)

    cnt_kernel, agg_kernel = _sc_kernels()
    degp = cnt_kernel(dst, ones_w, zeros_cw)

    hp = pl.pallas_call(
        _hprime_body,
        out_shape=jax.ShapeDtypeStruct((NP, D), jnp.float32),
    )(x, W_gcn.T, b_gcn.reshape(1, D), degp)

    agg = agg_kernel(srcg, dstg, hp, zeros_nd)

    out = pl.pallas_call(
        _fin_body,
        out_shape=jax.ShapeDtypeStruct((N, D), jnp.float32),
    )(agg, hp, degp, x0, W1.T, W2.T, gamma.reshape(1, D), beta.reshape(1, D))

    return (out, x0, edge_index)

# --- scband reference (transcript-rebuilt; emitter-appended) ---
"""Pipeline reference for scband-graph-gcnres-norm-20968030339262 (READ-ONLY COPY).

The authoritative reference and input builder live on the scoring server;
editing this copy changes nothing except your own understanding.
"""

import jax, jax.numpy as jnp
import numpy as np

N_NODES = 10000
N_EDGES = 320000
D = 128
ALPHA = 0.1
EPS = 1e-06


def setup_inputs(seed: int = 0) -> dict:
    key = jax.random.key(seed)
    ks = jax.random.split(key, 8)
    x = jax.random.normal(ks[0], (N_NODES, D), dtype=jnp.float32)
    x0 = jax.random.normal(ks[1], (N_NODES, D), dtype=jnp.float32)
    edge_index = jax.random.randint(ks[2], (2, N_EDGES), 0, N_NODES, dtype=jnp.int64)
    W_gcn = jax.random.normal(ks[3], (D, D), dtype=jnp.float32) * 0.05
    b_gcn = jnp.zeros((D,), dtype=jnp.float32)
    W1 = jax.random.normal(ks[4], (D, D), dtype=jnp.float32) * 0.05
    W2 = jax.random.normal(ks[5], (D, D), dtype=jnp.float32) * 0.05
    gamma = jnp.ones((D,), dtype=jnp.float32)
    beta = jnp.zeros((D,), dtype=jnp.float32)
    return {"x": x, "x0": x0, "edge_index": edge_index, "W_gcn": W_gcn,
            "b_gcn": b_gcn, "W1": W1, "W2": W2, "gamma": gamma, "beta": beta}


def _gcn_conv(x, edge_index, W_gcn, b_gcn):
    # PyG GCNConv: add_self_loops=True, normalize=True, bias=True
    n = x.shape[0]
    src = edge_index[0]
    dst = edge_index[1]
    loop = jnp.arange(n, dtype=src.dtype)
    src = jnp.concatenate([src, loop])
    dst = jnp.concatenate([dst, loop])
    ew = jnp.ones(src.shape[0], dtype=x.dtype)
    deg = jnp.zeros((n,), dtype=x.dtype).at[dst].add(ew)
    deg_inv_sqrt = jnp.where(deg > 0, jax.lax.rsqrt(deg), 0.0)
    norm = deg_inv_sqrt[src] * ew * deg_inv_sqrt[dst]
    h = x @ W_gcn.T + b_gcn
    msg = h[src] * norm[:, None]
    out = jnp.zeros_like(h).at[dst].add(msg)
    return out


def reference(x, x0, edge_index, W_gcn, b_gcn, W1, W2, gamma, beta):
    # GraphRes
    ax = _gcn_conv(x, edge_index, W_gcn, b_gcn)
    out = (1.0 - ALPHA) * (ax @ W1.T) + ALPHA * (x0 @ W2.T)
    # BatchRmsNorm (mean of squares over node/batch dim 0)
    mean_sq = jnp.mean(out * out, axis=0, keepdims=True)
    rms = jnp.sqrt(mean_sq + EPS)
    out_norm = gamma * (out / rms) + beta
    # ReLU
    out_act = jax.nn.relu(out_norm)
    return (out_act, x0, edge_index)

if __name__ == "__main__":
    import jax
    _d = setup_inputs()
    print(jax.jit(kernel)(*tuple(_d.values())))

</pallas_src>

<mosaic_0001>
#map = affine_map<(d0, d1) -> (0, 0)>
#map1 = affine_map<(d0, d1) -> (0, 0, 0)>
module attributes {stable_mosaic.version = 14 : i64} {
  func.func @_cnt_body(%arg0: i32, %arg1: i32, %arg2: memref<2560x128xi32, #tpu.memory_space<hbm>>, %arg3: memref<128x128xf32, #tpu.memory_space<hbm>>, %arg4: memref<10240x128xf32, #tpu.memory_space<hbm>>, %arg5: memref<2x10240x128xf32, #tpu.memory_space<hbm>>, %arg6: memref<10240x128xf32, #tpu.memory_space<vmem_shared>>, %arg7: memref<16x128xi32, #tpu.memory_space<vmem>>, %arg8: memref<128x128xf32, #tpu.memory_space<vmem>>, %arg9: memref<!tpu.dma_semaphore, #tpu.memory_space<semaphore_mem>>) attributes {dimension_semantics = [#tpu.dimension_semantics<core_parallel>, #tpu.dimension_semantics<subcore_parallel>], iteration_bounds = array<i64: 2, 16>, scalar_prefetch = 0 : i64, scratch_operands = 4 : i64, tpu.core_type = #tpu.core_type<sc_vector_subcore>, window_params = [{transform_indices = #map}, {transform_indices = #map}, {transform_indices = #map}, {transform_indices = #map1}]} {
    %mul3A = arith.constant 640 : i32
    %mul3A_0 = arith.muli %arg1, %mul3A : i32
    "tpu.region"() ({
      %run_scoped3A = tpu.sem_alloc : memref<!tpu.dma_semaphore, #tpu.memory_space<semaphore_mem>>
      %dma_start3A = arith.constant 0 : i32
      %dma_start3A_6 = tpu.memref_slice %arg6[%mul3A_0, %dma_start3A] : memref<10240x128xf32, #tpu.memory_space<vmem_shared>> -> memref<640x128xf32, #tpu.memory_space<vmem_shared>>
      %dma_start3A_7 = arith.constant 0 : i32
      %dma_start3A_8 = tpu.memref_slice %arg4[%mul3A_0, %dma_start3A_7] : memref<10240x128xf32, #tpu.memory_space<hbm>> -> memref<640x128xf32, #tpu.memory_space<hbm>>
      tpu.enqueue_dma source(%dma_start3A_8 : memref<640x128xf32, #tpu.memory_space<hbm>>) target(%dma_start3A_6 : memref<640x128xf32, #tpu.memory_space<vmem_shared>>) target_semaphore(%run_scoped3A : memref<!tpu.dma_semaphore, #tpu.memory_space<semaphore_mem>>)
      %dma_wait3A = arith.constant 0 : i32
      %dma_wait3A_9 = tpu.memref_slice %arg6[%mul3A_0, %dma_wait3A] : memref<10240x128xf32, #tpu.memory_space<vmem_shared>> -> memref<640x128xf32, #tpu.memory_space<vmem_shared>>
      %dma_wait3A_10 = arith.constant 0 : i32
      %dma_wait3A_11 = tpu.memref_slice %arg4[%mul3A_0, %dma_wait3A_10] : memref<10240x128xf32, #tpu.memory_space<hbm>> -> memref<640x128xf32, #tpu.memory_space<hbm>>
      tpu.wait_dma2 semaphore(%run_scoped3A : memref<!tpu.dma_semaphore, #tpu.memory_space<semaphore_mem>>) src(%dma_wait3A_11 : memref<640x128xf32, #tpu.memory_space<hbm>>) dst(%dma_wait3A_9 : memref<640x128xf32, #tpu.memory_space<vmem_shared>>)
      tpu.yield
    }) : () -> ()
    "tpu.region"() ({
      %run_scoped3A = tpu.sem_alloc : memref<!tpu.dma_semaphore, #tpu.memory_space<semaphore_mem>>
      tpu.enqueue_dma source(%arg3 : memref<128x128xf32, #tpu.memory_space<hbm>>) target(%arg8 : memref<128x128xf32, #tpu.memory_space<vmem>>) target_semaphore(%run_scoped3A : memref<!tpu.dma_semaphore, #tpu.memory_space<semaphore_mem>>)
      tpu.wait_dma2 semaphore(%run_scoped3A : memref<!tpu.dma_semaphore, #tpu.memory_space<semaphore_mem>>) src(%arg3 : memref<128x128xf32, #tpu.memory_space<hbm>>) dst(%arg8 : memref<128x128xf32, #tpu.memory_space<vmem>>)
      tpu.yield
    }) : () -> ()
    %barrier3A = arith.constant 0 : index
    tpu.barrier barrier_id(%barrier3A)
    %scan3A = arith.constant 0 : i32
    %scan3A_1 = arith.constant 5 : i32
    %scan3A_2 = arith.addi %scan3A, %scan3A_1 : i32
    %scan3A_3 = arith.constant 1 : i32
    scf.for %scan3A_6 = %scan3A to %scan3A_2 step %scan3A_3  : i32 {
      %mul3A_7 = arith.constant 1280 : i32
      %mul3A_8 = arith.muli %arg0, %mul3A_7 : i32
      %mul3A_9 = arith.constant 80 : i32
      %mul3A_10 = arith.muli %arg1, %mul3A_9 : i32
      %add3A = arith.addi %mul3A_8, %mul3A_10 : i32
      %mul3A_11 = arith.constant 16 : i32
      %mul3A_12 = arith.muli %scan3A_6, %mul3A_11 : i32
      %add3A_13 = arith.addi %add3A, %mul3A_12 : i32
      "tpu.region"() ({
        %run_scoped3A = tpu.sem_alloc : memref<!tpu.dma_semaphore, #tpu.memory_space<semaphore_mem>>
        %dma_start3A_236 = arith.constant 0 : i32
        %dma_start3A_237 = tpu.memref_slice %arg2[%add3A_13, %dma_start3A_236] : memref<2560x128xi32, #tpu.memory_space<hbm>> -> memref<16x128xi32, #tpu.memory_space<hbm>>
        %dma_start3A_238 = arith.constant 0 : i32
        %dma_start3A_239 = tpu.memref_slice %arg2[%add3A_13, %dma_start3A_238] : memref<2560x128xi32, #tpu.memory_space<hbm>> -> memref<16x128xi32, #tpu.memory_space<hbm>>
        tpu.enqueue_dma source(%dma_start3A_239 : memref<16x128xi32, #tpu.memory_space<hbm>>) target(%arg7 : memref<16x128xi32, #tpu.memory_space<vmem>>) target_semaphore(%run_scoped3A : memref<!tpu.dma_semaphore, #tpu.memory_space<semaphore_mem>>)
        %dma_wait3A_240 = arith.constant 0 : i32
        %dma_wait3A_241 = tpu.memref_slice %arg2[%add3A_13, %dma_wait3A_240] : memref<2560x128xi32, #tpu.memory_space<hbm>> -> memref<16x128xi32, #tpu.memory_space<hbm>>
        %dma_wait3A_242 = arith.constant 0 : i32
        %dma_wait3A_243 = tpu.memref_slice %arg2[%add3A_13, %dma_wait3A_242] : memref<2560x128xi32, #tpu.memory_space<hbm>> -> memref<16x128xi32, #tpu.memory_space<hbm>>
        tpu.wait_dma2 semaphore(%run_scoped3A : memref<!tpu.dma_semaphore, #tpu.memory_space<semaphore_mem>>) src(%dma_wait3A_243 : memref<16x128xi32, #tpu.memory_space<hbm>>) dst(%arg7 : memref<16x128xi32, #tpu.memory_space<vmem>>)
        tpu.yield
      }) : () -> ()
      %dma_start3A = arith.constant 0 : i32
      %dma_start3A_14 = arith.constant 0 : i32
      %dma_start3A_15 = tpu.memref_slice %arg7[%dma_start3A, %dma_start3A_14] : memref<16x128xi32, #tpu.memory_space<vmem>> -> memref<1x128xi32, #tpu.memory_space<vmem>>
      %dma_start3A_16 = tpu.memref_squeeze %dma_start3A_15 : memref<1x128xi32, #tpu.memory_space<vmem>> -> memref<128xi32, #tpu.memory_space<vmem>>
      %dma_start3A_17 = arith.constant 0 : i32
      %dma_start3A_18 = arith.constant 0 : i32
      %dma_start3A_19 = tpu.memref_slice %arg6[%dma_start3A_17, %dma_start3A_18] : memref<10240x128xf32, #tpu.memory_space<vmem_shared>> -> memref<10240x128xf32, #tpu.memory_space<vmem_shared>>
      tpu.enqueue_indirect_dma source(%arg8 : memref<128x128xf32, #tpu.memory_space<vmem>>) target(%dma_start3A_19 : memref<10240x128xf32, #tpu.memory_space<vmem_shared>>) offsets(%dma_start3A_16 : memref<128xi32, #tpu.memory_space<vmem>>) semaphore(%arg9 : memref<!tpu.dma_semaphore, #tpu.memory_space<semaphore_mem>>) {add = true}
      %dma_start3A_20 = arith.constant 1 : i32
      %dma_start3A_21 = arith.constant 0 : i32
      %dma_start3A_22 = tpu.memref_slice %arg7[%dma_start3A_20, %dma_start3A_21] : memref<16x128xi32, #tpu.memory_space<vmem>> -> memref<1x128xi32, #tpu.memory_space<vmem>>
      %dma_start3A_23 = tpu.memref_squeeze %dma_start3A_22 : memref<1x128xi32, #tpu.memory_space<vmem>> -> memref<128xi32, #tpu.memory_space<vmem>>
      %dma_start3A_24 = arith.constant 0 : i32
      %dma_start3A_25 = arith.constant 0 : i32
      %dma_start3A_26 = tpu.memref_slice %arg6[%dma_start3A_24, %dma_start3A_25] : memref<10240x128xf32, #tpu.memory_space<vmem_shared>> -> memref<10240x128xf32, #tpu.memory_space<vmem_shared>>
      tpu.enqueue_indirect_dma source(%arg8 : memref<128x128xf32, #tpu.memory_space<vmem>>) target(%dma_start3A_26 : memref<10240x128xf32, #tpu.memory_space<vmem_shared>>) offsets(%dma_start3A_23 : memref<128xi32, #tpu.memory_space<vmem>>) semaphore(%arg9 : memref<!tpu.dma_semaphore, #tpu.memory_space<semaphore_mem>>) {add = true}
      %dma_start3A_27 = arith.constant 2 : i32
      %dma_start3A_28 = arith.constant 0 : i32
      %dma_start3A_29 = tpu.memref_slice %arg7[%dma_start3A_27, %dma_start3A_28] : memref<16x128xi32, #tpu.memory_space<vmem>> -> memref<1x128xi32, #tpu.memory_space<vmem>>
      %dma_start3A_30 = tpu.memref_squeeze %dma_start3A_29 : memref<1x128xi32, #tpu.memory_space<vmem>> -> memref<128xi32, #tpu.memory_space<vmem>>
      %dma_start3A_31 = arith.constant 0 : i32
      %dma_start3A_32 = arith.constant 0 : i32
      %dma_start3A_33 = tpu.memref_slice %arg6[%dma_start3A_31, %dma_start3A_32] : memref<10240x128xf32, #tpu.memory_space<vmem_shared>> -> memref<10240x128xf32, #tpu.memory_space<vmem_shared>>
      tpu.enqueue_indirect_dma source(%arg8 : memref<128x128xf32, #tpu.memory_space<vmem>>) target(%dma_start3A_33 : memref<10240x128xf32, #tpu.memory_space<vmem_shared>>) offsets(%dma_start3A_30 : memref<128xi32, #tpu.memory_space<vmem>>) semaphore(%arg9 : memref<!tpu.dma_semaphore, #tpu.memory_space<semaphore_mem>>) {add = true}
      %dma_start3A_34 = arith.constant 3 : i32
      %dma_start3A_35 = arith.constant 0 : i32
      %dma_start3A_36 = tpu.memref_slice %arg7[%dma_start3A_34, %dma_start3A_35] : memref<16x128xi32, #tpu.memory_space<vmem>> -> memref<1x128xi32, #tpu.memory_space<vmem>>
      %dma_start3A_37 = tpu.memref_squeeze %dma_start3A_36 : memref<1x128xi32, #tpu.memory_space<vmem>> -> memref<128xi32, #tpu.memory_space<vmem>>
      %dma_start3A_38 = arith.constant 0 : i32
      %dma_start3A_39 = arith.constant 0 : i32
      %dma_start3A_40 = tpu.memref_slice %arg6[%dma_start3A_38, %dma_start3A_39] : memref<10240x128xf32, #tpu.memory_space<vmem_shared>> -> memref<10240x128xf32, #tpu.memory_space<vmem_shared>>
      tpu.enqueue_indirect_dma source(%arg8 : memref<128x128xf32, #tpu.memory_space<vmem>>) target(%dma_start3A_40 : memref<10240x128xf32, #tpu.memory_space<vmem_shared>>) offsets(%dma_start3A_37 : memref<128xi32, #tpu.memory_space<vmem>>) semaphore(%arg9 : memref<!tpu.dma_semaphore, #tpu.memory_space<semaphore_mem>>) {add = true}
      %dma_start3A_41 = arith.constant 4 : i32
      %dma_start3A_42 = arith.constant 0 : i32
      %dma_start3A_43 = tpu.memref_slice %arg7[%dma_start3A_41, %dma_start3A_42] : memref<16x128xi32, #tpu.memory_space<vmem>> -> memref<1x128xi32, #tpu.memory_space<vmem>>
      %dma_start3A_44 = tpu.memref_squeeze %dma_start3A_43 : memref<1x128xi32, #tpu.memory_space<vmem>> -> memref<128xi32, #tpu.memory_space<vmem>>
      %dma_start3A_45 = arith.constant 0 : i32
      %dma_start3A_46 = arith.constant 0 : i32
      %dma_start3A_47 = tpu.memref_slice %arg6[%dma_start3A_45, %dma_start3A_46] : memref<10240x128xf32, #tpu.memory_space<vmem_shared>> -> memref<10240x128xf32, #tpu.memory_space<vmem_shared>>
      tpu.enqueue_indirect_dma source(%arg8 : memref<128x128xf32, #tpu.memory_space<vmem>>) target(%dma_start3A_47 : memref<10240x128xf32, #tpu.memory_space<vmem_shared>>) offsets(%dma_start3A_44 : memref<128xi32, #tpu.memory_space<vmem>>) semaphore(%arg9 : memref<!tpu.dma_semaphore, #tpu.memory_space<semaphore_mem>>) {add = true}
      %dma_start3A_48 = arith.constant 5 : i32
      %dma_start3A_49 = arith.constant 0 : i32
      %dma_start3A_50 = tpu.memref_slice %arg7[%dma_start3A_48, %dma_start3A_49] : memref<16x128xi32, #tpu.memory_space<vmem>> -> memref<1x128xi32, #tpu.memory_space<vmem>>
      %dma_start3A_51 = tpu.memref_squeeze %dma_start3A_50 : memref<1x128xi32, #tpu.memory_space<vmem>> -> memref<128xi32, #tpu.memory_space<vmem>>
      %dma_start3A_52 = arith.constant 0 : i32
      %dma_start3A_53 = arith.constant 0 : i32
      %dma_start3A_54 = tpu.memref_slice %arg6[%dma_start3A_52, %dma_start3A_53] : memref<10240x128xf32, #tpu.memory_space<vmem_shared>> -> memref<10240x128xf32, #tpu.memory_space<vmem_shared>>
      tpu.enqueue_indirect_dma source(%arg8 : memref<128x128xf32, #tpu.memory_space<vmem>>) target(%dma_start3A_54 : memref<10240x128xf32, #tpu.memory_space<vmem_shared>>) offsets(%dma_start3A_51 : memref<128xi32, #tpu.memory_space<vmem>>) semaphore(%arg9 : memref<!tpu.dma_semaphore, #tpu.memory_space<semaphore_mem>>) {add = true}
      %dma_start3A_55 = arith.constant 6 : i32
      %dma_start3A_56 = arith.constant 0 : i32
      %dma_start3A_57 = tpu.memref_slice %arg7[%dma_start3A_55, %dma_start3A_56] : memref<16x128xi32, #tpu.memory_space<vmem>> -> memref<1x128xi32, #tpu.memory_space<vmem>>
      %dma_start3A_58 = tpu.memref_squeeze %dma_start3A_57 : memref<1x128xi32, #tpu.memory_space<vmem>> -> memref<128xi32, #tpu.memory_space<vmem>>
      %dma_start3A_59 = arith.constant 0 : i32
      %dma_start3A_60 = arith.constant 0 : i32
      %dma_start3A_61 = tpu.memref_slice %arg6[%dma_start3A_59, %dma_start3A_60] : memref<10240x128xf32, #tpu.memory_space<vmem_shared>> -> memref<10240x128xf32, #tpu.memory_space<vmem_shared>>
      tpu.enqueue_indirect_dma source(%arg8 : memref<128x128xf32, #tpu.memory_space<vmem>>) target(%dma_start3A_61 : memref<10240x128xf32, #tpu.memory_space<vmem_shared>>) offsets(%dma_start3A_58 : memref<128xi32, #tpu.memory_space<vmem>>) semaphore(%arg9 : memref<!tpu.dma_semaphore, #tpu.memory_space<semaphore_mem>>) {add = true}
      %dma_start3A_62 = arith.constant 7 : i32
      %dma_start3A_63 = arith.constant 0 : i32
      %dma_start3A_64 = tpu.memref_slice %arg7[%dma_start3A_62, %dma_start3A_63] : memref<16x128xi32, #tpu.memory_space<vmem>> -> memref<1x128xi32, #tpu.memory_space<vmem>>
      %dma_start3A_65 = tpu.memref_squeeze %dma_start3A_64 : memref<1x128xi32, #tpu.memory_space<vmem>> -> memref<128xi32, #tpu.memory_space<vmem>>
      %dma_start3A_66 = arith.constant 0 : i32
      %dma_start3A_67 = arith.constant 0 : i32
      %dma_start3A_68 = tpu.memref_slice %arg6[%dma_start3A_66, %dma_start3A_67] : memref<10240x128xf32, #tpu.memory_space<vmem_shared>> -> memref<10240x128xf32, #tpu.memory_space<vmem_shared>>
      tpu.enqueue_indirect_dma source(%arg8 : memref<128x128xf32, #tpu.memory_space<vmem>>) target(%dma_start3A_68 : memref<10240x128xf32, #tpu.memory_space<vmem_shared>>) offsets(%dma_start3A_65 : memref<128xi32, #tpu.memory_space<vmem>>) semaphore(%arg9 : memref<!tpu.dma_semaphore, #tpu.memory_space<semaphore_mem>>) {add = true}
      %dma_start3A_69 = arith.constant 8 : i32
      %dma_start3A_70 = arith.constant 0 : i32
      %dma_start3A_71 = tpu.memref_slice %arg7[%dma_start3A_69, %dma_start3A_70] : memref<16x128xi32, #tpu.memory_space<vmem>> -> memref<1x128xi32, #tpu.memory_space<vmem>>
      %dma_start3A_72 = tpu.memref_squeeze %dma_start3A_71 : memref<1x128xi32, #tpu.memory_space<vmem>> -> memref<128xi32, #tpu.memory_space<vmem>>
      %dma_start3A_73 = arith.constant 0 : i32
      %dma_start3A_74 = arith.constant 0 : i32
      %dma_start3A_75 = tpu.memref_slice %arg6[%dma_start3A_73, %dma_start3A_74] : memref<10240x128xf32, #tpu.memory_space<vmem_shared>> -> memref<10240x128xf32, #tpu.memory_space<vmem_shared>>
      tpu.enqueue_indirect_dma source(%arg8 : memref<128x128xf32, #tpu.memory_space<vmem>>) target(%dma_start3A_75 : memref<10240x128xf32, #tpu.memory_space<vmem_shared>>) offsets(%dma_start3A_72 : memref<128xi32, #tpu.memory_space<vmem>>) semaphore(%arg9 : memref<!tpu.dma_semaphore, #tpu.memory_space<semaphore_mem>>) {add = true}
      %dma_start3A_76 = arith.constant 9 : i32
      %dma_start3A_77 = arith.constant 0 : i32
      %dma_start3A_78 = tpu.memref_slice %arg7[%dma_start3A_76, %dma_start3A_77] : memref<16x128xi32, #tpu.memory_space<vmem>> -> memref<1x128xi32, #tpu.memory_space<vmem>>
      %dma_start3A_79 = tpu.memref_squeeze %dma_start3A_78 : memref<1x128xi32, #tpu.memory_space<vmem>> -> memref<128xi32, #tpu.memory_space<vmem>>
      %dma_start3A_80 = arith.constant 0 : i32
      %dma_start3A_81 = arith.constant 0 : i32
      %dma_start3A_82 = tpu.memref_slice %arg6[%dma_start3A_80, %dma_start3A_81] : memref<10240x128xf32, #tpu.memory_space<vmem_shared>> -> memref<10240x128xf32, #tpu.memory_space<vmem_shared>>
      tpu.enqueue_indirect_dma source(%arg8 : memref<128x128xf32, #tpu.memory_space<vmem>>) target(%dma_start3A_82 : memref<10240x128xf32, #tpu.memory_space<vmem_shared>>) offsets(%dma_start3A_79 : memref<128xi32, #tpu.memory_space<vmem>>) semaphore(%arg9 : memref<!tpu.dma_semaphore, #tpu.memory_space<semaphore_mem>>) {add = true}
      %dma_start3A_83 = arith.constant 10 : i32
      %dma_start3A_84 = arith.constant 0 : i32
      %dma_start3A_85 = tpu.memref_slice %arg7[%dma_start3A_83, %dma_start3A_84] : memref<16x128xi32, #tpu.memory_space<vmem>> -> memref<1x128xi32, #tpu.memory_space<vmem>>
      %dma_start3A_86 = tpu.memref_squeeze %dma_start3A_85 : memref<1x128xi32, #tpu.memory_space<vmem>> -> memref<128xi32, #tpu.memory_space<vmem>>
      %dma_start3A_87 = arith.constant 0 : i32
      %dma_start3A_88 = arith.constant 0 : i32
      %dma_start3A_89 = tpu.memref_slice %arg6[%dma_start3A_87, %dma_start3A_88] : memref<10240x128xf32, #tpu.memory_space<vmem_shared>> -> memref<10240x128xf32, #tpu.memory_space<vmem_shared>>
      tpu.enqueue_indirect_dma source(%arg8 : memref<128x128xf32, #tpu.memory_space<vmem>>) target(%dma_start3A_89 : memref<10240x128xf32, #tpu.memory_space<vmem_shared>>) offsets(%dma_start3A_86 : memref<128xi32, #tpu.memory_space<vmem>>) semaphore(%arg9 : memref<!tpu.dma_semaphore, #tpu.memory_space<semaphore_mem>>) {add = true}
      %dma_start3A_90 = arith.constant 11 : i32
      %dma_start3A_91 = arith.constant 0 : i32
      %dma_start3A_92 = tpu.memref_slice %arg7[%dma_start3A_90, %dma_start3A_91] : memref<16x128xi32, #tpu.memory_space<vmem>> -> memref<1x128xi32, #tpu.memory_space<vmem>>
      %dma_start3A_93 = tpu.memref_squeeze %dma_start3A_92 : memref<1x128xi32, #tpu.memory_space<vmem>> -> memref<128xi32, #tpu.memory_space<vmem>>
      %dma_start3A_94 = arith.constant 0 : i32
      %dma_start3A_95 = arith.constant 0 : i32
      %dma_start3A_96 = tpu.memref_slice %arg6[%dma_start3A_94, %dma_start3A_95] : memref<10240x128xf32, #tpu.memory_space<vmem_shared>> -> memref<10240x128xf32, #tpu.memory_space<vmem_shared>>
      tpu.enqueue_indirect_dma source(%arg8 : memref<128x128xf32, #tpu.memory_space<vmem>>) target(%dma_start3A_96 : memref<10240x128xf32, #tpu.memory_space<vmem_shared>>) offsets(%dma_start3A_93 : memref<128xi32, #tpu.memory_space<vmem>>) semaphore(%arg9 : memref<!tpu.dma_semaphore, #tpu.memory_space<semaphore_mem>>) {add = true}
      %dma_start3A_97 = arith.constant 12 : i32
      %dma_start3A_98 = arith.constant 0 : i32
      %dma_start3A_99 = tpu.memref_slice %arg7[%dma_start3A_97, %dma_start3A_98] : memref<16x128xi32, #tpu.memory_space<vmem>> -> memref<1x128xi32, #tpu.memory_space<vmem>>
      %dma_start3A_100 = tpu.memref_squeeze %dma_start3A_99 : memref<1x128xi32, #tpu.memory_space<vmem>> -> memref<128xi32, #tpu.memory_space<vmem>>
      %dma_start3A_101 = arith.constant 0 : i32
      %dma_start3A_102 = arith.constant 0 : i32
      %dma_start3A_103 = tpu.memref_slice %arg6[%dma_start3A_101, %dma_start3A_102] : memref<10240x128xf32, #tpu.memory_space<vmem_shared>> -> memref<10240x128xf32, #tpu.memory_space<vmem_shared>>
      tpu.enqueue_indirect_dma source(%arg8 : memref<128x128xf32, #tpu.memory_space<vmem>>) target(%dma_start3A_103 : memref<10240x128xf32, #tpu.memory_space<vmem_shared>>) offsets(%dma_start3A_100 : memref<128xi32, #tpu.memory_space<vmem>>) semaphore(%arg9 : memref<!tpu.dma_semaphore, #tpu.memory_space<semaphore_mem>>) {add = true}
      %dma_start3A_104 = arith.constant 13 : i32
      %dma_start3A_105 = arith.constant 0 : i32
      %dma_start3A_106 = tpu.memref_slice %arg7[%dma_start3A_104, %dma_start3A_105] : memref<16x128xi32, #tpu.memory_space<vmem>> -> memref<1x128xi32, #tpu.memory_space<vmem>>
      %dma_start3A_107 = tpu.memref_squeeze %dma_start3A_106 : memref<1x128xi32, #tpu.memory_space<vmem>> -> memref<128xi32, #tpu.memory_space<vmem>>
      %dma_start3A_108 = arith.constant 0 : i32
      %dma_start3A_109 = arith.constant 0 : i32
      %dma_start3A_110 = tpu.memref_slice %arg6[%dma_start3A_108, %dma_start3A_109] : memref<10240x128xf32, #tpu.memory_space<vmem_shared>> -> memref<10240x128xf32, #tpu.memory_space<vmem_shared>>
      tpu.enqueue_indirect_dma source(%arg8 : memref<128x128xf32, #tpu.memory_space<vmem>>) target(%dma_start3A_110 : memref<10240x128xf32, #tpu.memory_space<vmem_shared>>) offsets(%dma_start3A_107 : memref<128xi32, #tpu.memory_space<vmem>>) semaphore(%arg9 : memref<!tpu.dma_semaphore, #tpu.memory_space<semaphore_mem>>) {add = true}
      %dma_start3A_111 = arith.constant 14 : i32
      %dma_start3A_112 = arith.constant 0 : i32
      %dma_start3A_113 = tpu.memref_slice %arg7[%dma_start3A_111, %dma_start3A_112] : memref<16x128xi32, #tpu.memory_space<vmem>> -> memref<1x128xi32, #tpu.memory_space<vmem>>
      %dma_start3A_114 = tpu.memref_squeeze %dma_start3A_113 : memref<1x128xi32, #tpu.memory_space<vmem>> -> memref<128xi32, #tpu.memory_space<vmem>>
      %dma_start3A_115 = arith.constant 0 : i32
      %dma_start3A_116 = arith.constant 0 : i32
      %dma_start3A_117 = tpu.memref_slice %arg6[%dma_start3A_115, %dma_start3A_116] : memref<10240x128xf32, #tpu.memory_space<vmem_shared>> -> memref<10240x128xf32, #tpu.memory_space<vmem_shared>>
      tpu.enqueue_indirect_dma source(%arg8 : memref<128x128xf32, #tpu.memory_space<vmem>>) target(%dma_start3A_117 : memref<10240x128xf32, #tpu.memory_space<vmem_shared>>) offsets(%dma_start3A_114 : memref<128xi32, #tpu.memory_space<vmem>>) semaphore(%arg9 : memref<!tpu.dma_semaphore, #tpu.memory_space<semaphore_mem>>) {add = true}
      %dma_start3A_118 = arith.constant 15 : i32
      %dma_start3A_119 = arith.constant 0 : i32
      %dma_start3A_120 = tpu.memref_slice %arg7[%dma_start3A_118, %dma_start3A_119] : memref<16x128xi32, #tpu.memory_space<vmem>> -> memref<1x128xi32, #tpu.memory_space<vmem>>
      %dma_start3A_121 = tpu.memref_squeeze %dma_start3A_120 : memref<1x128xi32, #tpu.memory_space<vmem>> -> memref<128xi32, #tpu.memory_space<vmem>>
      %dma_start3A_122 = arith.constant 0 : i32
      %dma_start3A_123 = arith.constant 0 : i32
      %dma_start3A_124 = tpu.memref_slice %arg6[%dma_start3A_122, %dma_start3A_123] : memref<10240x128xf32, #tpu.memory_space<vmem_shared>> -> memref<10240x128xf32, #tpu.memory_space<vmem_shared>>
      tpu.enqueue_indirect_dma source(%arg8 : memref<128x128xf32, #tpu.memory_space<vmem>>) target(%dma_start3A_124 : memref<10240x128xf32, #tpu.memory_space<vmem_shared>>) offsets(%dma_start3A_121 : memref<128xi32, #tpu.memory_space<vmem>>) semaphore(%arg9 : memref<!tpu.dma_semaphore, #tpu.memory_space<semaphore_mem>>) {add = true}
      %dma_wait3A = arith.constant 0 : i32
      %dma_wait3A_125 = arith.constant 0 : i32
      %dma_wait3A_126 = tpu.memref_slice %arg7[%dma_wait3A, %dma_wait3A_125] : memref<16x128xi32, #tpu.memory_space<vmem>> -> memref<1x128xi32, #tpu.memory_space<vmem>>
      %dma_wait3A_127 = tpu.memref_squeeze %dma_wait3A_126 : memref<1x128xi32, #tpu.memory_space<vmem>> -> memref<128xi32, #tpu.memory_space<vmem>>
      %dma_wait3A_128 = arith.constant 0 : i32
      %dma_wait3A_129 = arith.constant 0 : i32
      %dma_wait3A_130 = tpu.memref_slice %arg6[%dma_wait3A_128, %dma_wait3A_129] : memref<10240x128xf32, #tpu.memory_space<vmem_shared>> -> memref<10240x128xf32, #tpu.memory_space<vmem_shared>>
      tpu.wait_indirect_dma semaphore(%arg9 : memref<!tpu.dma_semaphore, #tpu.memory_space<semaphore_mem>>) src(%arg8 : memref<128x128xf32, #tpu.memory_space<vmem>>) dst(%dma_wait3A_130 : memref<10240x128xf32, #tpu.memory_space<vmem_shared>>)
      %dma_wait3A_131 = arith.constant 1 : i32
      %dma_wait3A_132 = arith.constant 0 : i32
      %dma_wait3A_133 = tpu.memref_slice %arg7[%dma_wait3A_131, %dma_wait3A_132] : memref<16x128xi32, #tpu.memory_space<vmem>> -> memref<1x128xi32, #tpu.memory_space<vmem>>
      %dma_wait3A_134 = tpu.memref_squeeze %dma_wait3A_133 : memref<1x128xi32, #tpu.memory_space<vmem>> -> memref<128xi32, #tpu.memory_space<vmem>>
      %dma_wait3A_135 = arith.constant 0 : i32
      %dma_wait3A_136 = arith.constant 0 : i32
      %dma_wait3A_137 = tpu.memref_slice %arg6[%dma_wait3A_135, %dma_wait3A_136] : memref<10240x128xf32, #tpu.memory_space<vmem_shared>> -> memref<10240x128xf32, #tpu.memory_space<vmem_shared>>
      tpu.wait_indirect_dma semaphore(%arg9 : memref<!tpu.dma_semaphore, #tpu.memory_space<semaphore_mem>>) src(%arg8 : memref<128x128xf32, #tpu.memory_space<vmem>>) dst(%dma_wait3A_137 : memref<10240x128xf32, #tpu.memory_space<vmem_shared>>)
      %dma_wait3A_138 = arith.constant 2 : i32
      %dma_wait3A_139 = arith.constant 0 : i32
      %dma_wait3A_140 = tpu.memref_slice %arg7[%dma_wait3A_138, %dma_wait3A_139] : memref<16x128xi32, #tpu.memory_space<vmem>> -> memref<1x128xi32, #tpu.memory_space<vmem>>
      %dma_wait3A_141 = tpu.memref_squeeze %dma_wait3A_140 : memref<1x128xi32, #tpu.memory_space<vmem>> -> memref<128xi32, #tpu.memory_space<vmem>>
      %dma_wait3A_142 = arith.constant 0 : i32
      %dma_wait3A_143 = arith.constant 0 : i32
      %dma_wait3A_144 = tpu.memref_slice %arg6[%dma_wait3A_142, %dma_wait3A_143] : memref<10240x128xf32, #tpu.memory_space<vmem_shared>> -> memref<10240x128xf32, #tpu.memory_space<vmem_shared>>
      tpu.wait_indirect_dma semaphore(%arg9 : memref<!tpu.dma_semaphore, #tpu.memory_space<semaphore_mem>>) src(%arg8 : memref<128x128xf32, #tpu.memory_space<vmem>>) dst(%dma_wait3A_144 : memref<10240x128xf32, #tpu.memory_space<vmem_shared>>)
      %dma_wait3A_145 = arith.constant 3 : i32
      %dma_wait3A_146 = arith.constant 0 : i32
      %dma_wait3A_147 = tpu.memref_slice %arg7[%dma_wait3A_145, %dma_wait3A_146] : memref<16x128xi32, #tpu.memory_space<vmem>> -> memref<1x128xi32, #tpu.memory_space<vmem>>
      %dma_wait3A_148 = tpu.memref_squeeze %dma_wait3A_147 : memref<1x128xi32, #tpu.memory_space<vmem>> -> memref<128xi32, #tpu.memory_space<vmem>>
      %dma_wait3A_149 = arith.constant 0 : i32
      %dma_wait3A_150 = arith.constant 0 : i32
      %dma_wait3A_151 = tpu.memref_slice %arg6[%dma_wait3A_149, %dma_wait3A_150] : memref<10240x128xf32, #tpu.memory_space<vmem_shared>> -> memref<10240x128xf32, #tpu.memory_space<vmem_shared>>
      tpu.wait_indirect_dma semaphore(%arg9 : memref<!tpu.dma_semaphore, #tpu.memory_space<semaphore_mem>>) src(%arg8 : memref<128x128xf32, #tpu.memory_space<vmem>>) dst(%dma_wait3A_151 : memref<10240x128xf32, #tpu.memory_space<vmem_shared>>)
      %dma_wait3A_152 = arith.constant 4 : i32
      %dma_wait3A_153 = arith.constant 0 : i32
      %dma_wait3A_154 = tpu.memref_slice %arg7[%dma_wait3A_152, %dma_wait3A_153] : memref<16x128xi32, #tpu.memory_space<vmem>> -> memref<1x128xi32, #tpu.memory_space<vmem>>
      %dma_wait3A_155 = tpu.memref_squeeze %dma_wait3A_154 : memref<1x128xi32, #tpu.memory_space<vmem>> -> memref<128xi32, #tpu.memory_space<vmem>>
      %dma_wait3A_156 = arith.constant 0 : i32
      %dma_wait3A_157 = arith.constant 0 : i32
      %dma_wait3A_158 = tpu.memref_slice %arg6[%dma_wait3A_156, %dma_wait3A_157] : memref<10240x128xf32, #tpu.memory_space<vmem_shared>> -> memref<10240x128xf32, #tpu.memory_space<vmem_shared>>
      tpu.wait_indirect_dma semaphore(%arg9 : memref<!tpu.dma_semaphore, #tpu.memory_space<semaphore_mem>>) src(%arg8 : memref<128x128xf32, #tpu.memory_space<vmem>>) dst(%dma_wait3A_158 : memref<10240x128xf32, #tpu.memory_space<vmem_shared>>)
      %dma_wait3A_159 = arith.constant 5 : i32
      %dma_wait3A_160 = arith.constant 0 : i32
      %dma_wait3A_161 = tpu.memref_slice %arg7[%dma_wait3A_159, %dma_wait3A_160] : memref<16x128xi32, #tpu.memory_space<vmem>> -> memref<1x128xi32, #tpu.memory_space<vmem>>
      %dma_wait3A_162 = tpu.memref_squeeze %dma_wait3A_161 : memref<1x128xi32, #tpu.memory_space<vmem>> -> memref<128xi32, #tpu.memory_space<vmem>>
      %dma_wait3A_163 = arith.constant 0 : i32
      %dma_wait3A_164 = arith.constant 0 : i32
      %dma_wait3A_165 = tpu.memref_slice %arg6[%dma_wait3A_163, %dma_wait3A_164] : memref<10240x128xf32, #tpu.memory_space<vmem_shared>> -> memref<10240x128xf32, #tpu.memory_space<vmem_shared>>
      tpu.wait_indirect_dma semaphore(%arg9 : memref<!tpu.dma_semaphore, #tpu.memory_space<semaphore_mem>>) src(%arg8 : memref<128x128xf32, #tpu.memory_space<vmem>>) dst(%dma_wait3A_165 : memref<10240x128xf32, #tpu.memory_space<vmem_shared>>)
      %dma_wait3A_166 = arith.constant 6 : i32
      %dma_wait3A_167 = arith.constant 0 : i32
      %dma_wait3A_168 = tpu.memref_slice %arg7[%dma_wait3A_166, %dma_wait3A_167] : memref<16x128xi32, #tpu.memory_space<vmem>> -> memref<1x128xi32, #tpu.memory_space<vmem>>
      %dma_wait3A_169 = tpu.memref_squeeze %dma_wait3A_168 : memref<1x128xi32, #tpu.memory_space<vmem>> -> memref<128xi32, #tpu.memory_space<vmem>>
      %dma_wait3A_170 = arith.constant 0 : i32
      %dma_wait3A_171 = arith.constant 0 : i32
      %dma_wait3A_172 = tpu.memref_slice %arg6[%dma_wait3A_170, %dma_wait3A_171] : memref<10240x128xf32, #tpu.memory_space<vmem_shared>> -> memref<10240x128xf32, #tpu.memory_space<vmem_shared>>
      tpu.wait_indirect_dma semaphore(%arg9 : memref<!tpu.dma_semaphore, #tpu.memory_space<semaphore_mem>>) src(%arg8 : memref<128x128xf32, #tpu.memory_space<vmem>>) dst(%dma_wait3A_172 : memref<10240x128xf32, #tpu.memory_space<vmem_shared>>)
      %dma_wait3A_173 = arith.constant 7 : i32
      %dma_wait3A_174 = arith.constant 0 : i32
      %dma_wait3A_175 = tpu.memref_slice %arg7[%dma_wait3A_173, %dma_wait3A_174] : memref<16x128xi32, #tpu.memory_space<vmem>> -> memref<1x128xi32, #tpu.memory_space<vmem>>
      %dma_wait3A_176 = tpu.memref_squeeze %dma_wait3A_175 : memref<1x128xi32, #tpu.memory_space<vmem>> -> memref<128xi32, #tpu.memory_space<vmem>>
      %dma_wait3A_177 = arith.constant 0 : i32
      %dma_wait3A_178 = arith.constant 0 : i32
      %dma_wait3A_179 = tpu.memref_slice %arg6[%dma_wait3A_177, %dma_wait3A_178] : memref<10240x128xf32, #tpu.memory_space<vmem_shared>> -> memref<10240x128xf32, #tpu.memory_space<vmem_shared>>
      tpu.wait_indirect_dma semaphore(%arg9 : memref<!tpu.dma_semaphore, #tpu.memory_space<semaphore_mem>>) src(%arg8 : memref<128x128xf32, #tpu.memory_space<vmem>>) dst(%dma_wait3A_179 : memref<10240x128xf32, #tpu.memory_space<vmem_shared>>)
      %dma_wait3A_180 = arith.constant 8 : i32
      %dma_wait3A_181 = arith.constant 0 : i32
      %dma_wait3A_182 = tpu.memref_slice %arg7[%dma_wait3A_180, %dma_wait3A_181] : memref<16x128xi32, #tpu.memory_space<vmem>> -> memref<1x128xi32, #tpu.memory_space<vmem>>
      %dma_wait3A_183 = tpu.memref_squeeze %dma_wait3A_182 : memref<1x128xi32, #tpu.memory_space<vmem>> -> memref<128xi32, #tpu.memory_space<vmem>>
      %dma_wait3A_184 = arith.constant 0 : i32
      %dma_wait3A_185 = arith.constant 0 : i32
      %dma_wait3A_186 = tpu.memref_slice %arg6[%dma_wait3A_184, %dma_wait3A_185] : memref<10240x128xf32, #tpu.memory_space<vmem_shared>> -> memref<10240x128xf32, #tpu.memory_space<vmem_shared>>
      tpu.wait_indirect_dma semaphore(%arg9 : memref<!tpu.dma_semaphore, #tpu.memory_space<semaphore_mem>>) src(%arg8 : memref<128x128xf32, #tpu.memory_space<vmem>>) dst(%dma_wait3A_186 : memref<10240x128xf32, #tpu.memory_space<vmem_shared>>)
      %dma_wait3A_187 = arith.constant 9 : i32
      %dma_wait3A_188 = arith.constant 0 : i32
      %dma_wait3A_189 = tpu.memref_slice %arg7[%dma_wait3A_187, %dma_wait3A_188] : memref<16x128xi32, #tpu.memory_space<vmem>> -> memref<1x128xi32, #tpu.memory_space<vmem>>
      %dma_wait3A_190 = tpu.memref_squeeze %dma_wait3A_189 : memref<1x128xi32, #tpu.memory_space<vmem>> -> memref<128xi32, #tpu.memory_space<vmem>>
      %dma_wait3A_191 = arith.constant 0 : i32
      %dma_wait3A_192 = arith.constant 0 : i32
      %dma_wait3A_193 = tpu.memref_slice %arg6[%dma_wait3A_191, %dma_wait3A_192] : memref<10240x128xf32, #tpu.memory_space<vmem_shared>> -> memref<10240x128xf32, #tpu.memory_space<vmem_shared>>
      tpu.wait_indirect_dma semaphore(%arg9 : memref<!tpu.dma_semaphore, #tpu.memory_space<semaphore_mem>>) src(%arg8 : memref<128x128xf32, #tpu.memory_space<vmem>>) dst(%dma_wait3A_193 : memref<10240x128xf32, #tpu.memory_space<vmem_shared>>)
      %dma_wait3A_194 = arith.constant 10 : i32
      %dma_wait3A_195 = arith.constant 0 : i32
      %dma_wait3A_196 = tpu.memref_slice %arg7[%dma_wait3A_194, %dma_wait3A_195] : memref<16x128xi32, #tpu.memory_space<vmem>> -> memref<1x128xi32, #tpu.memory_space<vmem>>
      %dma_wait3A_197 = tpu.memref_squeeze %dma_wait3A_196 : memref<1x128xi32, #tpu.memory_space<vmem>> -> memref<128xi32, #tpu.memory_space<vmem>>
      %dma_wait3A_198 = arith.constant 0 : i32
      %dma_wait3A_199 = arith.constant 0 : i32
      %dma_wait3A_200 = tpu.memref_slice %arg6[%dma_wait3A_198, %dma_wait3A_199] : memref<10240x128xf32, #tpu.memory_space<vmem_shared>> -> memref<10240x128xf32, #tpu.memory_space<vmem_shared>>
      tpu.wait_indirect_dma semaphore(%arg9 : memref<!tpu.dma_semaphore, #tpu.memory_space<semaphore_mem>>) src(%arg8 : memref<128x128xf32, #tpu.memory_space<vmem>>) dst(%dma_wait3A_200 : memref<10240x128xf32, #tpu.memory_space<vmem_shared>>)
      %dma_wait3A_201 = arith.constant 11 : i32
      %dma_wait3A_202 = arith.constant 0 : i32
      %dma_wait3A_203 = tpu.memref_slice %arg7[%dma_wait3A_201, %dma_wait3A_202] : memref<16x128xi32, #tpu.memory_space<vmem>> -> memref<1x128xi32, #tpu.memory_space<vmem>>
      %dma_wait3A_204 = tpu.memref_squeeze %dma_wait3A_203 : memref<1x128xi32, #tpu.memory_space<vmem>> -> memref<128xi32, #tpu.memory_space<vmem>>
      %dma_wait3A_205 = arith.constant 0 : i32
      %dma_wait3A_206 = arith.constant 0 : i32
      %dma_wait3A_207 = tpu.memref_slice %arg6[%dma_wait3A_205, %dma_wait3A_206] : memref<10240x128xf32, #tpu.memory_space<vmem_shared>> -> memref<10240x128xf32, #tpu.memory_space<vmem_shared>>
      tpu.wait_indirect_dma semaphore(%arg9 : memref<!tpu.dma_semaphore, #tpu.memory_space<semaphore_mem>>) src(%arg8 : memref<128x128xf32, #tpu.memory_space<vmem>>) dst(%dma_wait3A_207 : memref<10240x128xf32, #tpu.memory_space<vmem_shared>>)
      %dma_wait3A_208 = arith.constant 12 : i32
      %dma_wait3A_209 = arith.constant 0 : i32
      %dma_wait3A_210 = tpu.memref_slice %arg7[%dma_wait3A_208, %dma_wait3A_209] : memref<16x128xi32, #tpu.memory_space<vmem>> -> memref<1x128xi32, #tpu.memory_space<vmem>>
      %dma_wait3A_211 = tpu.memref_squeeze %dma_wait3A_210 : memref<1x128xi32, #tpu.memory_space<vmem>> -> memref<128xi32, #tpu.memory_space<vmem>>
      %dma_wait3A_212 = arith.constant 0 : i32
      %dma_wait3A_213 = arith.constant 0 : i32
      %dma_wait3A_214 = tpu.memref_slice %arg6[%dma_wait3A_212, %dma_wait3A_213] : memref<10240x128xf32, #tpu.memory_space<vmem_shared>> -> memref<10240x128xf32, #tpu.memory_space<vmem_shared>>
      tpu.wait_indirect_dma semaphore(%arg9 : memref<!tpu.dma_semaphore, #tpu.memory_space<semaphore_mem>>) src(%arg8 : memref<128x128xf32, #tpu.memory_space<vmem>>) dst(%dma_wait3A_214 : memref<10240x128xf32, #tpu.memory_space<vmem_shared>>)
      %dma_wait3A_215 = arith.constant 13 : i32
      %dma_wait3A_216 = arith.constant 0 : i32
      %dma_wait3A_217 = tpu.memref_slice %arg7[%dma_wait3A_215, %dma_wait3A_216] : memref<16x128xi32, #tpu.memory_space<vmem>> -> memref<1x128xi32, #tpu.memory_space<vmem>>
      %dma_wait3A_218 = tpu.memref_squeeze %dma_wait3A_217 : memref<1x128xi32, #tpu.memory_space<vmem>> -> memref<128xi32, #tpu.memory_space<vmem>>
      %dma_wait3A_219 = arith.constant 0 : i32
      %dma_wait3A_220 = arith.constant 0 : i32
      %dma_wait3A_221 = tpu.memref_slice %arg6[%dma_wait3A_219, %dma_wait3A_220] : memref<10240x128xf32, #tpu.memory_space<vmem_shared>> -> memref<10240x128xf32, #tpu.memory_space<vmem_shared>>
      tpu.wait_indirect_dma semaphore(%arg9 : memref<!tpu.dma_semaphore, #tpu.memory_space<semaphore_mem>>) src(%arg8 : memref<128x128xf32, #tpu.memory_space<vmem>>) dst(%dma_wait3A_221 : memref<10240x128xf32, #tpu.memory_space<vmem_shared>>)
      %dma_wait3A_222 = arith.constant 14 : i32
      %dma_wait3A_223 = arith.constant 0 : i32
      %dma_wait3A_224 = tpu.memref_slice %arg7[%dma_wait3A_222, %dma_wait3A_223] : memref<16x128xi32, #tpu.memory_space<vmem>> -> memref<1x128xi32, #tpu.memory_space<vmem>>
      %dma_wait3A_225 = tpu.memref_squeeze %dma_wait3A_224 : memref<1x128xi32, #tpu.memory_space<vmem>> -> memref<128xi32, #tpu.memory_space<vmem>>
      %dma_wait3A_226 = arith.constant 0 : i32
      %dma_wait3A_227 = arith.constant 0 : i32
      %dma_wait3A_228 = tpu.memref_slice %arg6[%dma_wait3A_226, %dma_wait3A_227] : memref<10240x128xf32, #tpu.memory_space<vmem_shared>> -> memref<10240x128xf32, #tpu.memory_space<vmem_shared>>
      tpu.wait_indirect_dma semaphore(%arg9 : memref<!tpu.dma_semaphore, #tpu.memory_space<semaphore_mem>>) src(%arg8 : memref<128x128xf32, #tpu.memory_space<vmem>>) dst(%dma_wait3A_228 : memref<10240x128xf32, #tpu.memory_space<vmem_shared>>)
      %dma_wait3A_229 = arith.constant 15 : i32
      %dma_wait3A_230 = arith.constant 0 : i32
      %dma_wait3A_231 = tpu.memref_slice %arg7[%dma_wait3A_229, %dma_wait3A_230] : memref<16x128xi32, #tpu.memory_space<vmem>> -> memref<1x128xi32, #tpu.memory_space<vmem>>
      %dma_wait3A_232 = tpu.memref_squeeze %dma_wait3A_231 : memref<1x128xi32, #tpu.memory_space<vmem>> -> memref<128xi32, #tpu.memory_space<vmem>>
      %dma_wait3A_233 = arith.constant 0 : i32
      %dma_wait3A_234 = arith.constant 0 : i32
      %dma_wait3A_235 = tpu.memref_slice %arg6[%dma_wait3A_233, %dma_wait3A_234] : memref<10240x128xf32, #tpu.memory_space<vmem_shared>> -> memref<10240x128xf32, #tpu.memory_space<vmem_shared>>
      tpu.wait_indirect_dma semaphore(%arg9 : memref<!tpu.dma_semaphore, #tpu.memory_space<semaphore_mem>>) src(%arg8 : memref<128x128xf32, #tpu.memory_space<vmem>>) dst(%dma_wait3A_235 : memref<10240x128xf32, #tpu.memory_space<vmem_shared>>)
    }
    %scan3A_4 = arith.constant 5 : i32
    %barrier3A_5 = arith.constant 0 : index
    tpu.barrier barrier_id(%barrier3A_5)
    "tpu.region"() ({
      %run_scoped3A = tpu.sem_alloc : memref<!tpu.dma_semaphore, #tpu.memory_space<semaphore_mem>>
      %dma_start3A = arith.constant 0 : i32
      %dma_start3A_6 = tpu.memref_slice %arg5[%arg0, %mul3A_0, %dma_start3A] : memref<2x10240x128xf32, #tpu.memory_space<hbm>> -> memref<1x640x128xf32, #tpu.memory_space<hbm>>
      %dma_start3A_7 = tpu.memref_squeeze %dma_start3A_6 : memref<1x640x128xf32, #tpu.memory_space<hbm>> -> memref<640x128xf32, #tpu.memory_space<hbm>>
      %dma_start3A_8 = arith.constant 0 : i32
      %dma_start3A_9 = tpu.memref_slice %arg6[%mul3A_0, %dma_start3A_8] : memref<10240x128xf32, #tpu.memory_space<vmem_shared>> -> memref<640x128xf32, #tpu.memory_space<vmem_shared>>
      tpu.enqueue_dma source(%dma_start3A_9 : memref<640x128xf32, #tpu.memory_space<vmem_shared>>) target(%dma_start3A_7 : memref<640x128xf32, #tpu.memory_space<hbm>>) target_semaphore(%run_scoped3A : memref<!tpu.dma_semaphore, #tpu.memory_space<semaphore_mem>>)
      %dma_wait3A = arith.constant 0 : i32
      %dma_wait3A_10 = tpu.memref_slice %arg5[%arg0, %mul3A_0, %dma_wait3A] : memref<2x10240x128xf32, #tpu.memory_space<hbm>> -> memref<1x640x128xf32, #tpu.memory_space<hbm>>
      %dma_wait3A_11 = tpu.memref_squeeze %dma_wait3A_10 : memref<1x640x128xf32, #tpu.memory_space<hbm>> -> memref<640x128xf32, #tpu.memory_space<hbm>>
      %dma_wait3A_12 = arith.constant 0 : i32
      %dma_wait3A_13 = tpu.memref_slice %arg6[%mul3A_0, %dma_wait3A_12] : memref<10240x128xf32, #tpu.memory_space<vmem_shared>> -> memref<640x128xf32, #tpu.memory_space<vmem_shared>>
      tpu.wait_dma2 semaphore(%run_scoped3A : memref<!tpu.dma_semaphore, #tpu.memory_space<semaphore_mem>>) src(%dma_wait3A_13 : memref<640x128xf32, #tpu.memory_space<vmem_shared>>) dst(%dma_wait3A_11 : memref<640x128xf32, #tpu.memory_space<hbm>>)
      tpu.yield
    }) : () -> ()
    return
  }
}

#map = affine_map<(d0, d1) -> (0, 0)>
#map1 = affine_map<(d0, d1) -> (0, 0, 0)>
module attributes {stable_mosaic.version = 14 : i64} {
  func.func @_agg_body(%arg0: i32, %arg1: i32, %arg2: memref<2560x128xi32, #tpu.memory_space<hbm>>, %arg3: memref<2560x128xi32, #tpu.memory_space<hbm>>, %arg4: memref<10240x128xf32, #tpu.memory_space<hbm>>, %arg5: memref<10240x128xf32, #tpu.memory_space<hbm>>, %arg6: memref<2x10240x128xf32, #tpu.memory_space<hbm>>, %arg7: memref<10240x128xf32, #tpu.memory_space<vmem_shared>>, %arg8: memref<16x128xi32, #tpu.memory_space<vmem>>, %arg9: memref<16x128xi32, #tpu.memory_space<vmem>>, %arg10: memref<128x128xf32, #tpu.memory_space<vmem>>, %arg11: memref<128x128xf32, #tpu.memory_space<vmem>>, %arg12: memref<!tpu.dma_semaphore, #tpu.memory_space<semaphore_mem>>, %arg13: memref<!tpu.dma_semaphore, #tpu.memory_space<semaphore_mem>>) attributes {dimension_semantics = [#tpu.dimension_semantics<core_parallel>, #tpu.dimension_semantics<subcore_parallel>], iteration_bounds = array<i64: 2, 16>, scalar_prefetch = 0 : i64, scratch_operands = 7 : i64, tpu.core_type = #tpu.core_type<sc_vector_subcore>, window_params = [{transform_indices = #map}, {transform_indices = #map}, {transform_indices = #map}, {transform_indices = #map}, {transform_indices = #map1}]} {
    %mul3A = arith.constant 640 : i32
    %mul3A_0 = arith.muli %arg1, %mul3A : i32
    "tpu.region"() ({
      %run_scoped3A = tpu.sem_alloc : memref<!tpu.dma_semaphore, #tpu.memory_space<semaphore_mem>>
      %dma_start3A = arith.constant 0 : i32
      %dma_start3A_6 = tpu.memref_slice %arg7[%mul3A_0, %dma_start3A] : memref<10240x128xf32, #tpu.memory_space<vmem_shared>> -> memref<640x128xf32, #tpu.memory_space<vmem_shared>>
      %dma_start3A_7 = arith.constant 0 : i32
      %dma_start3A_8 = tpu.memref_slice %arg5[%mul3A_0, %dma_start3A_7] : memref<10240x128xf32, #tpu.memory_space<hbm>> -> memref<640x128xf32, #tpu.memory_space<hbm>>
      tpu.enqueue_dma source(%dma_start3A_8 : memref<640x128xf32, #tpu.memory_space<hbm>>) target(%dma_start3A_6 : memref<640x128xf32, #tpu.memory_space<vmem_shared>>) target_semaphore(%run_scoped3A : memref<!tpu.dma_semaphore, #tpu.memory_space<semaphore_mem>>)
      %dma_wait3A = arith.constant 0 : i32
      %dma_wait3A_9 = tpu.memref_slice %arg7[%mul3A_0, %dma_wait3A] : memref<10240x128xf32, #tpu.memory_space<vmem_shared>> -> memref<640x128xf32, #tpu.memory_space<vmem_shared>>
      %dma_wait3A_10 = arith.constant 0 : i32
      %dma_wait3A_11 = tpu.memref_slice %arg5[%mul3A_0, %dma_wait3A_10] : memref<10240x128xf32, #tpu.memory_space<hbm>> -> memref<640x128xf32, #tpu.memory_space<hbm>>
      tpu.wait_dma2 semaphore(%run_scoped3A : memref<!tpu.dma_semaphore, #tpu.memory_space<semaphore_mem>>) src(%dma_wait3A_11 : memref<640x128xf32, #tpu.memory_space<hbm>>) dst(%dma_wait3A_9 : memref<640x128xf32, #tpu.memory_space<vmem_shared>>)
      tpu.yield
    }) : () -> ()
    %barrier3A = arith.constant 0 : index
    tpu.barrier barrier_id(%barrier3A)
    %scan3A = arith.constant 0 : i32
    %scan3A_1 = arith.constant 5 : i32
    %scan3A_2 = arith.addi %scan3A, %scan3A_1 : i32
    %scan3A_3 = arith.constant 1 : i32
    scf.for %scan3A_6 = %scan3A to %scan3A_2 step %scan3A_3  : i32 {
      %mul3A_7 = arith.constant 1280 : i32
      %mul3A_8 = arith.muli %arg0, %mul3A_7 : i32
      %mul3A_9 = arith.constant 80 : i32
      %mul3A_10 = arith.muli %arg1, %mul3A_9 : i32
      %add3A = arith.addi %mul3A_8, %mul3A_10 : i32
      %mul3A_11 = arith.constant 16 : i32
      %mul3A_12 = arith.muli %scan3A_6, %mul3A_11 : i32
      %add3A_13 = arith.addi %add3A, %mul3A_12 : i32
      "tpu.region"() ({
        %run_scoped3A_251 = tpu.sem_alloc : memref<!tpu.dma_semaphore, #tpu.memory_space<semaphore_mem>>
        %dma_start3A_252 = arith.constant 0 : i32
        %dma_start3A_253 = tpu.memref_slice %arg2[%add3A_13, %dma_start3A_252] : memref<2560x128xi32, #tpu.memory_space<hbm>> -> memref<16x128xi32, #tpu.memory_space<hbm>>
        %dma_start3A_254 = arith.constant 0 : i32
        %dma_start3A_255 = tpu.memref_slice %arg2[%add3A_13, %dma_start3A_254] : memref<2560x128xi32, #tpu.memory_space<hbm>> -> memref<16x128xi32, #tpu.memory_space<hbm>>
        tpu.enqueue_dma source(%dma_start3A_255 : memref<16x128xi32, #tpu.memory_space<hbm>>) target(%arg8 : memref<16x128xi32, #tpu.memory_space<vmem>>) target_semaphore(%run_scoped3A_251 : memref<!tpu.dma_semaphore, #tpu.memory_space<semaphore_mem>>)
        %dma_wait3A_256 = arith.constant 0 : i32
        %dma_wait3A_257 = tpu.memref_slice %arg2[%add3A_13, %dma_wait3A_256] : memref<2560x128xi32, #tpu.memory_space<hbm>> -> memref<16x128xi32, #tpu.memory_space<hbm>>
        %dma_wait3A_258 = arith.constant 0 : i32
        %dma_wait3A_259 = tpu.memref_slice %arg2[%add3A_13, %dma_wait3A_258] : memref<2560x128xi32, #tpu.memory_space<hbm>> -> memref<16x128xi32, #tpu.memory_space<hbm>>
        tpu.wait_dma2 semaphore(%run_scoped3A_251 : memref<!tpu.dma_semaphore, #tpu.memory_space<semaphore_mem>>) src(%dma_wait3A_259 : memref<16x128xi32, #tpu.memory_space<hbm>>) dst(%arg8 : memref<16x128xi32, #tpu.memory_space<vmem>>)
        tpu.yield
      }) : () -> ()
      "tpu.region"() ({
        %run_scoped3A_251 = tpu.sem_alloc : memref<!tpu.dma_semaphore, #tpu.memory_space<semaphore_mem>>
        %dma_start3A_252 = arith.constant 0 : i32
        %dma_start3A_253 = tpu.memref_slice %arg3[%add3A_13, %dma_start3A_252] : memref<2560x128xi32, #tpu.memory_space<hbm>> -> memref<16x128xi32, #tpu.memory_space<hbm>>
        %dma_start3A_254 = arith.constant 0 : i32
        %dma_start3A_255 = tpu.memref_slice %arg3[%add3A_13, %dma_start3A_254] : memref<2560x128xi32, #tpu.memory_space<hbm>> -> memref<16x128xi32, #tpu.memory_space<hbm>>
        tpu.enqueue_dma source(%dma_start3A_255 : memref<16x128xi32, #tpu.memory_space<hbm>>) target(%arg9 : memref<16x128xi32, #tpu.memory_space<vmem>>) target_semaphore(%run_scoped3A_251 : memref<!tpu.dma_semaphore, #tpu.memory_space<semaphore_mem>>)
        %dma_wait3A_256 = arith.constant 0 : i32
        %dma_wait3A_257 = tpu.memref_slice %arg3[%add3A_13, %dma_wait3A_256] : memref<2560x128xi32, #tpu.memory_space<hbm>> -> memref<16x128xi32, #tpu.memory_space<hbm>>
        %dma_wait3A_258 = arith.constant 0 : i32
        %dma_wait3A_259 = tpu.memref_slice %arg3[%add3A_13, %dma_wait3A_258] : memref<2560x128xi32, #tpu.memory_space<hbm>> -> memref<16x128xi32, #tpu.memory_space<hbm>>
        tpu.wait_dma2 semaphore(%run_scoped3A_251 : memref<!tpu.dma_semaphore, #tpu.memory_space<semaphore_mem>>) src(%dma_wait3A_259 : memref<16x128xi32, #tpu.memory_space<hbm>>) dst(%arg9 : memref<16x128xi32, #tpu.memory_space<vmem>>)
        tpu.yield
      }) : () -> ()
      %dma_start3A = arith.constant 0 : i32
      %dma_start3A_14 = arith.constant 0 : i32
      %dma_start3A_15 = tpu.memref_slice %arg8[%dma_start3A, %dma_start3A_14] : memref<16x128xi32, #tpu.memory_space<vmem>> -> memref<1x128xi32, #tpu.memory_space<vmem>>
      %dma_start3A_16 = tpu.memref_squeeze %dma_start3A_15 : memref<1x128xi32, #tpu.memory_space<vmem>> -> memref<128xi32, #tpu.memory_space<vmem>>
      %dma_start3A_17 = arith.constant 0 : i32
      %dma_start3A_18 = arith.constant 0 : i32
      %dma_start3A_19 = tpu.memref_slice %arg4[%dma_start3A_17, %dma_start3A_18] : memref<10240x128xf32, #tpu.memory_space<hbm>> -> memref<10240x128xf32, #tpu.memory_space<hbm>>
      tpu.enqueue_indirect_dma source(%dma_start3A_19 : memref<10240x128xf32, #tpu.memory_space<hbm>>) target(%arg10 : memref<128x128xf32, #tpu.memory_space<vmem>>) offsets(%dma_start3A_16 : memref<128xi32, #tpu.memory_space<vmem>>) semaphore(%arg12 : memref<!tpu.dma_semaphore, #tpu.memory_space<semaphore_mem>>)
      %dma_start3A_20 = arith.constant 1 : i32
      %dma_start3A_21 = arith.constant 0 : i32
      %dma_start3A_22 = tpu.memref_slice %arg8[%dma_start3A_20, %dma_start3A_21] : memref<16x128xi32, #tpu.memory_space<vmem>> -> memref<1x128xi32, #tpu.memory_space<vmem>>
      %dma_start3A_23 = tpu.memref_squeeze %dma_start3A_22 : memref<1x128xi32, #tpu.memory_space<vmem>> -> memref<128xi32, #tpu.memory_space<vmem>>
      %dma_start3A_24 = arith.constant 0 : i32
      %dma_start3A_25 = arith.constant 0 : i32
      %dma_start3A_26 = tpu.memref_slice %arg4[%dma_start3A_24, %dma_start3A_25] : memref<10240x128xf32, #tpu.memory_space<hbm>> -> memref<10240x128xf32, #tpu.memory_space<hbm>>
      tpu.enqueue_indirect_dma source(%dma_start3A_26 : memref<10240x128xf32, #tpu.memory_space<hbm>>) target(%arg11 : memref<128x128xf32, #tpu.memory_space<vmem>>) offsets(%dma_start3A_23 : memref<128xi32, #tpu.memory_space<vmem>>) semaphore(%arg13 : memref<!tpu.dma_semaphore, #tpu.memory_space<semaphore_mem>>)
      %dma_wait3A = arith.constant 0 : i32
      %dma_wait3A_27 = arith.constant 0 : i32
      %dma_wait3A_28 = tpu.memref_slice %arg8[%dma_wait3A, %dma_wait3A_27] : memref<16x128xi32, #tpu.memory_space<vmem>> -> memref<1x128xi32, #tpu.memory_space<vmem>>
      %dma_wait3A_29 = tpu.memref_squeeze %dma_wait3A_28 : memref<1x128xi32, #tpu.memory_space<vmem>> -> memref<128xi32, #tpu.memory_space<vmem>>
      %dma_wait3A_30 = arith.constant 0 : i32
      %dma_wait3A_31 = arith.constant 0 : i32
      %dma_wait3A_32 = tpu.memref_slice %arg4[%dma_wait3A_30, %dma_wait3A_31] : memref<10240x128xf32, #tpu.memory_space<hbm>> -> memref<10240x128xf32, #tpu.memory_space<hbm>>
      tpu.wait_indirect_dma semaphore(%arg12 : memref<!tpu.dma_semaphore, #tpu.memory_space<semaphore_mem>>) src(%dma_wait3A_32 : memref<10240x128xf32, #tpu.memory_space<hbm>>) dst(%arg10 : memref<128x128xf32, #tpu.memory_space<vmem>>)
      %run_scoped3A = arith.constant 0 : i32
      "tpu.region"() ({
        %run_scoped3A_251 = tpu.sem_alloc : memref<!tpu.dma_semaphore, #tpu.memory_space<semaphore_mem>>
        %dma_start3A_252 = arith.constant 0 : i32
        %dma_start3A_253 = tpu.memref_slice %arg9[%run_scoped3A, %dma_start3A_252] : memref<16x128xi32, #tpu.memory_space<vmem>> -> memref<1x128xi32, #tpu.memory_space<vmem>>
        %dma_start3A_254 = tpu.memref_squeeze %dma_start3A_253 : memref<1x128xi32, #tpu.memory_space<vmem>> -> memref<128xi32, #tpu.memory_space<vmem>>
        %dma_start3A_255 = arith.constant 0 : i32
        %dma_start3A_256 = arith.constant 0 : i32
        %dma_start3A_257 = tpu.memref_slice %arg7[%dma_start3A_255, %dma_start3A_256] : memref<10240x128xf32, #tpu.memory_space<vmem_shared>> -> memref<10240x128xf32, #tpu.memory_space<vmem_shared>>
        tpu.enqueue_indirect_dma source(%arg10 : memref<128x128xf32, #tpu.memory_space<vmem>>) target(%dma_start3A_257 : memref<10240x128xf32, #tpu.memory_space<vmem_shared>>) offsets(%dma_start3A_254 : memref<128xi32, #tpu.memory_space<vmem>>) semaphore(%run_scoped3A_251 : memref<!tpu.dma_semaphore, #tpu.memory_space<semaphore_mem>>) {add = true}
        %dma_wait3A_258 = arith.constant 0 : i32
        %dma_wait3A_259 = tpu.memref_slice %arg9[%run_scoped3A, %dma_wait3A_258] : memref<16x128xi32, #tpu.memory_space<vmem>> -> memref<1x128xi32, #tpu.memory_space<vmem>>
        %dma_wait3A_260 = tpu.memref_squeeze %dma_wait3A_259 : memref<1x128xi32, #tpu.memory_space<vmem>> -> memref<128xi32, #tpu.memory_space<vmem>>
        %dma_wait3A_261 = arith.constant 0 : i32
        %dma_wait3A_262 = arith.constant 0 : i32
        %dma_wait3A_263 = tpu.memref_slice %arg7[%dma_wait3A_261, %dma_wait3A_262] : memref<10240x128xf32, #tpu.memory_space<vmem_shared>> -> memref<10240x128xf32, #tpu.memory_space<vmem_shared>>
        tpu.wait_indirect_dma semaphore(%run_scoped3A_251 : memref<!tpu.dma_semaphore, #tpu.memory_space<semaphore_mem>>) src(%arg10 : memref<128x128xf32, #tpu.memory_space<vmem>>) dst(%dma_wait3A_263 : memref<10240x128xf32, #tpu.memory_space<vmem_shared>>)
        tpu.yield
      }) : () -> ()
      %dma_start3A_33 = arith.constant 2 : i32
      %dma_start3A_34 = arith.constant 0 : i32
      %dma_start3A_35 = tpu.memref_slice %arg8[%dma_start3A_33, %dma_start3A_34] : memref<16x128xi32, #tpu.memory_space<vmem>> -> memref<1x128xi32, #tpu.memory_space<vmem>>
      %dma_start3A_36 = tpu.memref_squeeze %dma_start3A_35 : memref<1x128xi32, #tpu.memory_space<vmem>> -> memref<128xi32, #tpu.memory_space<vmem>>
      %dma_start3A_37 = arith.constant 0 : i32
      %dma_start3A_38 = arith.constant 0 : i32
      %dma_start3A_39 = tpu.memref_slice %arg4[%dma_start3A_37, %dma_start3A_38] : memref<10240x128xf32, #tpu.memory_space<hbm>> -> memref<10240x128xf32, #tpu.memory_space<hbm>>
      tpu.enqueue_indirect_dma source(%dma_start3A_39 : memref<10240x128xf32, #tpu.memory_space<hbm>>) target(%arg10 : memref<128x128xf32, #tpu.memory_space<vmem>>) offsets(%dma_start3A_36 : memref<128xi32, #tpu.memory_space<vmem>>) semaphore(%arg12 : memref<!tpu.dma_semaphore, #tpu.memory_space<semaphore_mem>>)
      %dma_wait3A_40 = arith.constant 1 : i32
      %dma_wait3A_41 = arith.constant 0 : i32
      %dma_wait3A_42 = tpu.memref_slice %arg8[%dma_wait3A_40, %dma_wait3A_41] : memref<16x128xi32, #tpu.memory_space<vmem>> -> memref<1x128xi32, #tpu.memory_space<vmem>>
      %dma_wait3A_43 = tpu.memref_squeeze %dma_wait3A_42 : memref<1x128xi32, #tpu.memory_space<vmem>> -> memref<128xi32, #tpu.memory_space<vmem>>
      %dma_wait3A_44 = arith.constant 0 : i32
      %dma_wait3A_45 = arith.constant 0 : i32
      %dma_wait3A_46 = tpu.memref_slice %arg4[%dma_wait3A_44, %dma_wait3A_45] : memref<10240x128xf32, #tpu.memory_space<hbm>> -> memref<10240x128xf32, #tpu.memory_space<hbm>>
      tpu.wait_indirect_dma semaphore(%arg13 : memref<!tpu.dma_semaphore, #tpu.memory_space<semaphore_mem>>) src(%dma_wait3A_46 : memref<10240x128xf32, #tpu.memory_space<hbm>>) dst(%arg11 : memref<128x128xf32, #tpu.memory_space<vmem>>)
      %run_scoped3A_47 = arith.constant 1 : i32
      "tpu.region"() ({
        %run_scoped3A_251 = tpu.sem_alloc : memref<!tpu.dma_semaphore, #tpu.memory_space<semaphore_mem>>
        %dma_start3A_252 = arith.constant 0 : i32
        %dma_start3A_253 = tpu.memref_slice %arg9[%run_scoped3A_47, %dma_start3A_252] : memref<16x128xi32, #tpu.memory_space<vmem>> -> memref<1x128xi32, #tpu.memory_space<vmem>>
        %dma_start3A_254 = tpu.memref_squeeze %dma_start3A_253 : memref<1x128xi32, #tpu.memory_space<vmem>> -> memref<128xi32, #tpu.memory_space<vmem>>
        %dma_start3A_255 = arith.constant 0 : i32
        %dma_start3A_256 = arith.constant 0 : i32
        %dma_start3A_257 = tpu.memref_slice %arg7[%dma_start3A_255, %dma_start3A_256] : memref<10240x128xf32, #tpu.memory_space<vmem_shared>> -> memref<10240x128xf32, #tpu.memory_space<vmem_shared>>
        tpu.enqueue_indirect_dma source(%arg11 : memref<128x128xf32, #tpu.memory_space<vmem>>) target(%dma_start3A_257 : memref<10240x128xf32, #tpu.memory_space<vmem_shared>>) offsets(%dma_start3A_254 : memref<128xi32, #tpu.memory_space<vmem>>) semaphore(%run_scoped3A_251 : memref<!tpu.dma_semaphore, #tpu.memory_space<semaphore_mem>>) {add = true}
        %dma_wait3A_258 = arith.constant 0 : i32
        %dma_wait3A_259 = tpu.memref_slice %arg9[%run_scoped3A_47, %dma_wait3A_258] : memref<16x128xi32, #tpu.memory_space<vmem>> -> memref<1x128xi32, #tpu.memory_space<vmem>>
        %dma_wait3A_260 = tpu.memref_squeeze %dma_wait3A_259 : memref<1x128xi32, #tpu.memory_space<vmem>> -> memref<128xi32, #tpu.memory_space<vmem>>
        %dma_wait3A_261 = arith.constant 0 : i32
        %dma_wait3A_262 = arith.constant 0 : i32
        %dma_wait3A_263 = tpu.memref_slice %arg7[%dma_wait3A_261, %dma_wait3A_262] : memref<10240x128xf32, #tpu.memory_space<vmem_shared>> -> memref<10240x128xf32, #tpu.memory_space<vmem_shared>>
        tpu.wait_indirect_dma semaphore(%run_scoped3A_251 : memref<!tpu.dma_semaphore, #tpu.memory_space<semaphore_mem>>) src(%arg11 : memref<128x128xf32, #tpu.memory_space<vmem>>) dst(%dma_wait3A_263 : memref<10240x128xf32, #tpu.memory_space<vmem_shared>>)
        tpu.yield
      }) : () -> ()
      %dma_start3A_48 = arith.constant 3 : i32
      %dma_start3A_49 = arith.constant 0 : i32
      %dma_start3A_50 = tpu.memref_slice %arg8[%dma_start3A_48, %dma_start3A_49] : memref<16x128xi32, #tpu.memory_space<vmem>> -> memref<1x128xi32, #tpu.memory_space<vmem>>
      %dma_start3A_51 = tpu.memref_squeeze %dma_start3A_50 : memref<1x128xi32, #tpu.memory_space<vmem>> -> memref<128xi32, #tpu.memory_space<vmem>>
      %dma_start3A_52 = arith.constant 0 : i32
      %dma_start3A_53 = arith.constant 0 : i32
      %dma_start3A_54 = tpu.memref_slice %arg4[%dma_start3A_52, %dma_start3A_53] : memref<10240x128xf32, #tpu.memory_space<hbm>> -> memref<10240x128xf32, #tpu.memory_space<hbm>>
      tpu.enqueue_indirect_dma source(%dma_start3A_54 : memref<10240x128xf32, #tpu.memory_space<hbm>>) target(%arg11 : memref<128x128xf32, #tpu.memory_space<vmem>>) offsets(%dma_start3A_51 : memref<128xi32, #tpu.memory_space<vmem>>) semaphore(%arg13 : memref<!tpu.dma_semaphore, #tpu.memory_space<semaphore_mem>>)
      %dma_wait3A_55 = arith.constant 2 : i32
      %dma_wait3A_56 = arith.constant 0 : i32
      %dma_wait3A_57 = tpu.memref_slice %arg8[%dma_wait3A_55, %dma_wait3A_56] : memref<16x128xi32, #tpu.memory_space<vmem>> -> memref<1x128xi32, #tpu.memory_space<vmem>>
      %dma_wait3A_58 = tpu.memref_squeeze %dma_wait3A_57 : memref<1x128xi32, #tpu.memory_space<vmem>> -> memref<128xi32, #tpu.memory_space<vmem>>
      %dma_wait3A_59 = arith.constant 0 : i32
      %dma_wait3A_60 = arith.constant 0 : i32
      %dma_wait3A_61 = tpu.memref_slice %arg4[%dma_wait3A_59, %dma_wait3A_60] : memref<10240x128xf32, #tpu.memory_space<hbm>> -> memref<10240x128xf32, #tpu.memory_space<hbm>>
      tpu.wait_indirect_dma semaphore(%arg12 : memref<!tpu.dma_semaphore, #tpu.memory_space<semaphore_mem>>) src(%dma_wait3A_61 : memref<10240x128xf32, #tpu.memory_space<hbm>>) dst(%arg10 : memref<128x128xf32, #tpu.memory_space<vmem>>)
      %run_scoped3A_62 = arith.constant 2 : i32
      "tpu.region"() ({
        %run_scoped3A_251 = tpu.sem_alloc : memref<!tpu.dma_semaphore, #tpu.memory_space<semaphore_mem>>
        %dma_start3A_252 = arith.constant 0 : i32
        %dma_start3A_253 = tpu.memref_slice %arg9[%run_scoped3A_62, %dma_start3A_252] : memref<16x128xi32, #tpu.memory_space<vmem>> -> memref<1x128xi32, #tpu.memory_space<vmem>>
        %dma_start3A_254 = tpu.memref_squeeze %dma_start3A_253 : memref<1x128xi32, #tpu.memory_space<vmem>> -> memref<128xi32, #tpu.memory_space<vmem>>
        %dma_start3A_255 = arith.constant 0 : i32
        %dma_start3A_256 = arith.constant 0 : i32
        %dma_start3A_257 = tpu.memref_slice %arg7[%dma_start3A_255, %dma_start3A_256] : memref<10240x128xf32, #tpu.memory_space<vmem_shared>> -> memref<10240x128xf32, #tpu.memory_space<vmem_shared>>
        tpu.enqueue_indirect_dma source(%arg10 : memref<128x128xf32, #tpu.memory_space<vmem>>) target(%dma_start3A_257 : memref<10240x128xf32, #tpu.memory_space<vmem_shared>>) offsets(%dma_start3A_254 : memref<128xi32, #tpu.memory_space<vmem>>) semaphore(%run_scoped3A_251 : memref<!tpu.dma_semaphore, #tpu.memory_space<semaphore_mem>>) {add = true}
        %dma_wait3A_258 = arith.constant 0 : i32
        %dma_wait3A_259 = tpu.memref_slice %arg9[%run_scoped3A_62, %dma_wait3A_258] : memref<16x128xi32, #tpu.memory_space<vmem>> -> memref<1x128xi32, #tpu.memory_space<vmem>>
        %dma_wait3A_260 = tpu.memref_squeeze %dma_wait3A_259 : memref<1x128xi32, #tpu.memory_space<vmem>> -> memref<128xi32, #tpu.memory_space<vmem>>
        %dma_wait3A_261 = arith.constant 0 : i32
        %dma_wait3A_262 = arith.constant 0 : i32
        %dma_wait3A_263 = tpu.memref_slice %arg7[%dma_wait3A_261, %dma_wait3A_262] : memref<10240x128xf32, #tpu.memory_space<vmem_shared>> -> memref<10240x128xf32, #tpu.memory_space<vmem_shared>>
        tpu.wait_indirect_dma semaphore(%run_scoped3A_251 : memref<!tpu.dma_semaphore, #tpu.memory_space<semaphore_mem>>) src(%arg10 : memref<128x128xf32, #tpu.memory_space<vmem>>) dst(%dma_wait3A_263 : memref<10240x128xf32, #tpu.memory_space<vmem_shared>>)
        tpu.yield
      }) : () -> ()
      %dma_start3A_63 = arith.constant 4 : i32
      %dma_start3A_64 = arith.constant 0 : i32
      %dma_start3A_65 = tpu.memref_slice %arg8[%dma_start3A_63, %dma_start3A_64] : memref<16x128xi32, #tpu.memory_space<vmem>> -> memref<1x128xi32, #tpu.memory_space<vmem>>
      %dma_start3A_66 = tpu.memref_squeeze %dma_start3A_65 : memref<1x128xi32, #tpu.memory_space<vmem>> -> memref<128xi32, #tpu.memory_space<vmem>>
      %dma_start3A_67 = arith.constant 0 : i32
      %dma_start3A_68 = arith.constant 0 : i32
      %dma_start3A_69 = tpu.memref_slice %arg4[%dma_start3A_67, %dma_start3A_68] : memref<10240x128xf32, #tpu.memory_space<hbm>> -> memref<10240x128xf32, #tpu.memory_space<hbm>>
      tpu.enqueue_indirect_dma source(%dma_start3A_69 : memref<10240x128xf32, #tpu.memory_space<hbm>>) target(%arg10 : memref<128x128xf32, #tpu.memory_space<vmem>>) offsets(%dma_start3A_66 : memref<128xi32, #tpu.memory_space<vmem>>) semaphore(%arg12 : memref<!tpu.dma_semaphore, #tpu.memory_space<semaphore_mem>>)
      %dma_wait3A_70 = arith.constant 3 : i32
      %dma_wait3A_71 = arith.constant 0 : i32
      %dma_wait3A_72 = tpu.memref_slice %arg8[%dma_wait3A_70, %dma_wait3A_71] : memref<16x128xi32, #tpu.memory_space<vmem>> -> memref<1x128xi32, #tpu.memory_space<vmem>>
      %dma_wait3A_73 = tpu.memref_squeeze %dma_wait3A_72 : memref<1x128xi32, #tpu.memory_space<vmem>> -> memref<128xi32, #tpu.memory_space<vmem>>
      %dma_wait3A_74 = arith.constant 0 : i32
      %dma_wait3A_75 = arith.constant 0 : i32
      %dma_wait3A_76 = tpu.memref_slice %arg4[%dma_wait3A_74, %dma_wait3A_75] : memref<10240x128xf32, #tpu.memory_space<hbm>> -> memref<10240x128xf32, #tpu.memory_space<hbm>>
      tpu.wait_indirect_dma semaphore(%arg13 : memref<!tpu.dma_semaphore, #tpu.memory_space<semaphore_mem>>) src(%dma_wait3A_76 : memref<10240x128xf32, #tpu.memory_space<hbm>>) dst(%arg11 : memref<128x128xf32, #tpu.memory_space<vmem>>)
      %run_scoped3A_77 = arith.constant 3 : i32
      "tpu.region"() ({
        %run_scoped3A_251 = tpu.sem_alloc : memref<!tpu.dma_semaphore, #tpu.memory_space<semaphore_mem>>
        %dma_start3A_252 = arith.constant 0 : i32
        %dma_start3A_253 = tpu.memref_slice %arg9[%run_scoped3A_77, %dma_start3A_252] : memref<16x128xi32, #tpu.memory_space<vmem>> -> memref<1x128xi32, #tpu.memory_space<vmem>>
        %dma_start3A_254 = tpu.memref_squeeze %dma_start3A_253 : memref<1x128xi32, #tpu.memory_space<vmem>> -> memref<128xi32, #tpu.memory_space<vmem>>
        %dma_start3A_255 = arith.constant 0 : i32
        %dma_start3A_256 = arith.constant 0 : i32
        %dma_start3A_257 = tpu.memref_slice %arg7[%dma_start3A_255, %dma_start3A_256] : memref<10240x128xf32, #tpu.memory_space<vmem_shared>> -> memref<10240x128xf32, #tpu.memory_space<vmem_shared>>
        tpu.enqueue_indirect_dma source(%arg11 : memref<128x128xf32, #tpu.memory_space<vmem>>) target(%dma_start3A_257 : memref<10240x128xf32, #tpu.memory_space<vmem_shared>>) offsets(%dma_start3A_254 : memref<128xi32, #tpu.memory_space<vmem>>) semaphore(%run_scoped3A_251 : memref<!tpu.dma_semaphore, #tpu.memory_space<semaphore_mem>>) {add = true}
        %dma_wait3A_258 = arith.constant 0 : i32
        %dma_wait3A_259 = tpu.memref_slice %arg9[%run_scoped3A_77, %dma_wait3A_258] : memref<16x128xi32, #tpu.memory_space<vmem>> -> memref<1x128xi32, #tpu.memory_space<vmem>>
        %dma_wait3A_260 = tpu.memref_squeeze %dma_wait3A_259 : memref<1x128xi32, #tpu.memory_space<vmem>> -> memref<128xi32, #tpu.memory_space<vmem>>
        %dma_wait3A_261 = arith.constant 0 : i32
        %dma_wait3A_262 = arith.constant 0 : i32
        %dma_wait3A_263 = tpu.memref_slice %arg7[%dma_wait3A_261, %dma_wait3A_262] : memref<10240x128xf32, #tpu.memory_space<vmem_shared>> -> memref<10240x128xf32, #tpu.memory_space<vmem_shared>>
        tpu.wait_indirect_dma semaphore(%run_scoped3A_251 : memref<!tpu.dma_semaphore, #tpu.memory_space<semaphore_mem>>) src(%arg11 : memref<128x128xf32, #tpu.memory_space<vmem>>) dst(%dma_wait3A_263 : memref<10240x128xf32, #tpu.memory_space<vmem_shared>>)
        tpu.yield
      }) : () -> ()
      %dma_start3A_78 = arith.constant 5 : i32
      %dma_start3A_79 = arith.constant 0 : i32
      %dma_start3A_80 = tpu.memref_slice %arg8[%dma_start3A_78, %dma_start3A_79] : memref<16x128xi32, #tpu.memory_space<vmem>> -> memref<1x128xi32, #tpu.memory_space<vmem>>
      %dma_start3A_81 = tpu.memref_squeeze %dma_start3A_80 : memref<1x128xi32, #tpu.memory_space<vmem>> -> memref<128xi32, #tpu.memory_space<vmem>>
      %dma_start3A_82 = arith.constant 0 : i32
      %dma_start3A_83 = arith.constant 0 : i32
      %dma_start3A_84 = tpu.memref_slice %arg4[%dma_start3A_82, %dma_start3A_83] : memref<10240x128xf32, #tpu.memory_space<hbm>> -> memref<10240x128xf32, #tpu.memory_space<hbm>>
      tpu.enqueue_indirect_dma source(%dma_start3A_84 : memref<10240x128xf32, #tpu.memory_space<hbm>>) target(%arg11 : memref<128x128xf32, #tpu.memory_space<vmem>>) offsets(%dma_start3A_81 : memref<128xi32, #tpu.memory_space<vmem>>) semaphore(%arg13 : memref<!tpu.dma_semaphore, #tpu.memory_space<semaphore_mem>>)
      %dma_wait3A_85 = arith.constant 4 : i32
      %dma_wait3A_86 = arith.constant 0 : i32
      %dma_wait3A_87 = tpu.memref_slice %arg8[%dma_wait3A_85, %dma_wait3A_86] : memref<16x128xi32, #tpu.memory_space<vmem>> -> memref<1x128xi32, #tpu.memory_space<vmem>>
      %dma_wait3A_88 = tpu.memref_squeeze %dma_wait3A_87 : memref<1x128xi32, #tpu.memory_space<vmem>> -> memref<128xi32, #tpu.memory_space<vmem>>
      %dma_wait3A_89 = arith.constant 0 : i32
      %dma_wait3A_90 = arith.constant 0 : i32
      %dma_wait3A_91 = tpu.memref_slice %arg4[%dma_wait3A_89, %dma_wait3A_90] : memref<10240x128xf32, #tpu.memory_space<hbm>> -> memref<10240x128xf32, #tpu.memory_space<hbm>>
      tpu.wait_indirect_dma semaphore(%arg12 : memref<!tpu.dma_semaphore, #tpu.memory_space<semaphore_mem>>) src(%dma_wait3A_91 : memref<10240x128xf32, #tpu.memory_space<hbm>>) dst(%arg10 : memref<128x128xf32, #tpu.memory_space<vmem>>)
      %run_scoped3A_92 = arith.constant 4 : i32
      "tpu.region"() ({
        %run_scoped3A_251 = tpu.sem_alloc : memref<!tpu.dma_semaphore, #tpu.memory_space<semaphore_mem>>
        %dma_start3A_252 = arith.constant 0 : i32
        %dma_start3A_253 = tpu.memref_slice %arg9[%run_scoped3A_92, %dma_start3A_252] : memref<16x128xi32, #tpu.memory_space<vmem>> -> memref<1x128xi32, #tpu.memory_space<vmem>>
        %dma_start3A_254 = tpu.memref_squeeze %dma_start3A_253 : memref<1x128xi32, #tpu.memory_space<vmem>> -> memref<128xi32, #tpu.memory_space<vmem>>
        %dma_start3A_255 = arith.constant 0 : i32
        %dma_start3A_256 = arith.constant 0 : i32
        %dma_start3A_257 = tpu.memref_slice %arg7[%dma_start3A_255, %dma_start3A_256] : memref<10240x128xf32, #tpu.memory_space<vmem_shared>> -> memref<10240x128xf32, #tpu.memory_space<vmem_shared>>
        tpu.enqueue_indirect_dma source(%arg10 : memref<128x128xf32, #tpu.memory_space<vmem>>) target(%dma_start3A_257 : memref<10240x128xf32, #tpu.memory_space<vmem_shared>>) offsets(%dma_start3A_254 : memref<128xi32, #tpu.memory_space<vmem>>) semaphore(%run_scoped3A_251 : memref<!tpu.dma_semaphore, #tpu.memory_space<semaphore_mem>>) {add = true}
        %dma_wait3A_258 = arith.constant 0 : i32
        %dma_wait3A_259 = tpu.memref_slice %arg9[%run_scoped3A_92, %dma_wait3A_258] : memref<16x128xi32, #tpu.memory_space<vmem>> -> memref<1x128xi32, #tpu.memory_space<vmem>>
        %dma_wait3A_260 = tpu.memref_squeeze %dma_wait3A_259 : memref<1x128xi32, #tpu.memory_space<vmem>> -> memref<128xi32, #tpu.memory_space<vmem>>
        %dma_wait3A_261 = arith.constant 0 : i32
        %dma_wait3A_262 = arith.constant 0 : i32
        %dma_wait3A_263 = tpu.memref_slice %arg7[%dma_wait3A_261, %dma_wait3A_262] : memref<10240x128xf32, #tpu.memory_space<vmem_shared>> -> memref<10240x128xf32, #tpu.memory_space<vmem_shared>>
        tpu.wait_indirect_dma semaphore(%run_scoped3A_251 : memref<!tpu.dma_semaphore, #tpu.memory_space<semaphore_mem>>) src(%arg10 : memref<128x128xf32, #tpu.memory_space<vmem>>) dst(%dma_wait3A_263 : memref<10240x128xf32, #tpu.memory_space<vmem_shared>>)
        tpu.yield
      }) : () -> ()
      %dma_start3A_93 = arith.constant 6 : i32
      %dma_start3A_94 = arith.constant 0 : i32
      %dma_start3A_95 = tpu.memref_slice %arg8[%dma_start3A_93, %dma_start3A_94] : memref<16x128xi32, #tpu.memory_space<vmem>> -> memref<1x128xi32, #tpu.memory_space<vmem>>
      %dma_start3A_96 = tpu.memref_squeeze %dma_start3A_95 : memref<1x128xi32, #tpu.memory_space<vmem>> -> memref<128xi32, #tpu.memory_space<vmem>>
      %dma_start3A_97 = arith.constant 0 : i32
      %dma_start3A_98 = arith.constant 0 : i32
      %dma_start3A_99 = tpu.memref_slice %arg4[%dma_start3A_97, %dma_start3A_98] : memref<10240x128xf32, #tpu.memory_space<hbm>> -> memref<10240x128xf32, #tpu.memory_space<hbm>>
      tpu.enqueue_indirect_dma source(%dma_start3A_99 : memref<10240x128xf32, #tpu.memory_space<hbm>>) target(%arg10 : memref<128x128xf32, #tpu.memory_space<vmem>>) offsets(%dma_start3A_96 : memref<128xi32, #tpu.memory_space<vmem>>) semaphore(%arg12 : memref<!tpu.dma_semaphore, #tpu.memory_space<semaphore_mem>>)
      %dma_wait3A_100 = arith.constant 5 : i32
      %dma_wait3A_101 = arith.constant 0 : i32
      %dma_wait3A_102 = tpu.memref_slice %arg8[%dma_wait3A_100, %dma_wait3A_101] : memref<16x128xi32, #tpu.memory_space<vmem>> -> memref<1x128xi32, #tpu.memory_space<vmem>>
      %dma_wait3A_103 = tpu.memref_squeeze %dma_wait3A_102 : memref<1x128xi32, #tpu.memory_space<vmem>> -> memref<128xi32, #tpu.memory_space<vmem>>
      %dma_wait3A_104 = arith.constant 0 : i32
      %dma_wait3A_105 = arith.constant 0 : i32
      %dma_wait3A_106 = tpu.memref_slice %arg4[%dma_wait3A_104, %dma_wait3A_105] : memref<10240x128xf32, #tpu.memory_space<hbm>> -> memref<10240x128xf32, #tpu.memory_space<hbm>>
      tpu.wait_indirect_dma semaphore(%arg13 : memref<!tpu.dma_semaphore, #tpu.memory_space<semaphore_mem>>) src(%dma_wait3A_106 : memref<10240x128xf32, #tpu.memory_space<hbm>>) dst(%arg11 : memref<128x128xf32, #tpu.memory_space<vmem>>)
      %run_scoped3A_107 = arith.constant 5 : i32
      "tpu.region"() ({
        %run_scoped3A_251 = tpu.sem_alloc : memref<!tpu.dma_semaphore, #tpu.memory_space<semaphore_mem>>
        %dma_start3A_252 = arith.constant 0 : i32
        %dma_start3A_253 = tpu.memref_slice %arg9[%run_scoped3A_107, %dma_start3A_252] : memref<16x128xi32, #tpu.memory_space<vmem>> -> memref<1x128xi32, #tpu.memory_space<vmem>>
        %dma_start3A_254 = tpu.memref_squeeze %dma_start3A_253 : memref<1x128xi32, #tpu.memory_space<vmem>> -> memref<128xi32, #tpu.memory_space<vmem>>
        %dma_start3A_255 = arith.constant 0 : i32
        %dma_start3A_256 = arith.constant 0 : i32
        %dma_start3A_257 = tpu.memref_slice %arg7[%dma_start3A_255, %dma_start3A_256] : memref<10240x128xf32, #tpu.memory_space<vmem_shared>> -> memref<10240x128xf32, #tpu.memory_space<vmem_shared>>
        tpu.enqueue_indirect_dma source(%arg11 : memref<128x128xf32, #tpu.memory_space<vmem>>) target(%dma_start3A_257 : memref<10240x128xf32, #tpu.memory_space<vmem_shared>>) offsets(%dma_start3A_254 : memref<128xi32, #tpu.memory_space<vmem>>) semaphore(%run_scoped3A_251 : memref<!tpu.dma_semaphore, #tpu.memory_space<semaphore_mem>>) {add = true}
        %dma_wait3A_258 = arith.constant 0 : i32
        %dma_wait3A_259 = tpu.memref_slice %arg9[%run_scoped3A_107, %dma_wait3A_258] : memref<16x128xi32, #tpu.memory_space<vmem>> -> memref<1x128xi32, #tpu.memory_space<vmem>>
        %dma_wait3A_260 = tpu.memref_squeeze %dma_wait3A_259 : memref<1x128xi32, #tpu.memory_space<vmem>> -> memref<128xi32, #tpu.memory_space<vmem>>
        %dma_wait3A_261 = arith.constant 0 : i32
        %dma_wait3A_262 = arith.constant 0 : i32
        %dma_wait3A_263 = tpu.memref_slice %arg7[%dma_wait3A_261, %dma_wait3A_262] : memref<10240x128xf32, #tpu.memory_space<vmem_shared>> -> memref<10240x128xf32, #tpu.memory_space<vmem_shared>>
        tpu.wait_indirect_dma semaphore(%run_scoped3A_251 : memref<!tpu.dma_semaphore, #tpu.memory_space<semaphore_mem>>) src(%arg11 : memref<128x128xf32, #tpu.memory_space<vmem>>) dst(%dma_wait3A_263 : memref<10240x128xf32, #tpu.memory_space<vmem_shared>>)
        tpu.yield
      }) : () -> ()
      %dma_start3A_108 = arith.constant 7 : i32
      %dma_start3A_109 = arith.constant 0 : i32
      %dma_start3A_110 = tpu.memref_slice %arg8[%dma_start3A_108, %dma_start3A_109] : memref<16x128xi32, #tpu.memory_space<vmem>> -> memref<1x128xi32, #tpu.memory_space<vmem>>
      %dma_start3A_111 = tpu.memref_squeeze %dma_start3A_110 : memref<1x128xi32, #tpu.memory_space<vmem>> -> memref<128xi32, #tpu.memory_space<vmem>>
      %dma_start3A_112 = arith.constant 0 : i32
      %dma_start3A_113 = arith.constant 0 : i32
      %dma_start3A_114 = tpu.memref_slice %arg4[%dma_start3A_112, %dma_start3A_113] : memref<10240x128xf32, #tpu.memory_space<hbm>> -> memref<10240x128xf32, #tpu.memory_space<hbm>>
      tpu.enqueue_indirect_dma source(%dma_start3A_114 : memref<10240x128xf32, #tpu.memory_space<hbm>>) target(%arg11 : memref<128x128xf32, #tpu.memory_space<vmem>>) offsets(%dma_start3A_111 : memref<128xi32, #tpu.memory_space<vmem>>) semaphore(%arg13 : memref<!tpu.dma_semaphore, #tpu.memory_space<semaphore_mem>>)
      %dma_wait3A_115 = arith.constant 6 : i32
      %dma_wait3A_116 = arith.constant 0 : i32
      %dma_wait3A_117 = tpu.memref_slice %arg8[%dma_wait3A_115, %dma_wait3A_116] : memref<16x128xi32, #tpu.memory_space<vmem>> -> memref<1x128xi32, #tpu.memory_space<vmem>>
      %dma_wait3A_118 = tpu.memref_squeeze %dma_wait3A_117 : memref<1x128xi32, #tpu.memory_space<vmem>> -> memref<128xi32, #tpu.memory_space<vmem>>
      %dma_wait3A_119 = arith.constant 0 : i32
      %dma_wait3A_120 = arith.constant 0 : i32
      %dma_wait3A_121 = tpu.memref_slice %arg4[%dma_wait3A_119, %dma_wait3A_120] : memref<10240x128xf32, #tpu.memory_space<hbm>> -> memref<10240x128xf32, #tpu.memory_space<hbm>>
      tpu.wait_indirect_dma semaphore(%arg12 : memref<!tpu.dma_semaphore, #tpu.memory_space<semaphore_mem>>) src(%dma_wait3A_121 : memref<10240x128xf32, #tpu.memory_space<hbm>>) dst(%arg10 : memref<128x128xf32, #tpu.memory_space<vmem>>)
      %run_scoped3A_122 = arith.constant 6 : i32
      "tpu.region"() ({
        %run_scoped3A_251 = tpu.sem_alloc : memref<!tpu.dma_semaphore, #tpu.memory_space<semaphore_mem>>
        %dma_start3A_252 = arith.constant 0 : i32
        %dma_start3A_253 = tpu.memref_slice %arg9[%run_scoped3A_122, %dma_start3A_252] : memref<16x128xi32, #tpu.memory_space<vmem>> -> memref<1x128xi32, #tpu.memory_space<vmem>>
        %dma_start3A_254 = tpu.memref_squeeze %dma_start3A_253 : memref<1x128xi32, #tpu.memory_space<vmem>> -> memref<128xi32, #tpu.memory_space<vmem>>
        %dma_start3A_255 = arith.constant 0 : i32
        %dma_start3A_256 = arith.constant 0 : i32
        %dma_start3A_257 = tpu.memref_slice %arg7[%dma_start3A_255, %dma_start3A_256] : memref<10240x128xf32, #tpu.memory_space<vmem_shared>> -> memref<10240x128xf32, #tpu.memory_space<vmem_shared>>
        tpu.enqueue_indirect_dma source(%arg10 : memref<128x128xf32, #tpu.memory_space<vmem>>) target(%dma_start3A_257 : memref<10240x128xf32, #tpu.memory_space<vmem_shared>>) offsets(%dma_start3A_254 : memref<128xi32, #tpu.memory_space<vmem>>) semaphore(%run_scoped3A_251 : memref<!tpu.dma_semaphore, #tpu.memory_space<semaphore_mem>>) {add = true}
        %dma_wait3A_258 = arith.constant 0 : i32
        %dma_wait3A_259 = tpu.memref_slice %arg9[%run_scoped3A_122, %dma_wait3A_258] : memref<16x128xi32, #tpu.memory_space<vmem>> -> memref<1x128xi32, #tpu.memory_space<vmem>>
        %dma_wait3A_260 = tpu.memref_squeeze %dma_wait3A_259 : memref<1x128xi32, #tpu.memory_space<vmem>> -> memref<128xi32, #tpu.memory_space<vmem>>
        %dma_wait3A_261 = arith.constant 0 : i32
        %dma_wait3A_262 = arith.constant 0 : i32
        %dma_wait3A_263 = tpu.memref_slice %arg7[%dma_wait3A_261, %dma_wait3A_262] : memref<10240x128xf32, #tpu.memory_space<vmem_shared>> -> memref<10240x128xf32, #tpu.memory_space<vmem_shared>>
        tpu.wait_indirect_dma semaphore(%run_scoped3A_251 : memref<!tpu.dma_semaphore, #tpu.memory_space<semaphore_mem>>) src(%arg10 : memref<128x128xf32, #tpu.memory_space<vmem>>) dst(%dma_wait3A_263 : memref<10240x128xf32, #tpu.memory_space<vmem_shared>>)
        tpu.yield
      }) : () -> ()
      %dma_start3A_123 = arith.constant 8 : i32
      %dma_start3A_124 = arith.constant 0 : i32
      %dma_start3A_125 = tpu.memref_slice %arg8[%dma_start3A_123, %dma_start3A_124] : memref<16x128xi32, #tpu.memory_space<vmem>> -> memref<1x128xi32, #tpu.memory_space<vmem>>
      %dma_start3A_126 = tpu.memref_squeeze %dma_start3A_125 : memref<1x128xi32, #tpu.memory_space<vmem>> -> memref<128xi32, #tpu.memory_space<vmem>>
      %dma_start3A_127 = arith.constant 0 : i32
      %dma_start3A_128 = arith.constant 0 : i32
      %dma_start3A_129 = tpu.memref_slice %arg4[%dma_start3A_127, %dma_start3A_128] : memref<10240x128xf32, #tpu.memory_space<hbm>> -> memref<10240x128xf32, #tpu.memory_space<hbm>>
      tpu.enqueue_indirect_dma source(%dma_start3A_129 : memref<10240x128xf32, #tpu.memory_space<hbm>>) target(%arg10 : memref<128x128xf32, #tpu.memory_space<vmem>>) offsets(%dma_start3A_126 : memref<128xi32, #tpu.memory_space<vmem>>) semaphore(%arg12 : memref<!tpu.dma_semaphore, #tpu.memory_space<semaphore_mem>>)
      %dma_wait3A_130 = arith.constant 7 : i32
      %dma_wait3A_131 = arith.constant 0 : i32
      %dma_wait3A_132 = tpu.memref_slice %arg8[%dma_wait3A_130, %dma_wait3A_131] : memref<16x128xi32, #tpu.memory_space<vmem>> -> memref<1x128xi32, #tpu.memory_space<vmem>>
      %dma_wait3A_133 = tpu.memref_squeeze %dma_wait3A_132 : memref<1x128xi32, #tpu.memory_space<vmem>> -> memref<128xi32, #tpu.memory_space<vmem>>
      %dma_wait3A_134 = arith.constant 0 : i32
      %dma_wait3A_135 = arith.constant 0 : i32
      %dma_wait3A_136 = tpu.memref_slice %arg4[%dma_wait3A_134, %dma_wait3A_135] : memref<10240x128xf32, #tpu.memory_space<hbm>> -> memref<10240x128xf32, #tpu.memory_space<hbm>>
      tpu.wait_indirect_dma semaphore(%arg13 : memref<!tpu.dma_semaphore, #tpu.memory_space<semaphore_mem>>) src(%dma_wait3A_136 : memref<10240x128xf32, #tpu.memory_space<hbm>>) dst(%arg11 : memref<128x128xf32, #tpu.memory_space<vmem>>)
      %run_scoped3A_137 = arith.constant 7 : i32
      "tpu.region"() ({
        %run_scoped3A_251 = tpu.sem_alloc : memref<!tpu.dma_semaphore, #tpu.memory_space<semaphore_mem>>
        %dma_start3A_252 = arith.constant 0 : i32
        %dma_start3A_253 = tpu.memref_slice %arg9[%run_scoped3A_137, %dma_start3A_252] : memref<16x128xi32, #tpu.memory_space<vmem>> -> memref<1x128xi32, #tpu.memory_space<vmem>>
        %dma_start3A_254 = tpu.memref_squeeze %dma_start3A_253 : memref<1x128xi32, #tpu.memory_space<vmem>> -> memref<128xi32, #tpu.memory_space<vmem>>
        %dma_start3A_255 = arith.constant 0 : i32
        %dma_start3A_256 = arith.constant 0 : i32
        %dma_start3A_257 = tpu.memref_slice %arg7[%dma_start3A_255, %dma_start3A_256] : memref<10240x128xf32, #tpu.memory_space<vmem_shared>> -> memref<10240x128xf32, #tpu.memory_space<vmem_shared>>
        tpu.enqueue_indirect_dma source(%arg11 : memref<128x128xf32, #tpu.memory_space<vmem>>) target(%dma_start3A_257 : memref<10240x128xf32, #tpu.memory_space<vmem_shared>>) offsets(%dma_start3A_254 : memref<128xi32, #tpu.memory_space<vmem>>) semaphore(%run_scoped3A_251 : memref<!tpu.dma_semaphore, #tpu.memory_space<semaphore_mem>>) {add = true}
        %dma_wait3A_258 = arith.constant 0 : i32
        %dma_wait3A_259 = tpu.memref_slice %arg9[%run_scoped3A_137, %dma_wait3A_258] : memref<16x128xi32, #tpu.memory_space<vmem>> -> memref<1x128xi32, #tpu.memory_space<vmem>>
        %dma_wait3A_260 = tpu.memref_squeeze %dma_wait3A_259 : memref<1x128xi32, #tpu.memory_space<vmem>> -> memref<128xi32, #tpu.memory_space<vmem>>
        %dma_wait3A_261 = arith.constant 0 : i32
        %dma_wait3A_262 = arith.constant 0 : i32
        %dma_wait3A_263 = tpu.memref_slice %arg7[%dma_wait3A_261, %dma_wait3A_262] : memref<10240x128xf32, #tpu.memory_space<vmem_shared>> -> memref<10240x128xf32, #tpu.memory_space<vmem_shared>>
        tpu.wait_indirect_dma semaphore(%run_scoped3A_251 : memref<!tpu.dma_semaphore, #tpu.memory_space<semaphore_mem>>) src(%arg11 : memref<128x128xf32, #tpu.memory_space<vmem>>) dst(%dma_wait3A_263 : memref<10240x128xf32, #tpu.memory_space<vmem_shared>>)
        tpu.yield
      }) : () -> ()
      %dma_start3A_138 = arith.constant 9 : i32
      %dma_start3A_139 = arith.constant 0 : i32
      %dma_start3A_140 = tpu.memref_slice %arg8[%dma_start3A_138, %dma_start3A_139] : memref<16x128xi32, #tpu.memory_space<vmem>> -> memref<1x128xi32, #tpu.memory_space<vmem>>
      %dma_start3A_141 = tpu.memref_squeeze %dma_start3A_140 : memref<1x128xi32, #tpu.memory_space<vmem>> -> memref<128xi32, #tpu.memory_space<vmem>>
      %dma_start3A_142 = arith.constant 0 : i32
      %dma_start3A_143 = arith.constant 0 : i32
      %dma_start3A_144 = tpu.memref_slice %arg4[%dma_start3A_142, %dma_start3A_143] : memref<10240x128xf32, #tpu.memory_space<hbm>> -> memref<10240x128xf32, #tpu.memory_space<hbm>>
      tpu.enqueue_indirect_dma source(%dma_start3A_144 : memref<10240x128xf32, #tpu.memory_space<hbm>>) target(%arg11 : memref<128x128xf32, #tpu.memory_space<vmem>>) offsets(%dma_start3A_141 : memref<128xi32, #tpu.memory_space<vmem>>) semaphore(%arg13 : memref<!tpu.dma_semaphore, #tpu.memory_space<semaphore_mem>>)
      %dma_wait3A_145 = arith.constant 8 : i32
      %dma_wait3A_146 = arith.constant 0 : i32
      %dma_wait3A_147 = tpu.memref_slice %arg8[%dma_wait3A_145, %dma_wait3A_146] : memref<16x128xi32, #tpu.memory_space<vmem>> -> memref<1x128xi32, #tpu.memory_space<vmem>>
      %dma_wait3A_148 = tpu.memref_squeeze %dma_wait3A_147 : memref<1x128xi32, #tpu.memory_space<vmem>> -> memref<128xi32, #tpu.memory_space<vmem>>
      %dma_wait3A_149 = arith.constant 0 : i32
      %dma_wait3A_150 = arith.constant 0 : i32
      %dma_wait3A_151 = tpu.memref_slice %arg4[%dma_wait3A_149, %dma_wait3A_150] : memref<10240x128xf32, #tpu.memory_space<hbm>> -> memref<10240x128xf32, #tpu.memory_space<hbm>>
      tpu.wait_indirect_dma semaphore(%arg12 : memref<!tpu.dma_semaphore, #tpu.memory_space<semaphore_mem>>) src(%dma_wait3A_151 : memref<10240x128xf32, #tpu.memory_space<hbm>>) dst(%arg10 : memref<128x128xf32, #tpu.memory_space<vmem>>)
      %run_scoped3A_152 = arith.constant 8 : i32
      "tpu.region"() ({
        %run_scoped3A_251 = tpu.sem_alloc : memref<!tpu.dma_semaphore, #tpu.memory_space<semaphore_mem>>
        %dma_start3A_252 = arith.constant 0 : i32
        %dma_start3A_253 = tpu.memref_slice %arg9[%run_scoped3A_152, %dma_start3A_252] : memref<16x128xi32, #tpu.memory_space<vmem>> -> memref<1x128xi32, #tpu.memory_space<vmem>>
        %dma_start3A_254 = tpu.memref_squeeze %dma_start3A_253 : memref<1x128xi32, #tpu.memory_space<vmem>> -> memref<128xi32, #tpu.memory_space<vmem>>
        %dma_start3A_255 = arith.constant 0 : i32
        %dma_start3A_256 = arith.constant 0 : i32
        %dma_start3A_257 = tpu.memref_slice %arg7[%dma_start3A_255, %dma_start3A_256] : memref<10240x128xf32, #tpu.memory_space<vmem_shared>> -> memref<10240x128xf32, #tpu.memory_space<vmem_shared>>
        tpu.enqueue_indirect_dma source(%arg10 : memref<128x128xf32, #tpu.memory_space<vmem>>) target(%dma_start3A_257 : memref<10240x128xf32, #tpu.memory_space<vmem_shared>>) offsets(%dma_start3A_254 : memref<128xi32, #tpu.memory_space<vmem>>) semaphore(%run_scoped3A_251 : memref<!tpu.dma_semaphore, #tpu.memory_space<semaphore_mem>>) {add = true}
        %dma_wait3A_258 = arith.constant 0 : i32
        %dma_wait3A_259 = tpu.memref_slice %arg9[%run_scoped3A_152, %dma_wait3A_258] : memref<16x128xi32, #tpu.memory_space<vmem>> -> memref<1x128xi32, #tpu.memory_space<vmem>>
        %dma_wait3A_260 = tpu.memref_squeeze %dma_wait3A_259 : memref<1x128xi32, #tpu.memory_space<vmem>> -> memref<128xi32, #tpu.memory_space<vmem>>
        %dma_wait3A_261 = arith.constant 0 : i32
        %dma_wait3A_262 = arith.constant 0 : i32
        %dma_wait3A_263 = tpu.memref_slice %arg7[%dma_wait3A_261, %dma_wait3A_262] : memref<10240x128xf32, #tpu.memory_space<vmem_shared>> -> memref<10240x128xf32, #tpu.memory_space<vmem_shared>>
        tpu.wait_indirect_dma semaphore(%run_scoped3A_251 : memref<!tpu.dma_semaphore, #tpu.memory_space<semaphore_mem>>) src(%arg10 : memref<128x128xf32, #tpu.memory_space<vmem>>) dst(%dma_wait3A_263 : memref<10240x128xf32, #tpu.memory_space<vmem_shared>>)
        tpu.yield
      }) : () -> ()
      %dma_start3A_153 = arith.constant 10 : i32
      %dma_start3A_154 = arith.constant 0 : i32
      %dma_start3A_155 = tpu.memref_slice %arg8[%dma_start3A_153, %dma_start3A_154] : memref<16x128xi32, #tpu.memory_space<vmem>> -> memref<1x128xi32, #tpu.memory_space<vmem>>
      %dma_start3A_156 = tpu.memref_squeeze %dma_start3A_155 : memref<1x128xi32, #tpu.memory_space<vmem>> -> memref<128xi32, #tpu.memory_space<vmem>>
      %dma_start3A_157 = arith.constant 0 : i32
      %dma_start3A_158 = arith.constant 0 : i32
      %dma_start3A_159 = tpu.memref_slice %arg4[%dma_start3A_157, %dma_start3A_158] : memref<10240x128xf32, #tpu.memory_space<hbm>> -> memref<10240x128xf32, #tpu.memory_space<hbm>>
      tpu.enqueue_indirect_dma source(%dma_start3A_159 : memref<10240x128xf32, #tpu.memory_space<hbm>>) target(%arg10 : memref<128x128xf32, #tpu.memory_space<vmem>>) offsets(%dma_start3A_156 : memref<128xi32, #tpu.memory_space<vmem>>) semaphore(%arg12 : memref<!tpu.dma_semaphore, #tpu.memory_space<semaphore_mem>>)
      %dma_wait3A_160 = arith.constant 9 : i32
      %dma_wait3A_161 = arith.constant 0 : i32
      %dma_wait3A_162 = tpu.memref_slice %arg8[%dma_wait3A_160, %dma_wait3A_161] : memref<16x128xi32, #tpu.memory_space<vmem>> -> memref<1x128xi32, #tpu.memory_space<vmem>>
      %dma_wait3A_163 = tpu.memref_squeeze %dma_wait3A_162 : memref<1x128xi32, #tpu.memory_space<vmem>> -> memref<128xi32, #tpu.memory_space<vmem>>
      %dma_wait3A_164 = arith.constant 0 : i32
      %dma_wait3A_165 = arith.constant 0 : i32
      %dma_wait3A_166 = tpu.memref_slice %arg4[%dma_wait3A_164, %dma_wait3A_165] : memref<10240x128xf32, #tpu.memory_space<hbm>> -> memref<10240x128xf32, #tpu.memory_space<hbm>>
      tpu.wait_indirect_dma semaphore(%arg13 : memref<!tpu.dma_semaphore, #tpu.memory_space<semaphore_mem>>) src(%dma_wait3A_166 : memref<10240x128xf32, #tpu.memory_space<hbm>>) dst(%arg11 : memref<128x128xf32, #tpu.memory_space<vmem>>)
      %run_scoped3A_167 = arith.constant 9 : i32
      "tpu.region"() ({
        %run_scoped3A_251 = tpu.sem_alloc : memref<!tpu.dma_semaphore, #tpu.memory_space<semaphore_mem>>
        %dma_start3A_252 = arith.constant 0 : i32
        %dma_start3A_253 = tpu.memref_slice %arg9[%run_scoped3A_167, %dma_start3A_252] : memref<16x128xi32, #tpu.memory_space<vmem>> -> memref<1x128xi32, #tpu.memory_space<vmem>>
        %dma_start3A_254 = tpu.memref_squeeze %dma_start3A_253 : memref<1x128xi32, #tpu.memory_space<vmem>> -> memref<128xi32, #tpu.memory_space<vmem>>
        %dma_start3A_255 = arith.constant 0 : i32
        %dma_start3A_256 = arith.constant 0 : i32
        %dma_start3A_257 = tpu.memref_slice %arg7[%dma_start3A_255, %dma_start3A_256] : memref<10240x128xf32, #tpu.memory_space<vmem_shared>> -> memref<10240x128xf32, #tpu.memory_space<vmem_shared>>
        tpu.enqueue_indirect_dma source(%arg11 : memref<128x128xf32, #tpu.memory_space<vmem>>) target(%dma_start3A_257 : memref<10240x128xf32, #tpu.memory_space<vmem_shared>>) offsets(%dma_start3A_254 : memref<128xi32, #tpu.memory_space<vmem>>) semaphore(%run_scoped3A_251 : memref<!tpu.dma_semaphore, #tpu.memory_space<semaphore_mem>>) {add = true}
        %dma_wait3A_258 = arith.constant 0 : i32
        %dma_wait3A_259 = tpu.memref_slice %arg9[%run_scoped3A_167, %dma_wait3A_258] : memref<16x128xi32, #tpu.memory_space<vmem>> -> memref<1x128xi32, #tpu.memory_space<vmem>>
        %dma_wait3A_260 = tpu.memref_squeeze %dma_wait3A_259 : memref<1x128xi32, #tpu.memory_space<vmem>> -> memref<128xi32, #tpu.memory_space<vmem>>
        %dma_wait3A_261 = arith.constant 0 : i32
        %dma_wait3A_262 = arith.constant 0 : i32
        %dma_wait3A_263 = tpu.memref_slice %arg7[%dma_wait3A_261, %dma_wait3A_262] : memref<10240x128xf32, #tpu.memory_space<vmem_shared>> -> memref<10240x128xf32, #tpu.memory_space<vmem_shared>>
        tpu.wait_indirect_dma semaphore(%run_scoped3A_251 : memref<!tpu.dma_semaphore, #tpu.memory_space<semaphore_mem>>) src(%arg11 : memref<128x128xf32, #tpu.memory_space<vmem>>) dst(%dma_wait3A_263 : memref<10240x128xf32, #tpu.memory_space<vmem_shared>>)
        tpu.yield
      }) : () -> ()
      %dma_start3A_168 = arith.constant 11 : i32
      %dma_start3A_169 = arith.constant 0 : i32
      %dma_start3A_170 = tpu.memref_slice %arg8[%dma_start3A_168, %dma_start3A_169] : memref<16x128xi32, #tpu.memory_space<vmem>> -> memref<1x128xi32, #tpu.memory_space<vmem>>
      %dma_start3A_171 = tpu.memref_squeeze %dma_start3A_170 : memref<1x128xi32, #tpu.memory_space<vmem>> -> memref<128xi32, #tpu.memory_space<vmem>>
      %dma_start3A_172 = arith.constant 0 : i32
      %dma_start3A_173 = arith.constant 0 : i32
      %dma_start3A_174 = tpu.memref_slice %arg4[%dma_start3A_172, %dma_start3A_173] : memref<10240x128xf32, #tpu.memory_space<hbm>> -> memref<10240x128xf32, #tpu.memory_space<hbm>>
      tpu.enqueue_indirect_dma source(%dma_start3A_174 : memref<10240x128xf32, #tpu.memory_space<hbm>>) target(%arg11 : memref<128x128xf32, #tpu.memory_space<vmem>>) offsets(%dma_start3A_171 : memref<128xi32, #tpu.memory_space<vmem>>) semaphore(%arg13 : memref<!tpu.dma_semaphore, #tpu.memory_space<semaphore_mem>>)
      %dma_wait3A_175 = arith.constant 10 : i32
      %dma_wait3A_176 = arith.constant 0 : i32
      %dma_wait3A_177 = tpu.memref_slice %arg8[%dma_wait3A_175, %dma_wait3A_176] : memref<16x128xi32, #tpu.memory_space<vmem>> -> memref<1x128xi32, #tpu.memory_space<vmem>>
      %dma_wait3A_178 = tpu.memref_squeeze %dma_wait3A_177 : memref<1x128xi32, #tpu.memory_space<vmem>> -> memref<128xi32, #tpu.memory_space<vmem>>
      %dma_wait3A_179 = arith.constant 0 : i32
      %dma_wait3A_180 = arith.constant 0 : i32
      %dma_wait3A_181 = tpu.memref_slice %arg4[%dma_wait3A_179, %dma_wait3A_180] : memref<10240x128xf32, #tpu.memory_space<hbm>> -> memref<10240x128xf32, #tpu.memory_space<hbm>>
      tpu.wait_indirect_dma semaphore(%arg12 : memref<!tpu.dma_semaphore, #tpu.memory_space<semaphore_mem>>) src(%dma_wait3A_181 : memref<10240x128xf32, #tpu.memory_space<hbm>>) dst(%arg10 : memref<128x128xf32, #tpu.memory_space<vmem>>)
      %run_scoped3A_182 = arith.constant 10 : i32
      "tpu.region"() ({
        %run_scoped3A_251 = tpu.sem_alloc : memref<!tpu.dma_semaphore, #tpu.memory_space<semaphore_mem>>
        %dma_start3A_252 = arith.constant 0 : i32
        %dma_start3A_253 = tpu.memref_slice %arg9[%run_scoped3A_182, %dma_start3A_252] : memref<16x128xi32, #tpu.memory_space<vmem>> -> memref<1x128xi32, #tpu.memory_space<vmem>>
        %dma_start3A_254 = tpu.memref_squeeze %dma_start3A_253 : memref<1x128xi32, #tpu.memory_space<vmem>> -> memref<128xi32, #tpu.memory_space<vmem>>
        %dma_start3A_255 = arith.constant 0 : i32
        %dma_start3A_256 = arith.constant 0 : i32
        %dma_start3A_257 = tpu.memref_slice %arg7[%dma_start3A_255, %dma_start3A_256] : memref<10240x128xf32, #tpu.memory_space<vmem_shared>> -> memref<10240x128xf32, #tpu.memory_space<vmem_shared>>
        tpu.enqueue_indirect_dma source(%arg10 : memref<128x128xf32, #tpu.memory_space<vmem>>) target(%dma_start3A_257 : memref<10240x128xf32, #tpu.memory_space<vmem_shared>>) offsets(%dma_start3A_254 : memref<128xi32, #tpu.memory_space<vmem>>) semaphore(%run_scoped3A_251 : memref<!tpu.dma_semaphore, #tpu.memory_space<semaphore_mem>>) {add = true}
        %dma_wait3A_258 = arith.constant 0 : i32
        %dma_wait3A_259 = tpu.memref_slice %arg9[%run_scoped3A_182, %dma_wait3A_258] : memref<16x128xi32, #tpu.memory_space<vmem>> -> memref<1x128xi32, #tpu.memory_space<vmem>>
        %dma_wait3A_260 = tpu.memref_squeeze %dma_wait3A_259 : memref<1x128xi32, #tpu.memory_space<vmem>> -> memref<128xi32, #tpu.memory_space<vmem>>
        %dma_wait3A_261 = arith.constant 0 : i32
        %dma_wait3A_262 = arith.constant 0 : i32
        %dma_wait3A_263 = tpu.memref_slice %arg7[%dma_wait3A_261, %dma_wait3A_262] : memref<10240x128xf32, #tpu.memory_space<vmem_shared>> -> memref<10240x128xf32, #tpu.memory_space<vmem_shared>>
        tpu.wait_indirect_dma semaphore(%run_scoped3A_251 : memref<!tpu.dma_semaphore, #tpu.memory_space<semaphore_mem>>) src(%arg10 : memref<128x128xf32, #tpu.memory_space<vmem>>) dst(%dma_wait3A_263 : memref<10240x128xf32, #tpu.memory_space<vmem_shared>>)
        tpu.yield
      }) : () -> ()
      %dma_start3A_183 = arith.constant 12 : i32
      %dma_start3A_184 = arith.constant 0 : i32
      %dma_start3A_185 = tpu.memref_slice %arg8[%dma_start3A_183, %dma_start3A_184] : memref<16x128xi32, #tpu.memory_space<vmem>> -> memref<1x128xi32, #tpu.memory_space<vmem>>
      %dma_start3A_186 = tpu.memref_squeeze %dma_start3A_185 : memref<1x128xi32, #tpu.memory_space<vmem>> -> memref<128xi32, #tpu.memory_space<vmem>>
      %dma_start3A_187 = arith.constant 0 : i32
      %dma_start3A_188 = arith.constant 0 : i32
      %dma_start3A_189 = tpu.memref_slice %arg4[%dma_start3A_187, %dma_start3A_188] : memref<10240x128xf32, #tpu.memory_space<hbm>> -> memref<10240x128xf32, #tpu.memory_space<hbm>>
      tpu.enqueue_indirect_dma source(%dma_start3A_189 : memref<10240x128xf32, #tpu.memory_space<hbm>>) target(%arg10 : memref<128x128xf32, #tpu.memory_space<vmem>>) offsets(%dma_start3A_186 : memref<128xi32, #tpu.memory_space<vmem>>) semaphore(%arg12 : memref<!tpu.dma_semaphore, #tpu.memory_space<semaphore_mem>>)
      %dma_wait3A_190 = arith.constant 11 : i32
      %dma_wait3A_191 = arith.constant 0 : i32
      %dma_wait3A_192 = tpu.memref_slice %arg8[%dma_wait3A_190, %dma_wait3A_191] : memref<16x128xi32, #tpu.memory_space<vmem>> -> memref<1x128xi32, #tpu.memory_space<vmem>>
      %dma_wait3A_193 = tpu.memref_squeeze %dma_wait3A_192 : memref<1x128xi32, #tpu.memory_space<vmem>> -> memref<128xi32, #tpu.memory_space<vmem>>
      %dma_wait3A_194 = arith.constant 0 : i32
      %dma_wait3A_195 = arith.constant 0 : i32
      %dma_wait3A_196 = tpu.memref_slice %arg4[%dma_wait3A_194, %dma_wait3A_195] : memref<10240x128xf32, #tpu.memory_space<hbm>> -> memref<10240x128xf32, #tpu.memory_space<hbm>>
      tpu.wait_indirect_dma semaphore(%arg13 : memref<!tpu.dma_semaphore, #tpu.memory_space<semaphore_mem>>) src(%dma_wait3A_196 : memref<10240x128xf32, #tpu.memory_space<hbm>>) dst(%arg11 : memref<128x128xf32, #tpu.memory_space<vmem>>)
      %run_scoped3A_197 = arith.constant 11 : i32
      "tpu.region"() ({
        %run_scoped3A_251 = tpu.sem_alloc : memref<!tpu.dma_semaphore, #tpu.memory_space<semaphore_mem>>
        %dma_start3A_252 = arith.constant 0 : i32
        %dma_start3A_253 = tpu.memref_slice %arg9[%run_scoped3A_197, %dma_start3A_252] : memref<16x128xi32, #tpu.memory_space<vmem>> -> memref<1x128xi32, #tpu.memory_space<vmem>>
        %dma_start3A_254 = tpu.memref_squeeze %dma_start3A_253 : memref<1x128xi32, #tpu.memory_space<vmem>> -> memref<128xi32, #tpu.memory_space<vmem>>
        %dma_start3A_255 = arith.constant 0 : i32
        %dma_start3A_256 = arith.constant 0 : i32
        %dma_start3A_257 = tpu.memref_slice %arg7[%dma_start3A_255, %dma_start3A_256] : memref<10240x128xf32, #tpu.memory_space<vmem_shared>> -> memref<10240x128xf32, #tpu.memory_space<vmem_shared>>
        tpu.enqueue_indirect_dma source(%arg11 : memref<128x128xf32, #tpu.memory_space<vmem>>) target(%dma_start3A_257 : memref<10240x128xf32, #tpu.memory_space<vmem_shared>>) offsets(%dma_start3A_254 : memref<128xi32, #tpu.memory_space<vmem>>) semaphore(%run_scoped3A_251 : memref<!tpu.dma_semaphore, #tpu.memory_space<semaphore_mem>>) {add = true}
        %dma_wait3A_258 = arith.constant 0 : i32
        %dma_wait3A_259 = tpu.memref_slice %arg9[%run_scoped3A_197, %dma_wait3A_258] : memref<16x128xi32, #tpu.memory_space<vmem>> -> memref<1x128xi32, #tpu.memory_space<vmem>>
        %dma_wait3A_260 = tpu.memref_squeeze %dma_wait3A_259 : memref<1x128xi32, #tpu.memory_space<vmem>> -> memref<128xi32, #tpu.memory_space<vmem>>
        %dma_wait3A_261 = arith.constant 0 : i32
        %dma_wait3A_262 = arith.constant 0 : i32
        %dma_wait3A_263 = tpu.memref_slice %arg7[%dma_wait3A_261, %dma_wait3A_262] : memref<10240x128xf32, #tpu.memory_space<vmem_shared>> -> memref<10240x128xf32, #tpu.memory_space<vmem_shared>>
        tpu.wait_indirect_dma semaphore(%run_scoped3A_251 : memref<!tpu.dma_semaphore, #tpu.memory_space<semaphore_mem>>) src(%arg11 : memref<128x128xf32, #tpu.memory_space<vmem>>) dst(%dma_wait3A_263 : memref<10240x128xf32, #tpu.memory_space<vmem_shared>>)
        tpu.yield
      }) : () -> ()
      %dma_start3A_198 = arith.constant 13 : i32
      %dma_start3A_199 = arith.constant 0 : i32
      %dma_start3A_200 = tpu.memref_slice %arg8[%dma_start3A_198, %dma_start3A_199] : memref<16x128xi32, #tpu.memory_space<vmem>> -> memref<1x128xi32, #tpu.memory_space<vmem>>
      %dma_start3A_201 = tpu.memref_squeeze %dma_start3A_200 : memref<1x128xi32, #tpu.memory_space<vmem>> -> memref<128xi32, #tpu.memory_space<vmem>>
      %dma_start3A_202 = arith.constant 0 : i32
      %dma_start3A_203 = arith.constant 0 : i32
      %dma_start3A_204 = tpu.memref_slice %arg4[%dma_start3A_202, %dma_start3A_203] : memref<10240x128xf32, #tpu.memory_space<hbm>> -> memref<10240x128xf32, #tpu.memory_space<hbm>>
      tpu.enqueue_indirect_dma source(%dma_start3A_204 : memref<10240x128xf32, #tpu.memory_space<hbm>>) target(%arg11 : memref<128x128xf32, #tpu.memory_space<vmem>>) offsets(%dma_start3A_201 : memref<128xi32, #tpu.memory_space<vmem>>) semaphore(%arg13 : memref<!tpu.dma_semaphore, #tpu.memory_space<semaphore_mem>>)
      %dma_wait3A_205 = arith.constant 12 : i32
      %dma_wait3A_206 = arith.constant 0 : i32
      %dma_wait3A_207 = tpu.memref_slice %arg8[%dma_wait3A_205, %dma_wait3A_206] : memref<16x128xi32, #tpu.memory_space<vmem>> -> memref<1x128xi32, #tpu.memory_space<vmem>>
      %dma_wait3A_208 = tpu.memref_squeeze %dma_wait3A_207 : memref<1x128xi32, #tpu.memory_space<vmem>> -> memref<128xi32, #tpu.memory_space<vmem>>
      %dma_wait3A_209 = arith.constant 0 : i32
      %dma_wait3A_210 = arith.constant 0 : i32
      %dma_wait3A_211 = tpu.memref_slice %arg4[%dma_wait3A_209, %dma_wait3A_210] : memref<10240x128xf32, #tpu.memory_space<hbm>> -> memref<10240x128xf32, #tpu.memory_space<hbm>>
      tpu.wait_indirect_dma semaphore(%arg12 : memref<!tpu.dma_semaphore, #tpu.memory_space<semaphore_mem>>) src(%dma_wait3A_211 : memref<10240x128xf32, #tpu.memory_space<hbm>>) dst(%arg10 : memref<128x128xf32, #tpu.memory_space<vmem>>)
      %run_scoped3A_212 = arith.constant 12 : i32
      "tpu.region"() ({
        %run_scoped3A_251 = tpu.sem_alloc : memref<!tpu.dma_semaphore, #tpu.memory_space<semaphore_mem>>
        %dma_start3A_252 = arith.constant 0 : i32
        %dma_start3A_253 = tpu.memref_slice %arg9[%run_scoped3A_212, %dma_start3A_252] : memref<16x128xi32, #tpu.memory_space<vmem>> -> memref<1x128xi32, #tpu.memory_space<vmem>>
        %dma_start3A_254 = tpu.memref_squeeze %dma_start3A_253 : memref<1x128xi32, #tpu.memory_space<vmem>> -> memref<128xi32, #tpu.memory_space<vmem>>
        %dma_start3A_255 = arith.constant 0 : i32
        %dma_start3A_256 = arith.constant 0 : i32
        %dma_start3A_257 = tpu.memref_slice %arg7[%dma_start3A_255, %dma_start3A_256] : memref<10240x128xf32, #tpu.memory_space<vmem_shared>> -> memref<10240x128xf32, #tpu.memory_space<vmem_shared>>
        tpu.enqueue_indirect_dma source(%arg10 : memref<128x128xf32, #tpu.memory_space<vmem>>) target(%dma_start3A_257 : memref<10240x128xf32, #tpu.memory_space<vmem_shared>>) offsets(%dma_start3A_254 : memref<128xi32, #tpu.memory_space<vmem>>) semaphore(%run_scoped3A_251 : memref<!tpu.dma_semaphore, #tpu.memory_space<semaphore_mem>>) {add = true}
        %dma_wait3A_258 = arith.constant 0 : i32
        %dma_wait3A_259 = tpu.memref_slice %arg9[%run_scoped3A_212, %dma_wait3A_258] : memref<16x128xi32, #tpu.memory_space<vmem>> -> memref<1x128xi32, #tpu.memory_space<vmem>>
        %dma_wait3A_260 = tpu.memref_squeeze %dma_wait3A_259 : memref<1x128xi32, #tpu.memory_space<vmem>> -> memref<128xi32, #tpu.memory_space<vmem>>
        %dma_wait3A_261 = arith.constant 0 : i32
        %dma_wait3A_262 = arith.constant 0 : i32
        %dma_wait3A_263 = tpu.memref_slice %arg7[%dma_wait3A_261, %dma_wait3A_262] : memref<10240x128xf32, #tpu.memory_space<vmem_shared>> -> memref<10240x128xf32, #tpu.memory_space<vmem_shared>>
        tpu.wait_indirect_dma semaphore(%run_scoped3A_251 : memref<!tpu.dma_semaphore, #tpu.memory_space<semaphore_mem>>) src(%arg10 : memref<128x128xf32, #tpu.memory_space<vmem>>) dst(%dma_wait3A_263 : memref<10240x128xf32, #tpu.memory_space<vmem_shared>>)
        tpu.yield
      }) : () -> ()
      %dma_start3A_213 = arith.constant 14 : i32
      %dma_start3A_214 = arith.constant 0 : i32
      %dma_start3A_215 = tpu.memref_slice %arg8[%dma_start3A_213, %dma_start3A_214] : memref<16x128xi32, #tpu.memory_space<vmem>> -> memref<1x128xi32, #tpu.memory_space<vmem>>
      %dma_start3A_216 = tpu.memref_squeeze %dma_start3A_215 : memref<1x128xi32, #tpu.memory_space<vmem>> -> memref<128xi32, #tpu.memory_space<vmem>>
      %dma_start3A_217 = arith.constant 0 : i32
      %dma_start3A_218 = arith.constant 0 : i32
      %dma_start3A_219 = tpu.memref_slice %arg4[%dma_start3A_217, %dma_start3A_218] : memref<10240x128xf32, #tpu.memory_space<hbm>> -> memref<10240x128xf32, #tpu.memory_space<hbm>>
      tpu.enqueue_indirect_dma source(%dma_start3A_219 : memref<10240x128xf32, #tpu.memory_space<hbm>>) target(%arg10 : memref<128x128xf32, #tpu.memory_space<vmem>>) offsets(%dma_start3A_216 : memref<128xi32, #tpu.memory_space<vmem>>) semaphore(%arg12 : memref<!tpu.dma_semaphore, #tpu.memory_space<semaphore_mem>>)
      %dma_wait3A_220 = arith.constant 13 : i32
      %dma_wait3A_221 = arith.constant 0 : i32
      %dma_wait3A_222 = tpu.memref_slice %arg8[%dma_wait3A_220, %dma_wait3A_221] : memref<16x128xi32, #tpu.memory_space<vmem>> -> memref<1x128xi32, #tpu.memory_space<vmem>>
      %dma_wait3A_223 = tpu.memref_squeeze %dma_wait3A_222 : memref<1x128xi32, #tpu.memory_space<vmem>> -> memref<128xi32, #tpu.memory_space<vmem>>
      %dma_wait3A_224 = arith.constant 0 : i32
      %dma_wait3A_225 = arith.constant 0 : i32
      %dma_wait3A_226 = tpu.memref_slice %arg4[%dma_wait3A_224, %dma_wait3A_225] : memref<10240x128xf32, #tpu.memory_space<hbm>> -> memref<10240x128xf32, #tpu.memory_space<hbm>>
      tpu.wait_indirect_dma semaphore(%arg13 : memref<!tpu.dma_semaphore, #tpu.memory_space<semaphore_mem>>) src(%dma_wait3A_226 : memref<10240x128xf32, #tpu.memory_space<hbm>>) dst(%arg11 : memref<128x128xf32, #tpu.memory_space<vmem>>)
      %run_scoped3A_227 = arith.constant 13 : i32
      "tpu.region"() ({
        %run_scoped3A_251 = tpu.sem_alloc : memref<!tpu.dma_semaphore, #tpu.memory_space<semaphore_mem>>
        %dma_start3A_252 = arith.constant 0 : i32
        %dma_start3A_253 = tpu.memref_slice %arg9[%run_scoped3A_227, %dma_start3A_252] : memref<16x128xi32, #tpu.memory_space<vmem>> -> memref<1x128xi32, #tpu.memory_space<vmem>>
        %dma_start3A_254 = tpu.memref_squeeze %dma_start3A_253 : memref<1x128xi32, #tpu.memory_space<vmem>> -> memref<128xi32, #tpu.memory_space<vmem>>
        %dma_start3A_255 = arith.constant 0 : i32
        %dma_start3A_256 = arith.constant 0 : i32
        %dma_start3A_257 = tpu.memref_slice %arg7[%dma_start3A_255, %dma_start3A_256] : memref<10240x128xf32, #tpu.memory_space<vmem_shared>> -> memref<10240x128xf32, #tpu.memory_space<vmem_shared>>
        tpu.enqueue_indirect_dma source(%arg11 : memref<128x128xf32, #tpu.memory_space<vmem>>) target(%dma_start3A_257 : memref<10240x128xf32, #tpu.memory_space<vmem_shared>>) offsets(%dma_start3A_254 : memref<128xi32, #tpu.memory_space<vmem>>) semaphore(%run_scoped3A_251 : memref<!tpu.dma_semaphore, #tpu.memory_space<semaphore_mem>>) {add = true}
        %dma_wait3A_258 = arith.constant 0 : i32
        %dma_wait3A_259 = tpu.memref_slice %arg9[%run_scoped3A_227, %dma_wait3A_258] : memref<16x128xi32, #tpu.memory_space<vmem>> -> memref<1x128xi32, #tpu.memory_space<vmem>>
        %dma_wait3A_260 = tpu.memref_squeeze %dma_wait3A_259 : memref<1x128xi32, #tpu.memory_space<vmem>> -> memref<128xi32, #tpu.memory_space<vmem>>
        %dma_wait3A_261 = arith.constant 0 : i32
        %dma_wait3A_262 = arith.constant 0 : i32
        %dma_wait3A_263 = tpu.memref_slice %arg7[%dma_wait3A_261, %dma_wait3A_262] : memref<10240x128xf32, #tpu.memory_space<vmem_shared>> -> memref<10240x128xf32, #tpu.memory_space<vmem_shared>>
        tpu.wait_indirect_dma semaphore(%run_scoped3A_251 : memref<!tpu.dma_semaphore, #tpu.memory_space<semaphore_mem>>) src(%arg11 : memref<128x128xf32, #tpu.memory_space<vmem>>) dst(%dma_wait3A_263 : memref<10240x128xf32, #tpu.memory_space<vmem_shared>>)
        tpu.yield
      }) : () -> ()
      %dma_start3A_228 = arith.constant 15 : i32
      %dma_start3A_229 = arith.constant 0 : i32
      %dma_start3A_230 = tpu.memref_slice %arg8[%dma_start3A_228, %dma_start3A_229] : memref<16x128xi32, #tpu.memory_space<vmem>> -> memref<1x128xi32, #tpu.memory_space<vmem>>
      %dma_start3A_231 = tpu.memref_squeeze %dma_start3A_230 : memref<1x128xi32, #tpu.memory_space<vmem>> -> memref<128xi32, #tpu.memory_space<vmem>>
      %dma_start3A_232 = arith.constant 0 : i32
      %dma_start3A_233 = arith.constant 0 : i32
      %dma_start3A_234 = tpu.memref_slice %arg4[%dma_start3A_232, %dma_start3A_233] : memref<10240x128xf32, #tpu.memory_space<hbm>> -> memref<10240x128xf32, #tpu.memory_space<hbm>>
      tpu.enqueue_indirect_dma source(%dma_start3A_234 : memref<10240x128xf32, #tpu.memory_space<hbm>>) target(%arg11 : memref<128x128xf32, #tpu.memory_space<vmem>>) offsets(%dma_start3A_231 : memref<128xi32, #tpu.memory_space<vmem>>) semaphore(%arg13 : memref<!tpu.dma_semaphore, #tpu.memory_space<semaphore_mem>>)
      %dma_wait3A_235 = arith.constant 14 : i32
      %dma_wait3A_236 = arith.constant 0 : i32
      %dma_wait3A_237 = tpu.memref_slice %arg8[%dma_wait3A_235, %dma_wait3A_236] : memref<16x128xi32, #tpu.memory_space<vmem>> -> memref<1x128xi32, #tpu.memory_space<vmem>>
      %dma_wait3A_238 = tpu.memref_squeeze %dma_wait3A_237 : memref<1x128xi32, #tpu.memory_space<vmem>> -> memref<128xi32, #tpu.memory_space<vmem>>
      %dma_wait3A_239 = arith.constant 0 : i32
      %dma_wait3A_240 = arith.constant 0 : i32
      %dma_wait3A_241 = tpu.memref_slice %arg4[%dma_wait3A_239, %dma_wait3A_240] : memref<10240x128xf32, #tpu.memory_space<hbm>> -> memref<10240x128xf32, #tpu.memory_space<hbm>>
      tpu.wait_indirect_dma semaphore(%arg12 : memref<!tpu.dma_semaphore, #tpu.memory_space<semaphore_mem>>) src(%dma_wait3A_241 : memref<10240x128xf32, #tpu.memory_space<hbm>>) dst(%arg10 : memref<128x128xf32, #tpu.memory_space<vmem>>)
      %run_scoped3A_242 = arith.constant 14 : i32
      "tpu.region"() ({
        %run_scoped3A_251 = tpu.sem_alloc : memref<!tpu.dma_semaphore, #tpu.memory_space<semaphore_mem>>
        %dma_start3A_252 = arith.constant 0 : i32
        %dma_start3A_253 = tpu.memref_slice %arg9[%run_scoped3A_242, %dma_start3A_252] : memref<16x128xi32, #tpu.memory_space<vmem>> -> memref<1x128xi32, #tpu.memory_space<vmem>>
        %dma_start3A_254 = tpu.memref_squeeze %dma_start3A_253 : memref<1x128xi32, #tpu.memory_space<vmem>> -> memref<128xi32, #tpu.memory_space<vmem>>
        %dma_start3A_255 = arith.constant 0 : i32
        %dma_start3A_256 = arith.constant 0 : i32
        %dma_start3A_257 = tpu.memref_slice %arg7[%dma_start3A_255, %dma_start3A_256] : memref<10240x128xf32, #tpu.memory_space<vmem_shared>> -> memref<10240x128xf32, #tpu.memory_space<vmem_shared>>
        tpu.enqueue_indirect_dma source(%arg10 : memref<128x128xf32, #tpu.memory_space<vmem>>) target(%dma_start3A_257 : memref<10240x128xf32, #tpu.memory_space<vmem_shared>>) offsets(%dma_start3A_254 : memref<128xi32, #tpu.memory_space<vmem>>) semaphore(%run_scoped3A_251 : memref<!tpu.dma_semaphore, #tpu.memory_space<semaphore_mem>>) {add = true}
        %dma_wait3A_258 = arith.constant 0 : i32
        %dma_wait3A_259 = tpu.memref_slice %arg9[%run_scoped3A_242, %dma_wait3A_258] : memref<16x128xi32, #tpu.memory_space<vmem>> -> memref<1x128xi32, #tpu.memory_space<vmem>>
        %dma_wait3A_260 = tpu.memref_squeeze %dma_wait3A_259 : memref<1x128xi32, #tpu.memory_space<vmem>> -> memref<128xi32, #tpu.memory_space<vmem>>
        %dma_wait3A_261 = arith.constant 0 : i32
        %dma_wait3A_262 = arith.constant 0 : i32
        %dma_wait3A_263 = tpu.memref_slice %arg7[%dma_wait3A_261, %dma_wait3A_262] : memref<10240x128xf32, #tpu.memory_space<vmem_shared>> -> memref<10240x128xf32, #tpu.memory_space<vmem_shared>>
        tpu.wait_indirect_dma semaphore(%run_scoped3A_251 : memref<!tpu.dma_semaphore, #tpu.memory_space<semaphore_mem>>) src(%arg10 : memref<128x128xf32, #tpu.memory_space<vmem>>) dst(%dma_wait3A_263 : memref<10240x128xf32, #tpu.memory_space<vmem_shared>>)
        tpu.yield
      }) : () -> ()
      %dma_wait3A_243 = arith.constant 15 : i32
      %dma_wait3A_244 = arith.constant 0 : i32
      %dma_wait3A_245 = tpu.memref_slice %arg8[%dma_wait3A_243, %dma_wait3A_244] : memref<16x128xi32, #tpu.memory_space<vmem>> -> memref<1x128xi32, #tpu.memory_space<vmem>>
      %dma_wait3A_246 = tpu.memref_squeeze %dma_wait3A_245 : memref<1x128xi32, #tpu.memory_space<vmem>> -> memref<128xi32, #tpu.memory_space<vmem>>
      %dma_wait3A_247 = arith.constant 0 : i32
      %dma_wait3A_248 = arith.constant 0 : i32
      %dma_wait3A_249 = tpu.memref_slice %arg4[%dma_wait3A_247, %dma_wait3A_248] : memref<10240x128xf32, #tpu.memory_space<hbm>> -> memref<10240x128xf32, #tpu.memory_space<hbm>>
      tpu.wait_indirect_dma semaphore(%arg13 : memref<!tpu.dma_semaphore, #tpu.memory_space<semaphore_mem>>) src(%dma_wait3A_249 : memref<10240x128xf32, #tpu.memory_space<hbm>>) dst(%arg11 : memref<128x128xf32, #tpu.memory_space<vmem>>)
      %run_scoped3A_250 = arith.constant 15 : i32
      "tpu.region"() ({
        %run_scoped3A_251 = tpu.sem_alloc : memref<!tpu.dma_semaphore, #tpu.memory_space<semaphore_mem>>
        %dma_start3A_252 = arith.constant 0 : i32
        %dma_start3A_253 = tpu.memref_slice %arg9[%run_scoped3A_250, %dma_start3A_252] : memref<16x128xi32, #tpu.memory_space<vmem>> -> memref<1x128xi32, #tpu.memory_space<vmem>>
        %dma_start3A_254 = tpu.memref_squeeze %dma_start3A_253 : memref<1x128xi32, #tpu.memory_space<vmem>> -> memref<128xi32, #tpu.memory_space<vmem>>
        %dma_start3A_255 = arith.constant 0 : i32
        %dma_start3A_256 = arith.constant 0 : i32
        %dma_start3A_257 = tpu.memref_slice %arg7[%dma_start3A_255, %dma_start3A_256] : memref<10240x128xf32, #tpu.memory_space<vmem_shared>> -> memref<10240x128xf32, #tpu.memory_space<vmem_shared>>
        tpu.enqueue_indirect_dma source(%arg11 : memref<128x128xf32, #tpu.memory_space<vmem>>) target(%dma_start3A_257 : memref<10240x128xf32, #tpu.memory_space<vmem_shared>>) offsets(%dma_start3A_254 : memref<128xi32, #tpu.memory_space<vmem>>) semaphore(%run_scoped3A_251 : memref<!tpu.dma_semaphore, #tpu.memory_space<semaphore_mem>>) {add = true}
        %dma_wait3A_258 = arith.constant 0 : i32
        %dma_wait3A_259 = tpu.memref_slice %arg9[%run_scoped3A_250, %dma_wait3A_258] : memref<16x128xi32, #tpu.memory_space<vmem>> -> memref<1x128xi32, #tpu.memory_space<vmem>>
        %dma_wait3A_260 = tpu.memref_squeeze %dma_wait3A_259 : memref<1x128xi32, #tpu.memory_space<vmem>> -> memref<128xi32, #tpu.memory_space<vmem>>
        %dma_wait3A_261 = arith.constant 0 : i32
        %dma_wait3A_262 = arith.constant 0 : i32
        %dma_wait3A_263 = tpu.memref_slice %arg7[%dma_wait3A_261, %dma_wait3A_262] : memref<10240x128xf32, #tpu.memory_space<vmem_shared>> -> memref<10240x128xf32, #tpu.memory_space<vmem_shared>>
        tpu.wait_indirect_dma semaphore(%run_scoped3A_251 : memref<!tpu.dma_semaphore, #tpu.memory_space<semaphore_mem>>) src(%arg11 : memref<128x128xf32, #tpu.memory_space<vmem>>) dst(%dma_wait3A_263 : memref<10240x128xf32, #tpu.memory_space<vmem_shared>>)
        tpu.yield
      }) : () -> ()
    }
    %scan3A_4 = arith.constant 5 : i32
    %barrier3A_5 = arith.constant 0 : index
    tpu.barrier barrier_id(%barrier3A_5)
    "tpu.region"() ({
      %run_scoped3A = tpu.sem_alloc : memref<!tpu.dma_semaphore, #tpu.memory_space<semaphore_mem>>
      %dma_start3A = arith.constant 0 : i32
      %dma_start3A_6 = tpu.memref_slice %arg6[%arg0, %mul3A_0, %dma_start3A] : memref<2x10240x128xf32, #tpu.memory_space<hbm>> -> memref<1x640x128xf32, #tpu.memory_space<hbm>>
      %dma_start3A_7 = tpu.memref_squeeze %dma_start3A_6 : memref<1x640x128xf32, #tpu.memory_space<hbm>> -> memref<640x128xf32, #tpu.memory_space<hbm>>
      %dma_start3A_8 = arith.constant 0 : i32
      %dma_start3A_9 = tpu.memref_slice %arg7[%mul3A_0, %dma_start3A_8] : memref<10240x128xf32, #tpu.memory_space<vmem_shared>> -> memref<640x128xf32, #tpu.memory_space<vmem_shared>>
      tpu.enqueue_dma source(%dma_start3A_9 : memref<640x128xf32, #tpu.memory_space<vmem_shared>>) target(%dma_start3A_7 : memref<640x128xf32, #tpu.memory_space<hbm>>) target_semaphore(%run_scoped3A : memref<!tpu.dma_semaphore, #tpu.memory_space<semaphore_mem>>)
      %dma_wait3A = arith.constant 0 : i32
      %dma_wait3A_10 = tpu.memref_slice %arg6[%arg0, %mul3A_0, %dma_wait3A] : memref<2x10240x128xf32, #tpu.memory_space<hbm>> -> memref<1x640x128xf32, #tpu.memory_space<hbm>>
      %dma_wait3A_11 = tpu.memref_squeeze %dma_wait3A_10 : memref<1x640x128xf32, #tpu.memory_space<hbm>> -> memref<640x128xf32, #tpu.memory_space<hbm>>
      %dma_wait3A_12 = arith.constant 0 : i32
      %dma_wait3A_13 = tpu.memref_slice %arg7[%mul3A_0, %dma_wait3A_12] : memref<10240x128xf32, #tpu.memory_space<vmem_shared>> -> memref<640x128xf32, #tpu.memory_space<vmem_shared>>
      tpu.wait_dma2 semaphore(%run_scoped3A : memref<!tpu.dma_semaphore, #tpu.memory_space<semaphore_mem>>) src(%dma_wait3A_13 : memref<640x128xf32, #tpu.memory_space<vmem_shared>>) dst(%dma_wait3A_11 : memref<640x128xf32, #tpu.memory_space<hbm>>)
      tpu.yield
    }) : () -> ()
    return
  }
}

module attributes {stable_mosaic.version = 14 : i64} {
  func.func @_hprime_body(%arg0: memref<10000x128xf32, #tpu.memory_space<vmem>>, %arg1: memref<128x128xf32, #tpu.memory_space<vmem>>, %arg2: memref<1x128xf32, #tpu.memory_space<vmem>>, %arg3: memref<2x10240x128xf32, #tpu.memory_space<vmem>>, %arg4: memref<10240x128xf32, #tpu.memory_space<vmem>>) attributes {dimension_semantics = [], scalar_prefetch = 0 : i64, scratch_operands = 0 : i64, tpu.core_type = #tpu.core_type<tc>} {
    %get3A = arith.constant 0 : index
    %get3A_0 = arith.constant 0 : index
    %get3A_1 = arith.constant 0 : index
    %get3A_2 = vector.load %arg3[%get3A, %get3A_0, %get3A_1] : memref<2x10240x128xf32, #tpu.memory_space<vmem>>, vector<2x10240x128xf32>
    %slice3A = vector.extract_strided_slice %get3A_2 {offsets = [0, 0, 0], sizes = [1, 10000, 1], strides = [1, 1, 1]} : vector<2x10240x128xf32> to vector<1x10000x1xf32>
    %squeeze3A = vector.shape_cast %slice3A : vector<1x10000x1xf32> to vector<10000x1xf32>
    %slice3A_3 = vector.extract_strided_slice %get3A_2 {offsets = [1, 0, 0], sizes = [1, 10000, 1], strides = [1, 1, 1]} : vector<2x10240x128xf32> to vector<1x10000x1xf32>
    %squeeze3A_4 = vector.shape_cast %slice3A_3 : vector<1x10000x1xf32> to vector<10000x1xf32>
    %add3A = arith.addf %squeeze3A, %squeeze3A_4 : vector<10000x1xf32>
    %add3A_5 = arith.constant 1.000000e+00 : f32
    %add3A_6 = vector.broadcast %add3A_5 : f32 to vector<10000x1xf32>
    %add3A_7 = arith.addf %add3A, %add3A_6 : vector<10000x1xf32>
    %rsqrt3A = math.rsqrt %add3A_7 : vector<10000x1xf32>
    %get3A_8 = arith.constant 0 : index
    %get3A_9 = arith.constant 0 : index
    %get3A_10 = vector.load %arg0[%get3A_8, %get3A_9] : memref<10000x128xf32, #tpu.memory_space<vmem>>, vector<10000x128xf32>
    %get3A_11 = arith.constant 0 : index
    %get3A_12 = arith.constant 0 : index
    %get3A_13 = vector.load %arg1[%get3A_11, %get3A_12] : memref<128x128xf32, #tpu.memory_space<vmem>>, vector<128x128xf32>
    %dot_general3A = arith.constant dense<0.000000e+00> : vector<10000x128xf32>
    %dot_general3A_14 = tpu.matmul %get3A_10, %get3A_13, %dot_general3A {dimension_numbers = #tpu.dot_dimension_numbers<[1], [0], [0], [1], [0, 0, 1, 1], [], []>, transpose_lhs_hint = false} : vector<10000x128xf32>, vector<128x128xf32>, vector<10000x128xf32> -> vector<10000x128xf32>
    %get3A_15 = arith.constant 0 : index
    %get3A_16 = arith.constant 0 : index
    %get3A_17 = vector.load %arg2[%get3A_15, %get3A_16] : memref<1x128xf32, #tpu.memory_space<vmem>>, vector<1x128xf32>
    %add3A_18 = vector.broadcast %get3A_17 : vector<1x128xf32> to vector<10000x128xf32>
    %add3A_19 = arith.addf %dot_general3A_14, %add3A_18 : vector<10000x128xf32>
    %mul3A = vector.broadcast %rsqrt3A : vector<10000x1xf32> to vector<10000x128xf32>
    %mul3A_20 = arith.mulf %mul3A, %add3A_19 : vector<10000x128xf32>
    %swap3A = arith.constant 0 : index
    %swap3A_21 = arith.constant 0 : index
    %swap3A_22 = vector.load %arg4[%swap3A, %swap3A_21] : memref<10240x128xf32, #tpu.memory_space<vmem>>, vector<10000x128xf32>
    tpu.vector_store %arg4[%swap3A, %swap3A_21], %mul3A_20 {strides = array<i32>} : memref<10240x128xf32, #tpu.memory_space<vmem>>, vector<10000x128xf32>,
    %broadcast_in_dim3A = arith.constant 0.000000e+00 : f32
    %broadcast_in_dim3A_23 = vector.broadcast %broadcast_in_dim3A : f32 to vector<240x128xf32>
    %swap3A_24 = arith.constant 10000 : index
    %swap3A_25 = arith.constant 0 : index
    %swap3A_26 = vector.load %arg4[%swap3A_24, %swap3A_25] : memref<10240x128xf32, #tpu.memory_space<vmem>>, vector<240x128xf32>
    tpu.vector_store %arg4[%swap3A_24, %swap3A_25], %broadcast_in_dim3A_23 {strides = array<i32>} : memref<10240x128xf32, #tpu.memory_space<vmem>>, vector<240x128xf32>,
    return
  }
}

module attributes {stable_mosaic.version = 14 : i64} {
  func.func @_fin_body(%arg0: memref<2x10240x128xf32, #tpu.memory_space<vmem>>, %arg1: memref<10240x128xf32, #tpu.memory_space<vmem>>, %arg2: memref<2x10240x128xf32, #tpu.memory_space<vmem>>, %arg3: memref<10000x128xf32, #tpu.memory_space<vmem>>, %arg4: memref<128x128xf32, #tpu.memory_space<vmem>>, %arg5: memref<128x128xf32, #tpu.memory_space<vmem>>, %arg6: memref<1x128xf32, #tpu.memory_space<vmem>>, %arg7: memref<1x128xf32, #tpu.memory_space<vmem>>, %arg8: memref<10000x128xf32, #tpu.memory_space<vmem>>) attributes {dimension_semantics = [], scalar_prefetch = 0 : i64, scratch_operands = 0 : i64, tpu.core_type = #tpu.core_type<tc>} {
    %get3A = arith.constant 0 : index
    %get3A_0 = arith.constant 0 : index
    %get3A_1 = arith.constant 0 : index
    %get3A_2 = vector.load %arg2[%get3A, %get3A_0, %get3A_1] : memref<2x10240x128xf32, #tpu.memory_space<vmem>>, vector<2x10240x128xf32>
    %slice3A = vector.extract_strided_slice %get3A_2 {offsets = [0, 0, 0], sizes = [1, 10000, 1], strides = [1, 1, 1]} : vector<2x10240x128xf32> to vector<1x10000x1xf32>
    %squeeze3A = vector.shape_cast %slice3A : vector<1x10000x1xf32> to vector<10000x1xf32>
    %slice3A_3 = vector.extract_strided_slice %get3A_2 {offsets = [1, 0, 0], sizes = [1, 10000, 1], strides = [1, 1, 1]} : vector<2x10240x128xf32> to vector<1x10000x1xf32>
    %squeeze3A_4 = vector.shape_cast %slice3A_3 : vector<1x10000x1xf32> to vector<10000x1xf32>
    %add3A = arith.addf %squeeze3A, %squeeze3A_4 : vector<10000x1xf32>
    %add3A_5 = arith.constant 1.000000e+00 : f32
    %add3A_6 = vector.broadcast %add3A_5 : f32 to vector<10000x1xf32>
    %add3A_7 = arith.addf %add3A, %add3A_6 : vector<10000x1xf32>
    %rsqrt3A = math.rsqrt %add3A_7 : vector<10000x1xf32>
    %get3A_8 = arith.constant 0 : index
    %get3A_9 = arith.constant 0 : index
    %get3A_10 = arith.constant 0 : index
    %get3A_11 = vector.load %arg0[%get3A_8, %get3A_9, %get3A_10] : memref<2x10240x128xf32, #tpu.memory_space<vmem>>, vector<1x10000x128xf32>
    %get3A_12 = vector.shape_cast %get3A_11 : vector<1x10000x128xf32> to vector<10000x128xf32>
    %get3A_13 = arith.constant 1 : index
    %get3A_14 = arith.constant 0 : index
    %get3A_15 = arith.constant 0 : index
    %get3A_16 = vector.load %arg0[%get3A_13, %get3A_14, %get3A_15] : memref<2x10240x128xf32, #tpu.memory_space<vmem>>, vector<1x10000x128xf32>
    %get3A_17 = vector.shape_cast %get3A_16 : vector<1x10000x128xf32> to vector<10000x128xf32>
    %add3A_18 = arith.addf %get3A_12, %get3A_17 : vector<10000x128xf32>
    %get3A_19 = arith.constant 0 : index
    %get3A_20 = arith.constant 0 : index
    %get3A_21 = vector.load %arg1[%get3A_19, %get3A_20] : memref<10240x128xf32, #tpu.memory_space<vmem>>, vector<10000x128xf32>
    %add3A_22 = arith.addf %add3A_18, %get3A_21 : vector<10000x128xf32>
    %mul3A = vector.broadcast %rsqrt3A : vector<10000x1xf32> to vector<10000x128xf32>
    %mul3A_23 = arith.mulf %add3A_22, %mul3A : vector<10000x128xf32>
    %get3A_24 = arith.constant 0 : index
    %get3A_25 = arith.constant 0 : index
    %get3A_26 = vector.load %arg4[%get3A_24, %get3A_25] : memref<128x128xf32, #tpu.memory_space<vmem>>, vector<128x128xf32>
    %dot_general3A = arith.constant dense<0.000000e+00> : vector<10000x128xf32>
    %dot_general3A_27 = tpu.matmul %mul3A_23, %get3A_26, %dot_general3A {dimension_numbers = #tpu.dot_dimension_numbers<[1], [0], [0], [1], [0, 0, 1, 1], [], []>, transpose_lhs_hint = false} : vector<10000x128xf32>, vector<128x128xf32>, vector<10000x128xf32> -> vector<10000x128xf32>
    %mul3A_28 = arith.constant 0.899999976 : f32
    %mul3A_29 = vector.broadcast %mul3A_28 : f32 to vector<10000x128xf32>
    %mul3A_30 = arith.mulf %mul3A_29, %dot_general3A_27 : vector<10000x128xf32>
    %get3A_31 = arith.constant 0 : index
    %get3A_32 = arith.constant 0 : index
    %get3A_33 = vector.load %arg3[%get3A_31, %get3A_32] : memref<10000x128xf32, #tpu.memory_space<vmem>>, vector<10000x128xf32>
    %get3A_34 = arith.constant 0 : index
    %get3A_35 = arith.constant 0 : index
    %get3A_36 = vector.load %arg5[%get3A_34, %get3A_35] : memref<128x128xf32, #tpu.memory_space<vmem>>, vector<128x128xf32>
    %dot_general3A_37 = arith.constant dense<0.000000e+00> : vector<10000x128xf32>
    %dot_general3A_38 = tpu.matmul %get3A_33, %get3A_36, %dot_general3A_37 {dimension_numbers = #tpu.dot_dimension_numbers<[1], [0], [0], [1], [0, 0, 1, 1], [], []>, transpose_lhs_hint = false} : vector<10000x128xf32>, vector<128x128xf32>, vector<10000x128xf32> -> vector<10000x128xf32>
    %mul3A_39 = arith.constant 1.000000e-01 : f32
    %mul3A_40 = vector.broadcast %mul3A_39 : f32 to vector<10000x128xf32>
    %mul3A_41 = arith.mulf %mul3A_40, %dot_general3A_38 : vector<10000x128xf32>
    %add3A_42 = arith.addf %mul3A_30, %mul3A_41 : vector<10000x128xf32>
    %mul3A_43 = arith.mulf %add3A_42, %add3A_42 : vector<10000x128xf32>
    %reduce_sum3A = arith.constant dense<0.000000e+00> : vector<128xf32>
    %reduce_sum3A_44 = vector.multi_reduction <add>, %mul3A_43, %reduce_sum3A [0] : vector<10000x128xf32> to vector<128xf32>
    %broadcast_in_dim3A = vector.shape_cast %reduce_sum3A_44 : vector<128xf32> to vector<1x128xf32>
    %div3A = arith.constant 1.000000e+04 : f32
    %div3A_45 = vector.broadcast %div3A : f32 to vector<1x128xf32>
    %div3A_46 = arith.divf %broadcast_in_dim3A, %div3A_45 : vector<1x128xf32>
    %add3A_47 = arith.constant 9.99999997E-7 : f32
    %add3A_48 = vector.broadcast %add3A_47 : f32 to vector<1x128xf32>
    %add3A_49 = arith.addf %div3A_46, %add3A_48 : vector<1x128xf32>
    %sqrt3A = math.sqrt %add3A_49 : vector<1x128xf32>
    %get3A_50 = arith.constant 0 : index
    %get3A_51 = arith.constant 0 : index
    %get3A_52 = vector.load %arg6[%get3A_50, %get3A_51] : memref<1x128xf32, #tpu.memory_space<vmem>>, vector<1x128xf32>
    %div3A_53 = vector.broadcast %sqrt3A : vector<1x128xf32> to vector<10000x128xf32>
    %div3A_54 = arith.divf %add3A_42, %div3A_53 : vector<10000x128xf32>
    %mul3A_55 = vector.broadcast %get3A_52 : vector<1x128xf32> to vector<10000x128xf32>
    %mul3A_56 = arith.mulf %mul3A_55, %div3A_54 : vector<10000x128xf32>
    %get3A_57 = arith.constant 0 : index
    %get3A_58 = arith.constant 0 : index
    %get3A_59 = vector.load %arg7[%get3A_57, %get3A_58] : memref<1x128xf32, #tpu.memory_space<vmem>>, vector<1x128xf32>
    %add3A_60 = vector.broadcast %get3A_59 : vector<1x128xf32> to vector<10000x128xf32>
    %add3A_61 = arith.addf %mul3A_56, %add3A_60 : vector<10000x128xf32>
    %max3A = arith.constant 0.000000e+00 : f32
    %max3A_62 = vector.broadcast %max3A : f32 to vector<10000x128xf32>
    %max3A_63 = arith.maximumf %add3A_61, %max3A_62 : vector<10000x128xf32>
    %swap3A = arith.constant 0 : index
    %swap3A_64 = arith.constant 0 : index
    %swap3A_65 = vector.load %arg8[%swap3A, %swap3A_64] : memref<10000x128xf32, #tpu.memory_space<vmem>>, vector<10000x128xf32>
    tpu.vector_store %arg8[%swap3A, %swap3A_64], %max3A_63 {strides = array<i32>} : memref<10000x128xf32, #tpu.memory_space<vmem>>, vector<10000x128xf32>,
    return
  }
}

</mosaic_0001>

<sc_bundles>
// kernel: kernel.6.cloned.1.call-start
scs
__scs_entry_jumppad:
0x0: {  	(pc) =	sbr.rel $0x88, $3  }
0x1: {  	(tag) =	ssettag $0x0;
	lr =	simm.s32 $0x1  }
0x2: {  	[smem:$0x3F98] =	sst lr;
	_ =	strace $0xD0000000  }
0x3: {  	_ = 	snop  }
0x4: {  	_ = 	snop  }
0x5: {  	_ = 	snop  }
0x6: {  	_ = 	snop  }
0x7: {  	_ = 	snop  }
__scs_overlays_trampoline_lowered:
0x8: {  	[smem:$0x3FA7] =	sst s0  }
0x9: {  	[smem:$0x3FA8] =	sst s1  }
0xa: {  	[smem:$0x3FA9] =	sst s2  }
0xb: {  	[smem:$0x3FAA] =	sst s3  }
0xc: {  	[smem:$0x3FAB] =	sst s4  }
0xd: {  	[smem:$0x3FAC] =	sst s5  }
0xe: {  	[smem:$0x3FAD] =	sst s6  }
0xf: {  	[smem:$0x3FAE] =	sst s7  }
0x10: {  	[smem:$0x3FAF] =	sst s8  }
0x11: {  	[smem:$0x3FB0] =	sst s9;
	s0 =	simm.s32 @!p0 $0x0  }
0x12: {  	s1 =	sld [smem:$0x3F96];
	s0 =	simm.s32 @p0 $0x1  }
0x13: {  	[smem:$0x3FB1] =	sst s0;
	s0 =	simm.s32 @!p1 $0x0  }
0x14: {  	s2 =	sld [smem:$0x3F95];
	s0 =	simm.s32 @p1 $0x1  }
0x15: {  	[smem:$0x3FB2] =	sst s0;
	s0 =	simm.s32 @!p2 $0x0  }
0x16: {  	s3 =	sld [smem:$0x3FDB];
	s0 =	simm.s32 @p2 $0x1  }
0x17: {  	s4 =	simm.s32 $0x1BF5;
	[smem:$0x3FB4] =	sst s0  }
0x18: {  	s0 =	sld [smem:$0x3F97];
	_ =	swait.ge [sflag:s4], $0x0  }
0x19: {  	s7 =	sld [smem:$0x3F98]  }
0x1a: {  	s8 =	sadd.s32 $0xFFFFE003, lr  }
0x1b: {  	s9 =	sadd.s32 $0xFFFFFEF7, lr;
	s5 =	simm.s32 $0xFFFFFFFF;
	p2 =	slt.u32 s8, $0xFFFFF086  }
0x1c: {  	p1 =	slt.u32 s9, $0xF7A;
	s5 =	simm.s32 @!p2 $0x0  }
0x1d: {  	s5 =	simm.s32 @p1 $0x1;
	p0 =	seq.s32 s7, s2  }
0x1e: {  	s7 =	smul.u32 @!p0 $0xF7A, s2;
	p2 =	seq.s32 @!p0 s5, $0x0  }
0x1f: {  	s9 =	smul.u32 $0xF7A, s1;
	s8 =	simm.s32 @!p0 $0x1BF5;
	p2 =	por !p2, p0  }
0x20: {  	[sflag:s8] =	ssyncset.s32 @!p0 $0xFFFFF086;
	s6 =	sadd.s32 @!p0 s3, s7;
	s7 =	simm.s32 @!p0 $0x108  }
0x21: {  	s3 =	sadd.s32 s3, s9;
	s6 =	sadd.s32 @!p0 $0x88, s6;
	s7 =	simm.s32 @p2 $0x1082  }
0x22: {  	[simem:s7], [sflag:s8] =	dma.local @!p0 [hbm:s6], $0xF7A  }
0x23: {  	s9 =	sor.u32 $0xD0000000, s2;
	s6 =	simm.s32 $0x108;
	_ =	swait.ge @!p0 [sflag:s8], $0x0  }
0x24: {  	s3 =	sadd.s32 $0x88, s3;
	s6 =	simm.s32 @!p1 $0x1082;
	[sflag:s4] =	ssyncset.s32 $0xFFFFF086  }
0x25: {  	[simem:s6], [sflag:s4] =	dma.local [hbm:s3], $0xF7A  }
0x26: {  	[smem:$0x3F98] =	sst s1;
	(tag) =	ssettag s2;
	_ =	strace s9  }
0x27: {  	s1 =	sld [smem:$0x3FA8]  }
0x28: {  	s2 =	sld [smem:$0x3FA9]  }
0x29: {  	s4 =	sld [smem:$0x3FAB]  }
0x2a: {  	p0 =	seq.s32 s5, $0x0;
	s5 =	sld [smem:$0x3FAC]  }
0x2b: {  	s6 =	sld [smem:$0x3FAD]  }
0x2c: {  	s7 =	sld [smem:$0x3FAE]  }
0x2d: {  	s3 =	simm.s32 $0x108;
	s8 =	sld [smem:$0x3FAF]  }
0x2e: {  	s3 =	simm.s32 @!p0 $0x1082;
	s9 =	sld [smem:$0x3FB0]  }
0x2f: {  	lr =	sadd.s32 s0, s3;
	s0 =	sld [smem:$0x3FA7]  }
0x30: {  	s3 =	sld [smem:$0x3FAA]  }
0x31: {  	[smem:$0x3FB3] =	sst s10  }
0x32: {  	s10 =	sld [smem:$0x3FB1];
	_ =	sdelay $0x3  }
0x33: {  	p0 =	seq.s32 s10, $0x1;
	s10 =	sld [smem:$0x3FB3];
	_ =	sdelay $0x3  }
0x34: {  	[smem:$0x3FB3] =	sst s10  }
0x35: {  	s10 =	sld [smem:$0x3FB2];
	_ =	sdelay $0x3  }
0x36: {  	p1 =	seq.s32 s10, $0x1;
	s10 =	sld [smem:$0x3FB3];
	_ =	sdelay $0x3  }
0x37: {  	[smem:$0x3FB3] =	sst s10  }
0x38: {  	s10 =	sld [smem:$0x3FB4]  }
0x39: {  	_ = 	snop;
	(pc) =	sbr.ind lr, $3  }
0x3a: {  	_ = 	snop  }
0x3b: {  	_ = 	snop  }
0x3c: {  	p2 =	seq.s32 s10, $0x1;
	s10 =	sld [smem:$0x3FB3]  }
0x3d: {  	_ =	shalt  }
0x3e: {  	_ =	shalt  }
0x3f: {  	_ =	shalt  }
0x40: {  	_ =	shalt  }
0x41: {  	_ =	shalt  }
0x42: {  	_ =	shalt  }
0x43: {  	_ =	shalt  }
0x44: {  	_ =	shalt  }
0x45: {  	_ =	shalt  }
0x46: {  	_ =	shalt  }
0x47: {  	_ =	shalt  }
0x48: {  	_ =	shalt  }
0x49: {  	_ =	shalt  }
0x4a: {  	_ =	shalt  }
0x4b: {  	_ =	shalt  }
0x4c: {  	_ =	shalt  }
0x4d: {  	_ =	shalt  }
0x4e: {  	_ =	shalt  }
0x4f: {  	_ =	shalt  }
0x50: {  	_ =	shalt  }
0x51: {  	_ =	shalt  }
0x52: {  	_ =	shalt  }
0x53: {  	_ =	shalt  }
0x54: {  	_ =	shalt  }
0x55: {  	_ =	shalt  }
0x56: {  	_ =	shalt  }
0x57: {  	_ =	shalt  }
0x58: {  	_ =	shalt  }
0x59: {  	_ =	shalt  }
0x5a: {  	_ =	shalt  }
0x5b: {  	_ =	shalt  }
0x5c: {  	_ =	shalt  }
0x5d: {  	_ =	shalt  }
0x5e: {  	_ =	shalt  }
0x5f: {  	_ =	shalt  }
0x60: {  	_ =	shalt  }
0x61: {  	_ =	shalt  }
0x62: {  	_ =	shalt  }
0x63: {  	_ =	shalt  }
0x64: {  	_ =	shalt  }
0x65: {  	_ =	shalt  }
0x66: {  	_ =	shalt  }
0x67: {  	_ =	shalt  }
0x68: {  	_ =	shalt  }
0x69: {  	_ =	shalt  }
0x6a: {  	_ =	shalt  }
0x6b: {  	_ =	shalt  }
0x6c: {  	_ =	shalt  }
0x6d: {  	_ =	shalt  }
0x6e: {  	_ =	shalt  }
0x6f: {  	_ =	shalt  }
0x70: {  	_ =	shalt  }
0x71: {  	_ =	shalt  }
0x72: {  	_ =	shalt  }
0x73: {  	_ =	shalt  }
0x74: {  	_ =	shalt  }
0x75: {  	_ =	shalt  }
0x76: {  	_ =	shalt  }
0x77: {  	_ =	shalt  }
0x78: {  	_ =	shalt  }
0x79: {  	_ =	shalt  }
0x7a: {  	_ =	shalt  }
0x7b: {  	_ =	shalt  }
0x7c: {  	_ =	shalt  }
0x7d: {  	_ =	shalt  }
0x7e: {  	_ =	shalt  }
0x7f: {  	_ =	shalt  }
0x80: {  	_ =	shalt  }
0x81: {  	_ =	shalt  }
0x82: {  	_ =	shalt  }
0x83: {  	_ =	shalt  }
0x84: {  	_ =	shalt  }
0x85: {  	_ =	shalt  }
0x86: {  	_ =	shalt  }
0x87: {  	_ =	shalt  }
.Lfunc_end0:
.L_simem_size_0:
called_computation_lowered:
.L_overlay_start_0:
0x88: {  	s2 =	sld [smem:$0x3FD9]  }
0x89: {  	s3 =	sld [smem:$0x3FFE];
	_ =	sdelay $0x1  }
0x8a: {  	s1 =	srdreg.scid  }
0x8b: {  	s0 =	sand.u32 $0x1, s1  }
0x8c: {  	s14 =	sshll.u32 s0, $0xA;
	s2 =	sadd.s32 s3, s2  }
0x8d: {  	s2 =	sadd.s32 s2, s14  }
0x8e: {  	[smem:$0x3FBF] =	sst s2  }
0x8f: {  	_ = 	snop  }
0x90: {  	s2 =	sld [smem:$0x3FD0];
	_ =	sdelay $0x2  }
0x91: {  	s15 =	simm.s32 $0xA;
	s4 =	simm.s32 $0x10  }
0x92: {  	[smem:s4], [sflag:s15] =	dma.local [hbm:s2], $0x1  }
0x93: {  	_ =	swait.eq [sflag:s15], $0x1  }
0x94: {  	[sflag:s15] =	ssyncset.done $0x0  }
0x95: {  	s16 =	sld [smem:$0x10];
	[sflag:s15] =	ssyncadd.s32 $0xFFFFFFFF  }
0x96: {  	s17 =	sld [smem:$0x12];
	(tm) =	ssettm $0x1  }
0x97: {  	s18 =	sld [smem:$0x3FFB];
	_ =	sdelay $0x3  }
0x98: {  	_ =	strace s18  }
0x99: {  	s4 =	sld [smem:$0x3FFC];
	_ =	sdelay $0x3  }
0x9a: {  	_ =	strace s4  }
0x9b: {  	s4 =	sld [smem:$0x3FFD];
	_ =	sdelay $0x3  }
0x9c: {  	_ =	strace s4  }
0x9d: {  	_ =	strace $0x8FFFFFFF  }
0x9e: {  	s19 =	sld [smem:$0x3FDB];
	_ =	sdelay $0x1  }
0x9f: {  	s5 =	simm.s32 $_scs_section_size  }
0xa0: {  	s6 =	simm.s32 $_size__tile_overlayer_lowered;
	s7 =	simm.s32 $_tile_overlayer_lowered  }
0xa1: {  	s22 =	simm.s32 $0x1BFF;
	s21 =	sshll.u32 s7, $0x1;
	s4 =	sadd.s32 s5, s19  }
0xa2: {  	s8 =	simm.s32 $0x0;
	s20 =	sshll.u32 s6, $0x1;
	s6 =	sadd.s32 s21, s4  }
0xa3: {  	[timem:s8], [sflag:s22] =	dma.local [hbm:s6], s20  }
0xa4: {  	_ =	swait.ge [sflag:s22], s20  }
0xa5: {  	s5 =	ssub.s32 $0x0, s20;
	[sflag:s22] =	ssyncset.done $0x0  }
0xa6: {  	[sflag:s22] =	ssyncadd.s32 s5;
	_ =	sdelay $0x1  }
0xa7: {  	s23 =	simm.s32 $0x1B8B  }
0xa8: {  	_ =	swait.ge [sflag:s23], $0x1  }
0xa9: {  	[sflag:s23] =	ssyncset.done $0x0  }
0xaa: {  	s25 =	simm.s32 $0x1B8E;
	s24 =	sld [smem:$0x3FFE];
	[sflag:s23] =	ssyncadd.s32 $0xFFFFFFFF  }
0xab: {  	s26 =	simm.s32 $execute0_lowered;
	[smem:$0x3FD2] =	sst s25  }
0xac: {  	s6 =	sshll.u32 s26, $0x1;
	_ =	strace $0x80000046;
	[dreg:$0x1] =	wrdreg $0xFFFFFFFF  }
0xad: {  	s28 =	simm.s32 $_size_execute0_lowered;
	s4 =	sadd.s32 s4, s6;
	[dreg:$0x0] =	wrdreg $0x0  }
0xae: {  	s6 =	sshll.u32 s28, $0x1;
	[dreg:$0x2] =	wrdreg s4  }
0xaf: {  	[dreg:$0x3] =	wrdreg s6  }
0xb0: {  	[dreg:$0x4] =	wrdreg $0xC0  }
0xb1: {  	_ =	task [dreg:s8], $0x5FFFF  }
0xb2: {  	[dreg:$0x1] =	wrdreg $0xFFFFFFFF  }
0xb3: {  	[dreg:$0x0] =	wrdreg $0x60  }
0xb4: {  	[dreg:$0x2] =	wrdreg s17  }
0xb5: {  	[dreg:$0x3] =	wrdreg s16  }
0xb6: {  	[dreg:$0x4] =	wrdreg s24  }
0xb7: {  	[dreg:$0x5] =	wrdreg $0x0  }
0xb8: {  	[dreg:$0x6] =	wrdreg $0x9  }
0xb9: {  	_ =	task.clear_ibuf [dreg:s8], $0x7FFFF;
	_ =	strace $0x90000046  }
0xba: {  	s29 =	simm.s32 $0x9;
	_ =	strace $0x80000048  }
0xbb: {  	_ =	swait.ge [sflag:s29], $0x1  }
0xbc: {  	[sflag:s29] =	ssyncadd.s32 $0xFFFFFFFF  }
0xbd: {  	_ =	strace $0x90000048  }
0xbe: {  	_ =	sfence  }
0xbf: {  	s30 =	sld [smem:$0x0];
	_ =	sdelay $0x2  }
0xc0: {  	s31 =	sshll.u32 s1, $0xD;
	s1 =	sshrl.u32 s1, $0x2  }
0xc1: {  	s3 =	sand.u32 $0x4000, s31;
	s1 =	sadd.s32 s1, s30  }
0xc2: {  	s0 =	sor.u32 s3, s0;
	s1 =	sshll.u32 s1, $0x11  }
0xc3: {  	s0 =	sor.u32 s1, s0  }
0xc4: {  	s0 =	sadd.s32 $0x8F2B, s0  }
0xc5: {  	[sflag:s0] =	ssyncadd.remote.s32 $0x1  }
0xc6: {  	_ =	sfence.sel $0xFFFF  }
0xc7: {  	[dreg:$0x0] =	wrdreg $0xFFFFFFFF;
	(pc) =	sbr.abs _section_cstart, $3  }
0xc8: {  	[dreg:$0x1] =	wrdreg $0xFFFFFFFF  }
0xc9: {  	_ =	task.clear_ibuf [dreg:s8], $0x2FFFF;
	_ =	strace $0x9FFFFFFF  }
0xca: {  	(tm) =	ssettm $0x7FFFFFFF  }
0xcb: {  	_ =	shalt  }
tec
execute0_lowered:
.L_overlay_start_1:
0x0: {  	(tag) =	ssettag $0x1  }
0x1: {  	s0 =	rddreg [dreg:$0x0]  }
0x2: {  	s1 =	rddreg [dreg:$0x2]  }
0x3: {  	s3 =	rddreg [dreg:$0x3];
	s9 =	stileid.u32  }
0x4: {  	s2 =	srdreg.scid;
	s4 =	simm.s32 $0x0;
	s11 =	simm.s32 $0x2  }
0x5: {  	s12 =	simm.s32 $0x14800;
	s13 =	simm.s32 $0x14000;
	s14 =	simm.s32 $0x80  }
0x6: {  	s15 =	simm.s32 $0x14080;
	s16 =	simm.s32 $0x14100;
	s17 =	simm.s32 $0x14180  }
0x7: {  	s18 =	simm.s32 $0x14200;
	s19 =	simm.s32 $0x14280;
	s20 =	simm.s32 $0x14300  }
0x8: {  	s21 =	simm.s32 $0x14380;
	s22 =	simm.s32 $0x14400;
	s28 =	simm.s32 $0x14680  }
0x9: {  	s29 =	simm.s32 $0x14700;
	s30 =	simm.s32 $0x14780;
	s5 =	smul.u32 $0x14000, s9  }
0xa: {  	s31 =	simm.s32 $0x1;
	s2 =	sand.u32 $0x1, s2;
	s23 =	smul.u32 $0x50000, s9  }
0xb: {  	[smem:$0x7FF] =	sst s4;
	s26 =	sshll.u32 s9, $0x6;
	s9 =	smul.u32 $0x500, s9  }
0xc: {  	s6 =	smul.u32 $0x140000, s2;
	_ =	strace $0x80000047;
	s8 =	ssub.s32 $0x2, s2  }
0xd: {  	s2 =	smul.u32 $0x5000, s2;
	s7 =	sshrl.u32 s5, $0x3;
	s24 =	sshrl.u32 s8, $0x1  }
0xe: {  	s5 =	sadd.s32 s5, s6;
	s7 =	sadd.s32 s7, s1;
	s6 =	sshrl.u32 s23, $0x2  }
0xf: {  	s0 =	sadd.s32 s2, s0;
	s23 =	simm.s32 $0x14480;
	s5 =	sshrl.u32 s5, $0x3  }
0x10: {  	s10 =	sadd.s32 s6, s3;
	s25 =	sadd.s32 $0x2E00, s7;
	s6 =	sor.u32 $0x1C02, s26  }
0x11: {  	s9 =	sadd.s32 s9, s0;
	s26 =	simm.s32 $0x14600;
	s0 =	simm.s32 $0x0  }
0x12: {  	s1 =	sadd.s32 s5, s1;
	s5 =	ssub.s32 s8, s24;
	[dreg:$0x5] =	wrdreg s25  }
0x13: {  	s10 =	sshrl.u32 s10, $0x3;
	s24 =	simm.s32 $0x14500;
	s1 =	sadd.s32 $0x2AE00, s1  }
0x14: {  	s25 =	simm.s32 $0x14580;
	s8 =	smax.u32 s5, $0x1;
	[dreg:$0x6] =	wrdreg s1  }
.LBB2_1:
0x15: {  	s1 =	rddreg [dreg:$0x5]  }
0x16: {  	[spmem:s10], [sflag:s6] =	dma.local [hbm:s1], $0x2800  }
0x17: {  	_ =	swait.ge [sflag:s11], $0x2800  }
0x18: {  	[sflag:s11] =	ssyncset.done $0x0  }
0x19: {  	[sflag:s11] =	ssyncadd.s32 $0xFFFFD800  }
0x1a: {  	s5 =	rddreg [dreg:$0x1]  }
0x1b: {  	[tilespmem:s12], [sflag:$0x2] =	stream.linear.gather [hbm4b:s5+s4], $0x4000, $0x38;
	[tilespmem:$0x18800] =	vst v63  }
0x1c: {  	_ =	swait.ge [sflag:s11], $0x4000  }
0x1d: {  	[sflag:s11] =	ssyncset.done $0x0  }
0x1e: {  	[sflag:s11] =	ssyncadd.s32 $0xFFFFC000  }
0x1f: {  	s7 =	sadd.s32 $0x0, s9;
	[bflag:$0x0] =	sbarrier.arrive $0xFFFF  }
0x20: {  	[tilespmem:s13], [sflag:$0x2] =	stream.linear.gather [hbm4b:s7+s4], $0x800, $0x38;
	[tilespmem:$0x18800] =	vst v63  }
0x21: {  	_ =	swait.ge [sflag:s11], $0x800  }
0x22: {  	[sflag:s11] =	ssyncset.done $0x0  }
0x23: {  	[sflag:s11] =	ssyncadd.s32 $0xFFFFF800  }
0x24: {  	[spmem:s3] =	stream.indirect.scatter.add.f32 [tilespmem:s12], [sflag:$0x1], $0x80, s13, s14, $0xb8;
	[tilespmem:$0x18800] =	vst v63  }
0x25: {  	_ = 	snop  }
0x26: {  	[spmem:s3] =	stream.indirect.scatter.add.f32 [tilespmem:s12], [sflag:$0x1], $0x80, s15, s14, $0xb8;
	[tilespmem:$0x18800] =	vst v63  }
0x27: {  	_ = 	snop  }
0x28: {  	[spmem:s3] =	stream.indirect.scatter.add.f32 [tilespmem:s12], [sflag:$0x1], $0x80, s16, s14, $0xb8;
	[tilespmem:$0x18800] =	vst v63  }
0x29: {  	_ = 	snop  }
0x2a: {  	[spmem:s3] =	stream.indirect.scatter.add.f32 [tilespmem:s12], [sflag:$0x1], $0x80, s17, s14, $0xb8;
	[tilespmem:$0x18800] =	vst v63  }
0x2b: {  	_ = 	snop  }
0x2c: {  	[spmem:s3] =	stream.indirect.scatter.add.f32 [tilespmem:s12], [sflag:$0x1], $0x80, s18, s14, $0xb8;
	[tilespmem:$0x18800] =	vst v63  }
0x2d: {  	_ = 	snop  }
0x2e: {  	[spmem:s3] =	stream.indirect.scatter.add.f32 [tilespmem:s12], [sflag:$0x1], $0x80, s19, s14, $0xb8;
	[tilespmem:$0x18800] =	vst v63  }
0x2f: {  	_ = 	snop  }
0x30: {  	[spmem:s3] =	stream.indirect.scatter.add.f32 [tilespmem:s12], [sflag:$0x1], $0x80, s20, s14, $0xb8;
	[tilespmem:$0x18800] =	vst v63  }
0x31: {  	_ = 	snop  }
0x32: {  	[spmem:s3] =	stream.indirect.scatter.add.f32 [tilespmem:s12], [sflag:$0x1], $0x80, s21, s14, $0xb8;
	[tilespmem:$0x18800] =	vst v63  }
0x33: {  	_ = 	snop  }
0x34: {  	[spmem:s3] =	stream.indirect.scatter.add.f32 [tilespmem:s12], [sflag:$0x1], $0x80, s22, s14, $0xb8;
	[tilespmem:$0x18800] =	vst v63  }
0x35: {  	_ = 	snop  }
0x36: {  	[spmem:s3] =	stream.indirect.scatter.add.f32 [tilespmem:s12], [sflag:$0x1], $0x80, s23, s14, $0xb8;
	[tilespmem:$0x18800] =	vst v63  }
0x37: {  	_ = 	snop  }
0x38: {  	[spmem:s3] =	stream.indirect.scatter.add.f32 [tilespmem:s12], [sflag:$0x1], $0x80, s24, s14, $0xb8;
	[tilespmem:$0x18800] =	vst v63  }
0x39: {  	_ = 	snop  }
0x3a: {  	[spmem:s3] =	stream.indirect.scatter.add.f32 [tilespmem:s12], [sflag:$0x1], $0x80, s25, s14, $0xb8;
	[tilespmem:$0x18800] =	vst v63  }
0x3b: {  	_ = 	snop  }
0x3c: {  	[spmem:s3] =	stream.indirect.scatter.add.f32 [tilespmem:s12], [sflag:$0x1], $0x80, s26, s14, $0xb8;
	[tilespmem:$0x18800] =	vst v63  }
0x3d: {  	_ = 	snop  }
0x3e: {  	[spmem:s3] =	stream.indirect.scatter.add.f32 [tilespmem:s12], [sflag:$0x1], $0x80, s28, s14, $0xb8;
	[tilespmem:$0x18800] =	vst v63  }
0x3f: {  	_ = 	snop  }
0x40: {  	[spmem:s3] =	stream.indirect.scatter.add.f32 [tilespmem:s12], [sflag:$0x1], $0x80, s29, s14, $0xb8;
	[tilespmem:$0x18800] =	vst v63  }
0x41: {  	_ = 	snop  }
0x42: {  	[spmem:s3] =	stream.indirect.scatter.add.f32 [tilespmem:s12], [sflag:$0x1], $0x80, s30, s14, $0xb8;
	[tilespmem:$0x18800] =	vst v63  }
0x43: {  	_ =	swait.ge [sflag:s31], $0x4000  }
0x44: {  	[sflag:s31] =	ssyncset.done $0x0  }
0x45: {  	[sflag:s31] =	ssyncadd.s32 $0xFFFFC000  }
0x46: {  	_ =	swait.ge [sflag:s31], $0x4000  }
0x47: {  	[sflag:s31] =	ssyncset.done $0x0  }
0x48: {  	[sflag:s31] =	ssyncadd.s32 $0xFFFFC000  }
0x49: {  	_ =	swait.ge [sflag:s31], $0x4000  }
0x4a: {  	[sflag:s31] =	ssyncset.done $0x0  }
0x4b: {  	[sflag:s31] =	ssyncadd.s32 $0xFFFFC000  }
0x4c: {  	_ =	swait.ge [sflag:s31], $0x4000  }
0x4d: {  	[sflag:s31] =	ssyncset.done $0x0  }
0x4e: {  	[sflag:s31] =	ssyncadd.s32 $0xFFFFC000  }
0x4f: {  	_ =	swait.ge [sflag:s31], $0x4000  }
0x50: {  	[sflag:s31] =	ssyncset.done $0x0  }
0x51: {  	[sflag:s31] =	ssyncadd.s32 $0xFFFFC000  }
0x52: {  	_ =	swait.ge [sflag:s31], $0x4000  }
0x53: {  	[sflag:s31] =	ssyncset.done $0x0  }
0x54: {  	[sflag:s31] =	ssyncadd.s32 $0xFFFFC000  }
0x55: {  	_ =	swait.ge [sflag:s31], $0x4000  }
0x56: {  	[sflag:s31] =	ssyncset.done $0x0  }
0x57: {  	[sflag:s31] =	ssyncadd.s32 $0xFFFFC000  }
0x58: {  	_ =	swait.ge [sflag:s31], $0x4000  }
0x59: {  	[sflag:s31] =	ssyncset.done $0x0  }
0x5a: {  	[sflag:s31] =	ssyncadd.s32 $0xFFFFC000  }
0x5b: {  	_ =	swait.ge [sflag:s31], $0x4000  }
0x5c: {  	[sflag:s31] =	ssyncset.done $0x0  }
0x5d: {  	[sflag:s31] =	ssyncadd.s32 $0xFFFFC000  }
0x5e: {  	_ =	swait.ge [sflag:s31], $0x4000  }
0x5f: {  	[sflag:s31] =	ssyncset.done $0x0  }
0x60: {  	[sflag:s31] =	ssyncadd.s32 $0xFFFFC000  }
0x61: {  	_ =	swait.ge [sflag:s31], $0x4000  }
0x62: {  	[sflag:s31] =	ssyncset.done $0x0  }
0x63: {  	[sflag:s31] =	ssyncadd.s32 $0xFFFFC000  }
0x64: {  	_ =	swait.ge [sflag:s31], $0x4000  }
0x65: {  	[sflag:s31] =	ssyncset.done $0x0  }
0x66: {  	[sflag:s31] =	ssyncadd.s32 $0xFFFFC000  }
0x67: {  	_ =	swait.ge [sflag:s31], $0x4000  }
0x68: {  	[sflag:s31] =	ssyncset.done $0x0  }
0x69: {  	[sflag:s31] =	ssyncadd.s32 $0xFFFFC000  }
0x6a: {  	_ =	swait.ge [sflag:s31], $0x4000  }
0x6b: {  	[sflag:s31] =	ssyncset.done $0x0  }
0x6c: {  	[sflag:s31] =	ssyncadd.s32 $0xFFFFC000  }
0x6d: {  	_ =	swait.ge [sflag:s31], $0x4000  }
0x6e: {  	[sflag:s31] =	ssyncset.done $0x0  }
0x6f: {  	[sflag:s31] =	ssyncadd.s32 $0xFFFFC000  }
0x70: {  	_ =	swait.ge [sflag:s31], $0x4000  }
0x71: {  	s2 =	simm.s32 $0x200;
	s1 =	simm.s32 $0x100;
	[sflag:s31] =	ssyncset.done $0x0  }
.LBB2_2:
0x72: {  	s7 =	sadd.s32 s1, s9  }
0x73: {  	[sflag:s31] =	ssyncadd.s32 $0xFFFFC000;
	s1 =	smov.u32 s2;
	s5 =	sadd.s32 $0x100, s2  }
0x74: {  	[tilespmem:s13], [sflag:$0x2] =	stream.linear.gather [hbm4b:s7+s4], $0x800, $0x38;
	[tilespmem:$0x18800] =	vst v63  }
0x75: {  	p0 =	sne.s32 s2, $0x400;
	_ =	swait.ge [sflag:s11], $0x800  }
0x76: {  	[sflag:s11] =	ssyncset.done $0x0  }
0x77: {  	[sflag:s11] =	ssyncadd.s32 $0xFFFFF800  }
0x78: {  	[spmem:s3] =	stream.indirect.scatter.add.f32 [tilespmem:s12], [sflag:$0x1], $0x80, s13, s14, $0xb8;
	[tilespmem:$0x18800] =	vst v63  }
0x79: {  	_ = 	snop  }
0x7a: {  	[spmem:s3] =	stream.indirect.scatter.add.f32 [tilespmem:s12], [sflag:$0x1], $0x80, s15, s14, $0xb8;
	[tilespmem:$0x18800] =	vst v63  }
0x7b: {  	_ = 	snop  }
0x7c: {  	[spmem:s3] =	stream.indirect.scatter.add.f32 [tilespmem:s12], [sflag:$0x1], $0x80, s16, s14, $0xb8;
	[tilespmem:$0x18800] =	vst v63  }
0x7d: {  	_ = 	snop  }
0x7e: {  	[spmem:s3] =	stream.indirect.scatter.add.f32 [tilespmem:s12], [sflag:$0x1], $0x80, s17, s14, $0xb8;
	[tilespmem:$0x18800] =	vst v63  }
0x7f: {  	_ = 	snop  }
0x80: {  	[spmem:s3] =	stream.indirect.scatter.add.f32 [tilespmem:s12], [sflag:$0x1], $0x80, s18, s14, $0xb8;
	[tilespmem:$0x18800] =	vst v63  }
0x81: {  	_ = 	snop  }
0x82: {  	[spmem:s3] =	stream.indirect.scatter.add.f32 [tilespmem:s12], [sflag:$0x1], $0x80, s19, s14, $0xb8;
	[tilespmem:$0x18800] =	vst v63  }
0x83: {  	_ = 	snop  }
0x84: {  	[spmem:s3] =	stream.indirect.scatter.add.f32 [tilespmem:s12], [sflag:$0x1], $0x80, s20, s14, $0xb8;
	[tilespmem:$0x18800] =	vst v63  }
0x85: {  	_ = 	snop  }
0x86: {  	[spmem:s3] =	stream.indirect.scatter.add.f32 [tilespmem:s12], [sflag:$0x1], $0x80, s21, s14, $0xb8;
	[tilespmem:$0x18800] =	vst v63  }
0x87: {  	_ = 	snop  }
0x88: {  	[spmem:s3] =	stream.indirect.scatter.add.f32 [tilespmem:s12], [sflag:$0x1], $0x80, s22, s14, $0xb8;
	[tilespmem:$0x18800] =	vst v63  }
0x89: {  	_ = 	snop  }
0x8a: {  	[spmem:s3] =	stream.indirect.scatter.add.f32 [tilespmem:s12], [sflag:$0x1], $0x80, s23, s14, $0xb8;
	[tilespmem:$0x18800] =	vst v63  }
0x8b: {  	_ = 	snop  }
0x8c: {  	[spmem:s3] =	stream.indirect.scatter.add.f32 [tilespmem:s12], [sflag:$0x1], $0x80, s24, s14, $0xb8;
	[tilespmem:$0x18800] =	vst v63  }
0x8d: {  	_ = 	snop  }
0x8e: {  	[spmem:s3] =	stream.indirect.scatter.add.f32 [tilespmem:s12], [sflag:$0x1], $0x80, s25, s14, $0xb8;
	[tilespmem:$0x18800] =	vst v63  }
0x8f: {  	_ = 	snop  }
0x90: {  	[spmem:s3] =	stream.indirect.scatter.add.f32 [tilespmem:s12], [sflag:$0x1], $0x80, s26, s14, $0xb8;
	[tilespmem:$0x18800] =	vst v63  }
0x91: {  	_ = 	snop  }
0x92: {  	[spmem:s3] =	stream.indirect.scatter.add.f32 [tilespmem:s12], [sflag:$0x1], $0x80, s28, s14, $0xb8;
	[tilespmem:$0x18800] =	vst v63  }
0x93: {  	_ = 	snop  }
0x94: {  	[spmem:s3] =	stream.indirect.scatter.add.f32 [tilespmem:s12], [sflag:$0x1], $0x80, s29, s14, $0xb8;
	[tilespmem:$0x18800] =	vst v63  }
0x95: {  	_ = 	snop  }
0x96: {  	[spmem:s3] =	stream.indirect.scatter.add.f32 [tilespmem:s12], [sflag:$0x1], $0x80, s30, s14, $0xb8;
	[tilespmem:$0x18800] =	vst v63  }
0x97: {  	_ =	swait.ge [sflag:s31], $0x4000  }
0x98: {  	[sflag:s31] =	ssyncset.done $0x0  }
0x99: {  	[sflag:s31] =	ssyncadd.s32 $0xFFFFC000  }
0x9a: {  	_ =	swait.ge [sflag:s31], $0x4000  }
0x9b: {  	[sflag:s31] =	ssyncset.done $0x0  }
0x9c: {  	[sflag:s31] =	ssyncadd.s32 $0xFFFFC000  }
0x9d: {  	_ =	swait.ge [sflag:s31], $0x4000  }
0x9e: {  	[sflag:s31] =	ssyncset.done $0x0  }
0x9f: {  	[sflag:s31] =	ssyncadd.s32 $0xFFFFC000  }
0xa0: {  	_ =	swait.ge [sflag:s31], $0x4000  }
0xa1: {  	[sflag:s31] =	ssyncset.done $0x0  }
0xa2: {  	[sflag:s31] =	ssyncadd.s32 $0xFFFFC000  }
0xa3: {  	_ =	swait.ge [sflag:s31], $0x4000  }
0xa4: {  	[sflag:s31] =	ssyncset.done $0x0  }
0xa5: {  	[sflag:s31] =	ssyncadd.s32 $0xFFFFC000  }
0xa6: {  	_ =	swait.ge [sflag:s31], $0x4000  }
0xa7: {  	[sflag:s31] =	ssyncset.done $0x0  }
0xa8: {  	[sflag:s31] =	ssyncadd.s32 $0xFFFFC000  }
0xa9: {  	_ =	swait.ge [sflag:s31], $0x4000  }
0xaa: {  	[sflag:s31] =	ssyncset.done $0x0  }
0xab: {  	[sflag:s31] =	ssyncadd.s32 $0xFFFFC000  }
0xac: {  	_ =	swait.ge [sflag:s31], $0x4000  }
0xad: {  	[sflag:s31] =	ssyncset.done $0x0  }
0xae: {  	[sflag:s31] =	ssyncadd.s32 $0xFFFFC000  }
0xaf: {  	_ =	swait.ge [sflag:s31], $0x4000  }
0xb0: {  	[sflag:s31] =	ssyncset.done $0x0  }
0xb1: {  	[sflag:s31] =	ssyncadd.s32 $0xFFFFC000  }
0xb2: {  	_ =	swait.ge [sflag:s31], $0x4000  }
0xb3: {  	[sflag:s31] =	ssyncset.done $0x0  }
0xb4: {  	[sflag:s31] =	ssyncadd.s32 $0xFFFFC000  }
0xb5: {  	_ =	swait.ge [sflag:s31], $0x4000  }
0xb6: {  	[sflag:s31] =	ssyncset.done $0x0  }
0xb7: {  	[sflag:s31] =	ssyncadd.s32 $0xFFFFC000  }
0xb8: {  	_ =	swait.ge [sflag:s31], $0x4000  }
0xb9: {  	[sflag:s31] =	ssyncset.done $0x0  }
0xba: {  	[sflag:s31] =	ssyncadd.s32 $0xFFFFC000  }
0xbb: {  	_ =	swait.ge [sflag:s31], $0x4000  }
0xbc: {  	[sflag:s31] =	ssyncset.done $0x0  }
0xbd: {  	[sflag:s31] =	ssyncadd.s32 $0xFFFFC000  }
0xbe: {  	_ =	swait.ge [sflag:s31], $0x4000  }
0xbf: {  	[sflag:s31] =	ssyncset.done $0x0  }
0xc0: {  	[sflag:s31] =	ssyncadd.s32 $0xFFFFC000  }
.Ltmp0:
0xc1: {  	_ =	swait.ge [sflag:s31], $0x4000;
	(pc) =	sbr.rel @p0 .LBB2_2-.Ltmp0, $4  }
0xc2: {  	[sflag:s31] =	ssyncset.done $0x0  }
0xc3: {  	[sflag:s31] =	ssyncadd.s32 $0xFFFFC000  }
0xc4: {  	_ =	swait.ge [sflag:s31], $0x4000  }
0xc5: {  	s2 =	smov.u32 s5;
	[sflag:s31] =	ssyncset.done $0x0  }
0xc6: {  	s1 =	sadd.s32 s1, s9;
	[sflag:s31] =	ssyncadd.s32 $0xFFFFC000  }
0xc7: {  	[tilespmem:s13], [sflag:$0x2] =	stream.linear.gather [hbm4b:s1+s4], $0x800, $0x38;
	[tilespmem:$0x18800] =	vst v63  }
0xc8: {  	_ =	swait.ge [sflag:s11], $0x800  }
0xc9: {  	[sflag:s11] =	ssyncset.done $0x0  }
0xca: {  	[sflag:s11] =	ssyncadd.s32 $0xFFFFF800  }
0xcb: {  	[spmem:s3] =	stream.indirect.scatter.add.f32 [tilespmem:s12], [sflag:$0x1], $0x80, s13, s14, $0xb8;
	[tilespmem:$0x18800] =	vst v63  }
0xcc: {  	_ = 	snop  }
0xcd: {  	[spmem:s3] =	stream.indirect.scatter.add.f32 [tilespmem:s12], [sflag:$0x1], $0x80, s15, s14, $0xb8;
	[tilespmem:$0x18800] =	vst v63  }
0xce: {  	_ = 	snop  }
0xcf: {  	[spmem:s3] =	stream.indirect.scatter.add.f32 [tilespmem:s12], [sflag:$0x1], $0x80, s16, s14, $0xb8;
	[tilespmem:$0x18800] =	vst v63  }
0xd0: {  	_ = 	snop  }
0xd1: {  	[spmem:s3] =	stream.indirect.scatter.add.f32 [tilespmem:s12], [sflag:$0x1], $0x80, s17, s14, $0xb8;
	[tilespmem:$0x18800] =	vst v63  }
0xd2: {  	_ = 	snop  }
0xd3: {  	[spmem:s3] =	stream.indirect.scatter.add.f32 [tilespmem:s12], [sflag:$0x1], $0x80, s18, s14, $0xb8;
	[tilespmem:$0x18800] =	vst v63  }
0xd4: {  	_ = 	snop  }
0xd5: {  	[spmem:s3] =	stream.indirect.scatter.add.f32 [tilespmem:s12], [sflag:$0x1], $0x80, s19, s14, $0xb8;
	[tilespmem:$0x18800] =	vst v63  }
0xd6: {  	_ = 	snop  }
0xd7: {  	[spmem:s3] =	stream.indirect.scatter.add.f32 [tilespmem:s12], [sflag:$0x1], $0x80, s20, s14, $0xb8;
	[tilespmem:$0x18800] =	vst v63  }
0xd8: {  	_ = 	snop  }
0xd9: {  	[spmem:s3] =	stream.indirect.scatter.add.f32 [tilespmem:s12], [sflag:$0x1], $0x80, s21, s14, $0xb8;
	[tilespmem:$0x18800] =	vst v63  }
0xda: {  	_ = 	snop  }
0xdb: {  	[spmem:s3] =	stream.indirect.scatter.add.f32 [tilespmem:s12], [sflag:$0x1], $0x80, s22, s14, $0xb8;
	[tilespmem:$0x18800] =	vst v63  }
0xdc: {  	_ = 	snop  }
0xdd: {  	[spmem:s3] =	stream.indirect.scatter.add.f32 [tilespmem:s12], [sflag:$0x1], $0x80, s23, s14, $0xb8;
	[tilespmem:$0x18800] =	vst v63  }
0xde: {  	_ = 	snop  }
0xdf: {  	[spmem:s3] =	stream.indirect.scatter.add.f32 [tilespmem:s12], [sflag:$0x1], $0x80, s24, s14, $0xb8;
	[tilespmem:$0x18800] =	vst v63  }
0xe0: {  	_ = 	snop  }
0xe1: {  	[spmem:s3] =	stream.indirect.scatter.add.f32 [tilespmem:s12], [sflag:$0x1], $0x80, s25, s14, $0xb8;
	[tilespmem:$0x18800] =	vst v63  }
0xe2: {  	_ = 	snop  }
0xe3: {  	[spmem:s3] =	stream.indirect.scatter.add.f32 [tilespmem:s12], [sflag:$0x1], $0x80, s26, s14, $0xb8;
	[tilespmem:$0x18800] =	vst v63  }
0xe4: {  	_ = 	snop  }
0xe5: {  	[spmem:s3] =	stream.indirect.scatter.add.f32 [tilespmem:s12], [sflag:$0x1], $0x80, s28, s14, $0xb8;
	[tilespmem:$0x18800] =	vst v63  }
0xe6: {  	_ = 	snop  }
0xe7: {  	[spmem:s3] =	stream.indirect.scatter.add.f32 [tilespmem:s12], [sflag:$0x1], $0x80, s29, s14, $0xb8;
	[tilespmem:$0x18800] =	vst v63  }
0xe8: {  	_ = 	snop  }
0xe9: {  	[spmem:s3] =	stream.indirect.scatter.add.f32 [tilespmem:s12], [sflag:$0x1], $0x80, s30, s14, $0xb8;
	[tilespmem:$0x18800] =	vst v63  }
0xea: {  	_ =	swait.ge [sflag:s31], $0x4000  }
0xeb: {  	[sflag:s31] =	ssyncset.done $0x0  }
0xec: {  	[sflag:s31] =	ssyncadd.s32 $0xFFFFC000  }
0xed: {  	_ =	swait.ge [sflag:s31], $0x4000  }
0xee: {  	[sflag:s31] =	ssyncset.done $0x0  }
0xef: {  	[sflag:s31] =	ssyncadd.s32 $0xFFFFC000  }
0xf0: {  	_ =	swait.ge [sflag:s31], $0x4000  }
0xf1: {  	[sflag:s31] =	ssyncset.done $0x0  }
0xf2: {  	[sflag:s31] =	ssyncadd.s32 $0xFFFFC000  }
0xf3: {  	_ =	swait.ge [sflag:s31], $0x4000  }
0xf4: {  	[sflag:s31] =	ssyncset.done $0x0  }
0xf5: {  	[sflag:s31] =	ssyncadd.s32 $0xFFFFC000  }
0xf6: {  	_ =	swait.ge [sflag:s31], $0x4000  }
0xf7: {  	[sflag:s31] =	ssyncset.done $0x0  }
0xf8: {  	[sflag:s31] =	ssyncadd.s32 $0xFFFFC000  }
0xf9: {  	_ =	swait.ge [sflag:s31], $0x4000  }
0xfa: {  	[sflag:s31] =	ssyncset.done $0x0  }
0xfb: {  	[sflag:s31] =	ssyncadd.s32 $0xFFFFC000  }
0xfc: {  	_ =	swait.ge [sflag:s31], $0x4000  }
0xfd: {  	[sflag:s31] =	ssyncset.done $0x0  }
0xfe: {  	[sflag:s31] =	ssyncadd.s32 $0xFFFFC000  }
0xff: {  	_ =	swait.ge [sflag:s31], $0x4000  }
0x100: {  	[sflag:s31] =	ssyncset.done $0x0  }
0x101: {  	[sflag:s31] =	ssyncadd.s32 $0xFFFFC000  }
0x102: {  	_ =	swait.ge [sflag:s31], $0x4000  }
0x103: {  	[sflag:s31] =	ssyncset.done $0x0  }
0x104: {  	[sflag:s31] =	ssyncadd.s32 $0xFFFFC000  }
0x105: {  	_ =	swait.ge [sflag:s31], $0x4000  }
0x106: {  	[sflag:s31] =	ssyncset.done $0x0  }
0x107: {  	[sflag:s31] =	ssyncadd.s32 $0xFFFFC000  }
0x108: {  	_ =	swait.ge [sflag:s31], $0x4000  }
0x109: {  	[sflag:s31] =	ssyncset.done $0x0  }
0x10a: {  	[sflag:s31] =	ssyncadd.s32 $0xFFFFC000  }
0x10b: {  	_ =	swait.ge [sflag:s31], $0x4000  }
0x10c: {  	[sflag:s31] =	ssyncset.done $0x0  }
0x10d: {  	[sflag:s31] =	ssyncadd.s32 $0xFFFFC000  }
0x10e: {  	_ =	swait.ge [sflag:s31], $0x4000  }
0x10f: {  	[sflag:s31] =	ssyncset.done $0x0  }
0x110: {  	[sflag:s31] =	ssyncadd.s32 $0xFFFFC000  }
0x111: {  	_ =	swait.ge [sflag:s31], $0x4000  }
0x112: {  	[sflag:s31] =	ssyncset.done $0x0  }
0x113: {  	[sflag:s31] =	ssyncadd.s32 $0xFFFFC000  }
0x114: {  	_ =	swait.ge [sflag:s31], $0x4000  }
0x115: {  	[sflag:s31] =	ssyncset.done $0x0  }
0x116: {  	[sflag:s31] =	ssyncadd.s32 $0xFFFFC000  }
0x117: {  	_ =	swait.ge [sflag:s31], $0x4000  }
0x118: {  	[sflag:s31] =	ssyncset.done $0x0  }
0x119: {  	s0 =	sadd.s32 $0x1, s0;
	[sflag:s31] =	ssyncadd.s32 $0xFFFFC000  }
0x11a: {  	p0 =	sne.s32 s0, s8;
	[bflag:$0x0] =	sbarrier.arrive $0xFFFF  }
.Ltmp1:
0x11b: {  	s7 =	rddreg [dreg:$0x6];
	(pc) =	sbr.rel @p0 .LBB2_1-.Ltmp1, $4  }
0x11c: {  	[hbm:s7], [sflag:s6] =	dma.local [spmem:s10], $0x2800  }
0x11d: {  	_ =	swait.ge [sflag:s11], $0x2800  }
0x11e: {  	[sflag:s11] =	ssyncset.done $0x0  }
0x11f: {  	[sflag:s11] =	ssyncadd.s32 $0xFFFFD800  }
0x120: {  	_ =	sfence.sel $0x180000  }
0x121: {  	[bflag:$0x0] =	sbarrier.arrive $0xFFFF  }
0x122: {  	_ =	strace $0x90000047  }
0x123: {  	s0 =	stileid.u32;
	[bflag:$0x2] =	sbarrier.arrive $0xFFFF  }
0x124: {  	p0 =	sne.s32 s0, $0x0;
	s0 =	rddreg [dreg:$0x4]  }
0x125: {  	s0 =	sadd.s32 @!p0 $0x100000, s0  }
0x126: {  	[sflag:s0] =	ssyncadd.tile.s32 @!p0 $0x1;
	_ =	shalt  }
.Lfunc_end2:
_tile_overlayer_lowered:
.L_overlay_start_2:
0x127: {  	(tag) =	ssettag $0x2  }
0x128: {  	s0 =	rddreg [dreg:$0x0];
	s2 =	stileid.u32  }
0x129: {  	s1 =	rddreg [dreg:$0x1];
	p0 =	sne.s32 s2, $0x0  }
0x12a: {  	s3 =	rddreg [dreg:$0x2];
	[bflag:$0x3] =	sbarrier.arrive $0xFFFF;
	s2 =	simm.s32 @!p0 $0x1C02  }
0x12b: {  	[timem:s3], [sflag:s2] =	dma.local @!p0 [hbm:s0], s1  }
0x12c: {  	s0 =	simm.s32 @!p0 $0x2  }
0x12d: {  	_ =	swait.ge @!p0 [sflag:s0], s1  }
0x12e: {  	s1 =	ssub.s32 @!p0 $0x0, s1;
	[sflag:s0] =	ssyncset.done @!p0 $0x0  }
0x12f: {  	[sflag:s0] =	ssyncadd.s32 @!p0 s1  }
0x130: {  	[bflag:$0x3] =	sbarrier.arrive $0xFFFF  }
0x131: {  	_ =	shalt  }

// kernel: kernel.9.cloned.1.call-start
scs
__scs_entry_jumppad:
0x0: {  	(pc) =	sbr.rel $0x88, $3  }
0x1: {  	(tag) =	ssettag $0x0;
	lr =	simm.s32 $0x1  }
0x2: {  	[smem:$0x3F98] =	sst lr;
	_ =	strace $0xD0000000  }
0x3: {  	_ = 	snop  }
0x4: {  	_ = 	snop  }
0x5: {  	_ = 	snop  }
0x6: {  	_ = 	snop  }
0x7: {  	_ = 	snop  }
__scs_overlays_trampoline_lowered:
0x8: {  	[smem:$0x3FA7] =	sst s0  }
0x9: {  	[smem:$0x3FA8] =	sst s1  }
0xa: {  	[smem:$0x3FA9] =	sst s2  }
0xb: {  	[smem:$0x3FAA] =	sst s3  }
0xc: {  	[smem:$0x3FAB] =	sst s4  }
0xd: {  	[smem:$0x3FAC] =	sst s5  }
0xe: {  	[smem:$0x3FAD] =	sst s6  }
0xf: {  	[smem:$0x3FAE] =	sst s7  }
0x10: {  	[smem:$0x3FAF] =	sst s8  }
0x11: {  	[smem:$0x3FB0] =	sst s9;
	s0 =	simm.s32 @!p0 $0x0  }
0x12: {  	s1 =	sld [smem:$0x3F96];
	s0 =	simm.s32 @p0 $0x1  }
0x13: {  	[smem:$0x3FB1] =	sst s0;
	s0 =	simm.s32 @!p1 $0x0  }
0x14: {  	s2 =	sld [smem:$0x3F95];
	s0 =	simm.s32 @p1 $0x1  }
0x15: {  	[smem:$0x3FB2] =	sst s0;
	s0 =	simm.s32 @!p2 $0x0  }
0x16: {  	s3 =	sld [smem:$0x3FDB];
	s0 =	simm.s32 @p2 $0x1  }
0x17: {  	s4 =	simm.s32 $0x1BF5;
	[smem:$0x3FB4] =	sst s0  }
0x18: {  	s0 =	sld [smem:$0x3F97];
	_ =	swait.ge [sflag:s4], $0x0  }
0x19: {  	s7 =	sld [smem:$0x3F98]  }
0x1a: {  	s8 =	sadd.s32 $0xFFFFE003, lr  }
0x1b: {  	s9 =	sadd.s32 $0xFFFFFEF7, lr;
	s5 =	simm.s32 $0xFFFFFFFF;
	p2 =	slt.u32 s8, $0xFFFFF086  }
0x1c: {  	p1 =	slt.u32 s9, $0xF7A;
	s5 =	simm.s32 @!p2 $0x0  }
0x1d: {  	s5 =	simm.s32 @p1 $0x1;
	p0 =	seq.s32 s7, s2  }
0x1e: {  	s7 =	smul.u32 @!p0 $0xF7A, s2;
	p2 =	seq.s32 @!p0 s5, $0x0  }
0x1f: {  	s9 =	smul.u32 $0xF7A, s1;
	s8 =	simm.s32 @!p0 $0x1BF5;
	p2 =	por !p2, p0  }
0x20: {  	[sflag:s8] =	ssyncset.s32 @!p0 $0xFFFFF086;
	s6 =	sadd.s32 @!p0 s3, s7;
	s7 =	simm.s32 @!p0 $0x108  }
0x21: {  	s3 =	sadd.s32 s3, s9;
	s6 =	sadd.s32 @!p0 $0x88, s6;
	s7 =	simm.s32 @p2 $0x1082  }
0x22: {  	[simem:s7], [sflag:s8] =	dma.local @!p0 [hbm:s6], $0xF7A  }
0x23: {  	s9 =	sor.u32 $0xD0000000, s2;
	s6 =	simm.s32 $0x108;
	_ =	swait.ge @!p0 [sflag:s8], $0x0  }
0x24: {  	s3 =	sadd.s32 $0x88, s3;
	s6 =	simm.s32 @!p1 $0x1082;
	[sflag:s4] =	ssyncset.s32 $0xFFFFF086  }
0x25: {  	[simem:s6], [sflag:s4] =	dma.local [hbm:s3], $0xF7A  }
0x26: {  	[smem:$0x3F98] =	sst s1;
	(tag) =	ssettag s2;
	_ =	strace s9  }
0x27: {  	s1 =	sld [smem:$0x3FA8]  }
0x28: {  	s2 =	sld [smem:$0x3FA9]  }
0x29: {  	s4 =	sld [smem:$0x3FAB]  }
0x2a: {  	p0 =	seq.s32 s5, $0x0;
	s5 =	sld [smem:$0x3FAC]  }
0x2b: {  	s6 =	sld [smem:$0x3FAD]  }
0x2c: {  	s7 =	sld [smem:$0x3FAE]  }
0x2d: {  	s3 =	simm.s32 $0x108;
	s8 =	sld [smem:$0x3FAF]  }
0x2e: {  	s3 =	simm.s32 @!p0 $0x1082;
	s9 =	sld [smem:$0x3FB0]  }
0x2f: {  	lr =	sadd.s32 s0, s3;
	s0 =	sld [smem:$0x3FA7]  }
0x30: {  	s3 =	sld [smem:$0x3FAA]  }
0x31: {  	[smem:$0x3FB3] =	sst s10  }
0x32: {  	s10 =	sld [smem:$0x3FB1];
	_ =	sdelay $0x3  }
0x33: {  	p0 =	seq.s32 s10, $0x1;
	s10 =	sld [smem:$0x3FB3];
	_ =	sdelay $0x3  }
0x34: {  	[smem:$0x3FB3] =	sst s10  }
0x35: {  	s10 =	sld [smem:$0x3FB2];
	_ =	sdelay $0x3  }
0x36: {  	p1 =	seq.s32 s10, $0x1;
	s10 =	sld [smem:$0x3FB3];
	_ =	sdelay $0x3  }
0x37: {  	[smem:$0x3FB3] =	sst s10  }
0x38: {  	s10 =	sld [smem:$0x3FB4]  }
0x39: {  	_ = 	snop;
	(pc) =	sbr.ind lr, $3  }
0x3a: {  	_ = 	snop  }
0x3b: {  	_ = 	snop  }
0x3c: {  	p2 =	seq.s32 s10, $0x1;
	s10 =	sld [smem:$0x3FB3]  }
0x3d: {  	_ =	shalt  }
0x3e: {  	_ =	shalt  }
0x3f: {  	_ =	shalt  }
0x40: {  	_ =	shalt  }
0x41: {  	_ =	shalt  }
0x42: {  	_ =	shalt  }
0x43: {  	_ =	shalt  }
0x44: {  	_ =	shalt  }
0x45: {  	_ =	shalt  }
0x46: {  	_ =	shalt  }
0x47: {  	_ =	shalt  }
0x48: {  	_ =	shalt  }
0x49: {  	_ =	shalt  }
0x4a: {  	_ =	shalt  }
0x4b: {  	_ =	shalt  }
0x4c: {  	_ =	shalt  }
0x4d: {  	_ =	shalt  }
0x4e: {  	_ =	shalt  }
0x4f: {  	_ =	shalt  }
0x50: {  	_ =	shalt  }
0x51: {  	_ =	shalt  }
0x52: {  	_ =	shalt  }
0x53: {  	_ =	shalt  }
0x54: {  	_ =	shalt  }
0x55: {  	_ =	shalt  }
0x56: {  	_ =	shalt  }
0x57: {  	_ =	shalt  }
0x58: {  	_ =	shalt  }
0x59: {  	_ =	shalt  }
0x5a: {  	_ =	shalt  }
0x5b: {  	_ =	shalt  }
0x5c: {  	_ =	shalt  }
0x5d: {  	_ =	shalt  }
0x5e: {  	_ =	shalt  }
0x5f: {  	_ =	shalt  }
0x60: {  	_ =	shalt  }
0x61: {  	_ =	shalt  }
0x62: {  	_ =	shalt  }
0x63: {  	_ =	shalt  }
0x64: {  	_ =	shalt  }
0x65: {  	_ =	shalt  }
0x66: {  	_ =	shalt  }
0x67: {  	_ =	shalt  }
0x68: {  	_ =	shalt  }
0x69: {  	_ =	shalt  }
0x6a: {  	_ =	shalt  }
0x6b: {  	_ =	shalt  }
0x6c: {  	_ =	shalt  }
0x6d: {  	_ =	shalt  }
0x6e: {  	_ =	shalt  }
0x6f: {  	_ =	shalt  }
0x70: {  	_ =	shalt  }
0x71: {  	_ =	shalt  }
0x72: {  	_ =	shalt  }
0x73: {  	_ =	shalt  }
0x74: {  	_ =	shalt  }
0x75: {  	_ =	shalt  }
0x76: {  	_ =	shalt  }
0x77: {  	_ =	shalt  }
0x78: {  	_ =	shalt  }
0x79: {  	_ =	shalt  }
0x7a: {  	_ =	shalt  }
0x7b: {  	_ =	shalt  }
0x7c: {  	_ =	shalt  }
0x7d: {  	_ =	shalt  }
0x7e: {  	_ =	shalt  }
0x7f: {  	_ =	shalt  }
0x80: {  	_ =	shalt  }
0x81: {  	_ =	shalt  }
0x82: {  	_ =	shalt  }
0x83: {  	_ =	shalt  }
0x84: {  	_ =	shalt  }
0x85: {  	_ =	shalt  }
0x86: {  	_ =	shalt  }
0x87: {  	_ =	shalt  }
.Lfunc_end0:
.L_simem_size_0:
called_computation.1_lowered:
.L_overlay_start_0:
0x88: {  	s2 =	sld [smem:$0x3FD9]  }
0x89: {  	s3 =	sld [smem:$0x3FFE];
	_ =	sdelay $0x1  }
0x8a: {  	s1 =	srdreg.scid  }
0x8b: {  	s0 =	sand.u32 $0x1, s1  }
0x8c: {  	s14 =	sshll.u32 s0, $0xA;
	s2 =	sadd.s32 s3, s2  }
0x8d: {  	s2 =	sadd.s32 s2, s14  }
0x8e: {  	[smem:$0x3FBF] =	sst s2  }
0x8f: {  	_ = 	snop  }
0x90: {  	s2 =	sld [smem:$0x3FD0];
	_ =	sdelay $0x2  }
0x91: {  	s15 =	simm.s32 $0xA;
	s4 =	simm.s32 $0x10  }
0x92: {  	[smem:s4], [sflag:s15] =	dma.local [hbm:s2], $0x1  }
0x93: {  	_ =	swait.eq [sflag:s15], $0x1  }
0x94: {  	[sflag:s15] =	ssyncset.done $0x0  }
0x95: {  	s16 =	sld [smem:$0x11];
	[sflag:s15] =	ssyncadd.s32 $0xFFFFFFFF  }
0x96: {  	s17 =	sld [smem:$0x12];
	(tm) =	ssettm $0x1  }
0x97: {  	s18 =	sld [smem:$0x3FFB];
	_ =	sdelay $0x3  }
0x98: {  	_ =	strace s18  }
0x99: {  	s4 =	sld [smem:$0x3FFC];
	_ =	sdelay $0x3  }
0x9a: {  	_ =	strace s4  }
0x9b: {  	s4 =	sld [smem:$0x3FFD];
	_ =	sdelay $0x3  }
0x9c: {  	_ =	strace s4  }
0x9d: {  	_ =	strace $0x8FFFFFFF  }
0x9e: {  	s19 =	sld [smem:$0x3FDB];
	_ =	sdelay $0x1  }
0x9f: {  	s5 =	simm.s32 $_scs_section_size  }
0xa0: {  	s6 =	simm.s32 $_size__tile_overlayer_lowered;
	s7 =	simm.s32 $_tile_overlayer_lowered  }
0xa1: {  	s22 =	simm.s32 $0x1BFF;
	s21 =	sshll.u32 s7, $0x1;
	s4 =	sadd.s32 s5, s19  }
0xa2: {  	s8 =	simm.s32 $0x0;
	s20 =	sshll.u32 s6, $0x1;
	s6 =	sadd.s32 s21, s4  }
0xa3: {  	[timem:s8], [sflag:s22] =	dma.local [hbm:s6], s20  }
0xa4: {  	_ =	swait.ge [sflag:s22], s20  }
0xa5: {  	s5 =	ssub.s32 $0x0, s20;
	[sflag:s22] =	ssyncset.done $0x0  }
0xa6: {  	[sflag:s22] =	ssyncadd.s32 s5;
	_ =	sdelay $0x1  }
0xa7: {  	s23 =	simm.s32 $0x1B8B  }
0xa8: {  	_ =	swait.ge [sflag:s23], $0x1  }
0xa9: {  	[sflag:s23] =	ssyncset.done $0x0  }
0xaa: {  	s25 =	simm.s32 $0x1B8E;
	s24 =	sld [smem:$0x3FFE];
	[sflag:s23] =	ssyncadd.s32 $0xFFFFFFFF  }
0xab: {  	s26 =	simm.s32 $execute0_lowered;
	[smem:$0x3FD2] =	sst s25  }
0xac: {  	s6 =	sshll.u32 s26, $0x1;
	_ =	strace $0x80000049;
	[dreg:$0x1] =	wrdreg $0xFFFFFFFF  }
0xad: {  	s28 =	simm.s32 $_size_execute0_lowered;
	s4 =	sadd.s32 s4, s6;
	[dreg:$0x0] =	wrdreg $0x0  }
0xae: {  	s6 =	sshll.u32 s28, $0x1;
	[dreg:$0x2] =	wrdreg s4  }
0xaf: {  	[dreg:$0x3] =	wrdreg s6  }
0xb0: {  	[dreg:$0x4] =	wrdreg $0xC0  }
0xb1: {  	_ =	task [dreg:s8], $0x5FFFF  }
0xb2: {  	[dreg:$0x1] =	wrdreg $0xFFFFFFFF  }
0xb3: {  	[dreg:$0x0] =	wrdreg $0x60  }
0xb4: {  	[dreg:$0x2] =	wrdreg s16  }
0xb5: {  	[dreg:$0x3] =	wrdreg s17  }
0xb6: {  	[dreg:$0x4] =	wrdreg s24  }
0xb7: {  	[dreg:$0x5] =	wrdreg $0x0  }
0xb8: {  	[dreg:$0x6] =	wrdreg $0x9  }
0xb9: {  	_ =	task.clear_ibuf [dreg:s8], $0x7FFFF;
	_ =	strace $0x90000049  }
0xba: {  	s29 =	simm.s32 $0x9;
	_ =	strace $0x8000004B  }
0xbb: {  	_ =	swait.ge [sflag:s29], $0x1  }
0xbc: {  	[sflag:s29] =	ssyncadd.s32 $0xFFFFFFFF  }
0xbd: {  	_ =	strace $0x9000004B  }
0xbe: {  	_ =	sfence  }
0xbf: {  	s30 =	sld [smem:$0x0];
	_ =	sdelay $0x2  }
0xc0: {  	s31 =	sshll.u32 s1, $0xD;
	s1 =	sshrl.u32 s1, $0x2  }
0xc1: {  	s3 =	sand.u32 $0x4000, s31;
	s1 =	sadd.s32 s1, s30  }
0xc2: {  	s0 =	sor.u32 s3, s0;
	s1 =	sshll.u32 s1, $0x11  }
0xc3: {  	s0 =	sor.u32 s1, s0  }
0xc4: {  	s0 =	sadd.s32 $0x8F2B, s0  }
0xc5: {  	[sflag:s0] =	ssyncadd.remote.s32 $0x1  }
0xc6: {  	_ =	sfence.sel $0xFFFF  }
0xc7: {  	[dreg:$0x0] =	wrdreg $0xFFFFFFFF;
	(pc) =	sbr.abs _section_cstart, $3  }
0xc8: {  	[dreg:$0x1] =	wrdreg $0xFFFFFFFF  }
0xc9: {  	_ =	task.clear_ibuf [dreg:s8], $0x2FFFF;
	_ =	strace $0x9FFFFFFF  }
0xca: {  	(tm) =	ssettm $0x7FFFFFFF  }
0xcb: {  	_ =	shalt  }
tec
execute0_lowered:
.L_overlay_start_1:
0x0: {  	(tag) =	ssettag $0x1  }
0x1: {  	s0 =	rddreg [dreg:$0x0]  }
0x2: {  	s1 =	rddreg [dreg:$0x1]  }
0x3: {  	s5 =	rddreg [dreg:$0x2]  }
0x4: {  	s2 =	rddreg [dreg:$0x3];
	s13 =	stileid.u32;
	s3 =	simm.s32 $0x0  }
0x5: {  	s4 =	srdreg.scid;
	s15 =	simm.s32 $0x14180;
	s17 =	simm.s32 $0x14900  }
0x6: {  	s18 =	simm.s32 $0x14200;
	s19 =	simm.s32 $0x14980;
	s20 =	simm.s32 $0x14280  }
0x7: {  	s21 =	simm.s32 $0x14A00;
	s28 =	simm.s32 $0x14680;
	[smem:$0x7FF] =	sst s3  }
0x8: {  	s29 =	simm.s32 $0x14E00;
	_ =	strace $0x8000004A;
	[dreg:$0xa] =	wrdreg s15  }
0x9: {  	s30 =	simm.s32 $0x14700;
	s6 =	smul.u32 $0x14000, s13;
	[dreg:$0xb] =	wrdreg s17  }
0xa: {  	s31 =	simm.s32 $0x14E80;
	s10 =	smul.u32 $0x50000, s13;
	[dreg:$0xc] =	wrdreg s18  }
0xb: {  	s7 =	sand.u32 $0x1, s4;
	s12 =	smul.u32 $0x500, s13;
	[dreg:$0xd] =	wrdreg s19  }
0xc: {  	s4 =	sadd.s32 $0x7AE00, s5;
	s9 =	smul.u32 $0x140000, s7;
	[dreg:$0xe] =	wrdreg s20  }
0xd: {  	s22 =	ssub.s32 $0x2, s7;
	s7 =	smul.u32 $0x5000, s7;
	[dreg:$0xf] =	wrdreg s21  }
0xe: {  	s15 =	simm.s32 $0x19000;
	s17 =	simm.s32 $0x2;
	s18 =	simm.s32 $0x14B80  }
0xf: {  	s19 =	simm.s32 $0x14480;
	s20 =	simm.s32 $0x14C00;
	s21 =	simm.s32 $0x14500  }
0x10: {  	s8 =	sshrl.u32 s6, $0x3;
	s11 =	sshrl.u32 s22, $0x1;
	s24 =	sshrl.u32 s10, $0x2  }
0x11: {  	s10 =	simm.s32 $0x14080;
	s8 =	sadd.s32 s8, s5;
	s6 =	sadd.s32 s6, s9  }
0x12: {  	s23 =	ssub.s32 s22, s11;
	s0 =	sadd.s32 s7, s0;
	s1 =	sadd.s32 s7, s1  }
0x13: {  	s25 =	sadd.s32 s24, s2;
	s11 =	sshll.u32 s13, $0x6;
	[dreg:$0x7] =	wrdreg s10  }
0x14: {  	s13 =	simm.s32 $0x14880;
	s10 =	simm.s32 $0x3;
	s22 =	simm.s32 $0x14300  }
0x15: {  	s24 =	simm.s32 $0x14380;
	s6 =	sshrl.u32 s6, $0x3;
	[dreg:$0x9] =	wrdreg s13  }
0x16: {  	s0 =	sadd.s32 s12, s0;
	s26 =	sadd.s32 s12, s1;
	[dreg:$0x10] =	wrdreg s22  }
0x17: {  	s9 =	sadd.s32 $0x2E00, s8;
	s12 =	simm.s32 $0x14100;
	[dreg:$0x12] =	wrdreg s24  }
0x18: {  	s8 =	sor.u32 $0x1C03, s11;
	s16 =	smax.u32 s23, $0x1;
	[dreg:$0x5] =	wrdreg s0  }
0x19: {  	s7 =	sshrl.u32 s25, $0x3;
	s11 =	simm.s32 $0x14000;
	[dreg:$0x15] =	wrdreg s9  }
0x1a: {  	s13 =	simm.s32 $0x80;
	s23 =	simm.s32 $0x14A80;
	[dreg:$0x6] =	wrdreg s26  }
0x1b: {  	s25 =	simm.s32 $0x14B00;
	s22 =	simm.s32 $0x14C80;
	[dreg:$0x8] =	wrdreg s12  }
0x1c: {  	s24 =	simm.s32 $0x14D00;
	s1 =	simm.s32 $0x14F00;
	[dreg:$0x18] =	wrdreg s16  }
0x1d: {  	s5 =	sadd.s32 s6, s5;
	s12 =	simm.s32 $0x14800;
	[dreg:$0x11] =	wrdreg s23  }
0x1e: {  	s16 =	simm.s32 $0x1;
	[dreg:$0x13] =	wrdreg s25;
	s26 =	simm.s32 $0x14400  }
0x1f: {  	s23 =	simm.s32 $0x14580;
	s25 =	simm.s32 $0x14600;
	[dreg:$0x16] =	wrdreg s8  }
0x20: {  	s0 =	simm.s32 $0x14780;
	s9 =	simm.s32 $0x0;
	[dreg:$0x19] =	wrdreg s7  }
0x21: {  	s14 =	sadd.s32 $0xA2E00, s5;
	[dreg:$0x14] =	wrdreg s26;
	s26 =	simm.s32 $0x14D80  }
0x22: {  	s5 =	simm.s32 $0x14F80;
	[dreg:$0x17] =	wrdreg s14;
	s14 =	simm.s32 $0x15000  }
.LBB2_1:
0x23: {  	[dreg:$0x1a] =	wrdreg s9  }
0x24: {  	s6 =	rddreg [dreg:$0x15]  }
0x25: {  	[spmem:s7], [sflag:s8] =	dma.local [hbm:s6], $0x2800  }
0x26: {  	_ =	swait.ge [sflag:s10], $0x2800  }
0x27: {  	[sflag:s10] =	ssyncset.done $0x0  }
0x28: {  	[sflag:s10] =	ssyncadd.s32 $0xFFFFD800  }
0x29: {  	[bflag:$0x0] =	sbarrier.arrive $0xFFFF  }
0x2a: {  	s9 =	rddreg [dreg:$0x5]  }
0x2b: {  	s6 =	sadd.s32 $0x0, s9  }
0x2c: {  	[tilespmem:s11], [sflag:$0x3] =	stream.linear.gather [hbm4b:s6+s3], $0x800, $0x38;
	[tilespmem:$0x1D000] =	vst v63  }
0x2d: {  	_ =	swait.ge [sflag:s10], $0x800  }
0x2e: {  	s7 =	rddreg [dreg:$0x6];
	[sflag:s10] =	ssyncset.done $0x0  }
0x2f: {  	[sflag:s10] =	ssyncadd.s32 $0xFFFFF800;
	s6 =	sadd.s32 $0x0, s7  }
0x30: {  	[tilespmem:s12], [sflag:$0x3] =	stream.linear.gather [hbm4b:s6+s3], $0x800, $0x38;
	[tilespmem:$0x1D000] =	vst v63  }
0x31: {  	_ =	swait.ge [sflag:s10], $0x800  }
0x32: {  	[sflag:s10] =	ssyncset.done $0x0  }
0x33: {  	[sflag:s10] =	ssyncadd.s32 $0xFFFFF800  }
0x34: {  	[tilespmem:s14], [sflag:$0x1] =	stream.indirect.gather [hbm4b:s4+s13], $0x80, s11, s13, $0xb8;
	[tilespmem:$0x1D000] =	vst v63  }
0x35: {  	s8 =	rddreg [dreg:$0x7]  }
0x36: {  	[tilespmem:s15], [sflag:$0x2] =	stream.indirect.gather [hbm4b:s4+s13], $0x80, s8, s13, $0xb8;
	[tilespmem:$0x1D000] =	vst v63  }
0x37: {  	_ =	swait.ge [sflag:s16], $0x4000  }
0x38: {  	[sflag:s16] =	ssyncset.done $0x0  }
0x39: {  	[sflag:s16] =	ssyncadd.s32 $0xFFFFC000  }
0x3a: {  	[spmem:s2] =	stream.indirect.scatter.add.f32 [tilespmem:s14], [sflag:$0x3], $0x80, s12, s13, $0xb8;
	[tilespmem:$0x1D000] =	vst v63  }
0x3b: {  	_ =	swait.ge [sflag:s10], $0x4000  }
0x3c: {  	[sflag:s10] =	ssyncset.done $0x0  }
0x3d: {  	s9 =	rddreg [dreg:$0x8];
	[sflag:s10] =	ssyncadd.s32 $0xFFFFC000  }
0x3e: {  	[tilespmem:s14], [sflag:$0x1] =	stream.indirect.gather [hbm4b:s4+s13], $0x80, s9, s13, $0xb8;
	[tilespmem:$0x1D000] =	vst v63  }
0x3f: {  	_ =	swait.ge [sflag:s17], $0x4000  }
0x40: {  	[sflag:s17] =	ssyncset.done $0x0  }
0x41: {  	s7 =	rddreg [dreg:$0x9];
	[sflag:s17] =	ssyncadd.s32 $0xFFFFC000  }
0x42: {  	[spmem:s2] =	stream.indirect.scatter.add.f32 [tilespmem:s15], [sflag:$0x3], $0x80, s7, s13, $0xb8;
	[tilespmem:$0x1D000] =	vst v63  }
0x43: {  	_ =	swait.ge [sflag:s10], $0x4000  }
0x44: {  	[sflag:s10] =	ssyncset.done $0x0  }
0x45: {  	s8 =	rddreg [dreg:$0xa];
	[sflag:s10] =	ssyncadd.s32 $0xFFFFC000  }
0x46: {  	[tilespmem:s15], [sflag:$0x2] =	stream.indirect.gather [hbm4b:s4+s13], $0x80, s8, s13, $0xb8;
	[tilespmem:$0x1D000] =	vst v63  }
0x47: {  	_ =	swait.ge [sflag:s16], $0x4000  }
0x48: {  	[sflag:s16] =	ssyncset.done $0x0  }
0x49: {  	s9 =	rddreg [dreg:$0xb];
	[sflag:s16] =	ssyncadd.s32 $0xFFFFC000  }
0x4a: {  	[spmem:s2] =	stream.indirect.scatter.add.f32 [tilespmem:s14], [sflag:$0x3], $0x80, s9, s13, $0xb8;
	[tilespmem:$0x1D000] =	vst v63  }
0x4b: {  	_ =	swait.ge [sflag:s10], $0x4000  }
0x4c: {  	[sflag:s10] =	ssyncset.done $0x0  }
0x4d: {  	s7 =	rddreg [dreg:$0xc];
	[sflag:s10] =	ssyncadd.s32 $0xFFFFC000  }
0x4e: {  	[tilespmem:s14], [sflag:$0x1] =	stream.indirect.gather [hbm4b:s4+s13], $0x80, s7, s13, $0xb8;
	[tilespmem:$0x1D000] =	vst v63  }
0x4f: {  	_ =	swait.ge [sflag:s17], $0x4000  }
0x50: {  	[sflag:s17] =	ssyncset.done $0x0  }
0x51: {  	s8 =	rddreg [dreg:$0xd];
	[sflag:s17] =	ssyncadd.s32 $0xFFFFC000  }
0x52: {  	[spmem:s2] =	stream.indirect.scatter.add.f32 [tilespmem:s15], [sflag:$0x3], $0x80, s8, s13, $0xb8;
	[tilespmem:$0x1D000] =	vst v63  }
0x53: {  	_ =	swait.ge [sflag:s10], $0x4000  }
0x54: {  	[sflag:s10] =	ssyncset.done $0x0  }
0x55: {  	s9 =	rddreg [dreg:$0xe];
	[sflag:s10] =	ssyncadd.s32 $0xFFFFC000  }
0x56: {  	[tilespmem:s15], [sflag:$0x2] =	stream.indirect.gather [hbm4b:s4+s13], $0x80, s9, s13, $0xb8;
	[tilespmem:$0x1D000] =	vst v63  }
0x57: {  	_ =	swait.ge [sflag:s16], $0x4000  }
0x58: {  	[sflag:s16] =	ssyncset.done $0x0  }
0x59: {  	s7 =	rddreg [dreg:$0xf];
	[sflag:s16] =	ssyncadd.s32 $0xFFFFC000  }
0x5a: {  	[spmem:s2] =	stream.indirect.scatter.add.f32 [tilespmem:s14], [sflag:$0x3], $0x80, s7, s13, $0xb8;
	[tilespmem:$0x1D000] =	vst v63  }
0x5b: {  	_ =	swait.ge [sflag:s10], $0x4000  }
0x5c: {  	[sflag:s10] =	ssyncset.done $0x0  }
0x5d: {  	s8 =	rddreg [dreg:$0x10];
	[sflag:s10] =	ssyncadd.s32 $0xFFFFC000  }
0x5e: {  	[tilespmem:s14], [sflag:$0x1] =	stream.indirect.gather [hbm4b:s4+s13], $0x80, s8, s13, $0xb8;
	[tilespmem:$0x1D000] =	vst v63  }
0x5f: {  	_ =	swait.ge [sflag:s17], $0x4000  }
0x60: {  	[sflag:s17] =	ssyncset.done $0x0  }
0x61: {  	s9 =	rddreg [dreg:$0x11];
	[sflag:s17] =	ssyncadd.s32 $0xFFFFC000  }
0x62: {  	[spmem:s2] =	stream.indirect.scatter.add.f32 [tilespmem:s15], [sflag:$0x3], $0x80, s9, s13, $0xb8;
	[tilespmem:$0x1D000] =	vst v63  }
0x63: {  	_ =	swait.ge [sflag:s10], $0x4000  }
0x64: {  	[sflag:s10] =	ssyncset.done $0x0  }
0x65: {  	s7 =	rddreg [dreg:$0x12];
	[sflag:s10] =	ssyncadd.s32 $0xFFFFC000  }
0x66: {  	[tilespmem:s15], [sflag:$0x2] =	stream.indirect.gather [hbm4b:s4+s13], $0x80, s7, s13, $0xb8;
	[tilespmem:$0x1D000] =	vst v63  }
0x67: {  	_ =	swait.ge [sflag:s16], $0x4000  }
0x68: {  	[sflag:s16] =	ssyncset.done $0x0  }
0x69: {  	s8 =	rddreg [dreg:$0x13];
	[sflag:s16] =	ssyncadd.s32 $0xFFFFC000  }
0x6a: {  	[spmem:s2] =	stream.indirect.scatter.add.f32 [tilespmem:s14], [sflag:$0x3], $0x80, s8, s13, $0xb8;
	[tilespmem:$0x1D000] =	vst v63  }
0x6b: {  	_ =	swait.ge [sflag:s10], $0x4000  }
0x6c: {  	[sflag:s10] =	ssyncset.done $0x0  }
0x6d: {  	s9 =	rddreg [dreg:$0x14];
	[sflag:s10] =	ssyncadd.s32 $0xFFFFC000  }
0x6e: {  	[tilespmem:s14], [sflag:$0x1] =	stream.indirect.gather [hbm4b:s4+s13], $0x80, s9, s13, $0xb8;
	[tilespmem:$0x1D000] =	vst v63  }
0x6f: {  	_ =	swait.ge [sflag:s17], $0x4000  }
0x70: {  	[sflag:s17] =	ssyncset.done $0x0  }
0x71: {  	[sflag:s17] =	ssyncadd.s32 $0xFFFFC000  }
0x72: {  	[spmem:s2] =	stream.indirect.scatter.add.f32 [tilespmem:s15], [sflag:$0x3], $0x80, s18, s13, $0xb8;
	[tilespmem:$0x1D000] =	vst v63  }
0x73: {  	_ =	swait.ge [sflag:s10], $0x4000  }
0x74: {  	[sflag:s10] =	ssyncset.done $0x0  }
0x75: {  	[sflag:s10] =	ssyncadd.s32 $0xFFFFC000  }
0x76: {  	[tilespmem:s15], [sflag:$0x2] =	stream.indirect.gather [hbm4b:s4+s13], $0x80, s19, s13, $0xb8;
	[tilespmem:$0x1D000] =	vst v63  }
0x77: {  	_ =	swait.ge [sflag:s16], $0x4000  }
0x78: {  	[sflag:s16] =	ssyncset.done $0x0  }
0x79: {  	[sflag:s16] =	ssyncadd.s32 $0xFFFFC000  }
0x7a: {  	[spmem:s2] =	stream.indirect.scatter.add.f32 [tilespmem:s14], [sflag:$0x3], $0x80, s20, s13, $0xb8;
	[tilespmem:$0x1D000] =	vst v63  }
0x7b: {  	_ =	swait.ge [sflag:s10], $0x4000  }
0x7c: {  	[sflag:s10] =	ssyncset.done $0x0  }
0x7d: {  	[sflag:s10] =	ssyncadd.s32 $0xFFFFC000  }
0x7e: {  	[tilespmem:s14], [sflag:$0x1] =	stream.indirect.gather [hbm4b:s4+s13], $0x80, s21, s13, $0xb8;
	[tilespmem:$0x1D000] =	vst v63  }
0x7f: {  	_ =	swait.ge [sflag:s17], $0x4000  }
0x80: {  	[sflag:s17] =	ssyncset.done $0x0  }
0x81: {  	[sflag:s17] =	ssyncadd.s32 $0xFFFFC000  }
0x82: {  	[spmem:s2] =	stream.indirect.scatter.add.f32 [tilespmem:s15], [sflag:$0x3], $0x80, s22, s13, $0xb8;
	[tilespmem:$0x1D000] =	vst v63  }
0x83: {  	_ =	swait.ge [sflag:s10], $0x4000  }
0x84: {  	[sflag:s10] =	ssyncset.done $0x0  }
0x85: {  	[sflag:s10] =	ssyncadd.s32 $0xFFFFC000  }
0x86: {  	[tilespmem:s15], [sflag:$0x2] =	stream.indirect.gather [hbm4b:s4+s13], $0x80, s23, s13, $0xb8;
	[tilespmem:$0x1D000] =	vst v63  }
0x87: {  	_ =	swait.ge [sflag:s16], $0x4000  }
0x88: {  	[sflag:s16] =	ssyncset.done $0x0  }
0x89: {  	[sflag:s16] =	ssyncadd.s32 $0xFFFFC000  }
0x8a: {  	[spmem:s2] =	stream.indirect.scatter.add.f32 [tilespmem:s14], [sflag:$0x3], $0x80, s24, s13, $0xb8;
	[tilespmem:$0x1D000] =	vst v63  }
0x8b: {  	_ =	swait.ge [sflag:s10], $0x4000  }
0x8c: {  	[sflag:s10] =	ssyncset.done $0x0  }
0x8d: {  	[sflag:s10] =	ssyncadd.s32 $0xFFFFC000  }
0x8e: {  	[tilespmem:s14], [sflag:$0x1] =	stream.indirect.gather [hbm4b:s4+s13], $0x80, s25, s13, $0xb8;
	[tilespmem:$0x1D000] =	vst v63  }
0x8f: {  	_ =	swait.ge [sflag:s17], $0x4000  }
0x90: {  	[sflag:s17] =	ssyncset.done $0x0  }
0x91: {  	[sflag:s17] =	ssyncadd.s32 $0xFFFFC000  }
0x92: {  	[spmem:s2] =	stream.indirect.scatter.add.f32 [tilespmem:s15], [sflag:$0x3], $0x80, s26, s13, $0xb8;
	[tilespmem:$0x1D000] =	vst v63  }
0x93: {  	_ =	swait.ge [sflag:s10], $0x4000  }
0x94: {  	[sflag:s10] =	ssyncset.done $0x0  }
0x95: {  	[sflag:s10] =	ssyncadd.s32 $0xFFFFC000  }
0x96: {  	[tilespmem:s15], [sflag:$0x2] =	stream.indirect.gather [hbm4b:s4+s13], $0x80, s28, s13, $0xb8;
	[tilespmem:$0x1D000] =	vst v63  }
0x97: {  	_ =	swait.ge [sflag:s16], $0x4000  }
0x98: {  	[sflag:s16] =	ssyncset.done $0x0  }
0x99: {  	[sflag:s16] =	ssyncadd.s32 $0xFFFFC000  }
0x9a: {  	[spmem:s2] =	stream.indirect.scatter.add.f32 [tilespmem:s14], [sflag:$0x3], $0x80, s29, s13, $0xb8;
	[tilespmem:$0x1D000] =	vst v63  }
0x9b: {  	_ =	swait.ge [sflag:s10], $0x4000  }
0x9c: {  	[sflag:s10] =	ssyncset.done $0x0  }
0x9d: {  	[sflag:s10] =	ssyncadd.s32 $0xFFFFC000  }
0x9e: {  	[tilespmem:s14], [sflag:$0x1] =	stream.indirect.gather [hbm4b:s4+s13], $0x80, s30, s13, $0xb8;
	[tilespmem:$0x1D000] =	vst v63  }
0x9f: {  	_ =	swait.ge [sflag:s17], $0x4000  }
0xa0: {  	[sflag:s17] =	ssyncset.done $0x0  }
0xa1: {  	[sflag:s17] =	ssyncadd.s32 $0xFFFFC000  }
0xa2: {  	[spmem:s2] =	stream.indirect.scatter.add.f32 [tilespmem:s15], [sflag:$0x3], $0x80, s31, s13, $0xb8;
	[tilespmem:$0x1D000] =	vst v63  }
0xa3: {  	_ =	swait.ge [sflag:s10], $0x4000  }
0xa4: {  	[sflag:s10] =	ssyncset.done $0x0  }
0xa5: {  	[sflag:s10] =	ssyncadd.s32 $0xFFFFC000  }
0xa6: {  	[tilespmem:s15], [sflag:$0x2] =	stream.indirect.gather [hbm4b:s4+s13], $0x80, s0, s13, $0xb8;
	[tilespmem:$0x1D000] =	vst v63  }
0xa7: {  	_ =	swait.ge [sflag:s16], $0x4000  }
0xa8: {  	[sflag:s16] =	ssyncset.done $0x0  }
0xa9: {  	[sflag:s16] =	ssyncadd.s32 $0xFFFFC000  }
0xaa: {  	[spmem:s2] =	stream.indirect.scatter.add.f32 [tilespmem:s14], [sflag:$0x3], $0x80, s1, s13, $0xb8;
	[tilespmem:$0x1D000] =	vst v63  }
0xab: {  	_ =	swait.ge [sflag:s10], $0x4000  }
0xac: {  	[sflag:s10] =	ssyncset.done $0x0  }
0xad: {  	[sflag:s10] =	ssyncadd.s32 $0xFFFFC000  }
0xae: {  	_ =	swait.ge [sflag:s17], $0x4000  }
0xaf: {  	[sflag:s17] =	ssyncset.done $0x0  }
0xb0: {  	[sflag:s17] =	ssyncadd.s32 $0xFFFFC000  }
0xb1: {  	[spmem:s2] =	stream.indirect.scatter.add.f32 [tilespmem:s15], [sflag:$0x3], $0x80, s5, s13, $0xb8;
	[tilespmem:$0x1D000] =	vst v63  }
0xb2: {  	s6 =	simm.s32 $0x200;
	_ =	swait.ge [sflag:s10], $0x4000  }
0xb3: {  	s8 =	simm.s32 $0x100;
	s9 =	rddreg [dreg:$0x5];
	[sflag:s10] =	ssyncset.done $0x0  }
.LBB2_2:
0xb4: {  	[sflag:s10] =	ssyncadd.s32 $0xFFFFC000;
	s9 =	sadd.s32 s8, s9  }
0xb5: {  	[tilespmem:s11], [sflag:$0x3] =	stream.linear.gather [hbm4b:s9+s3], $0x800, $0x38;
	[tilespmem:$0x1D000] =	vst v63  }
0xb6: {  	_ =	swait.ge [sflag:s10], $0x800  }
0xb7: {  	s9 =	rddreg [dreg:$0x6];
	[sflag:s10] =	ssyncset.done $0x0  }
0xb8: {  	[sflag:s10] =	ssyncadd.s32 $0xFFFFF800;
	s9 =	sadd.s32 s8, s9  }
0xb9: {  	[tilespmem:s12], [sflag:$0x3] =	stream.linear.gather [hbm4b:s9+s3], $0x800, $0x38;
	[tilespmem:$0x1D000] =	vst v63  }
0xba: {  	_ =	swait.ge [sflag:s10], $0x800  }
0xbb: {  	[sflag:s10] =	ssyncset.done $0x0  }
0xbc: {  	[sflag:s10] =	ssyncadd.s32 $0xFFFFF800  }
0xbd: {  	[tilespmem:s14], [sflag:$0x1] =	stream.indirect.gather [hbm4b:s4+s13], $0x80, s11, s13, $0xb8;
	[tilespmem:$0x1D000] =	vst v63  }
0xbe: {  	s9 =	rddreg [dreg:$0x7]  }
0xbf: {  	[tilespmem:s15], [sflag:$0x2] =	stream.indirect.gather [hbm4b:s4+s13], $0x80, s9, s13, $0xb8;
	[tilespmem:$0x1D000] =	vst v63  }
0xc0: {  	_ =	swait.ge [sflag:s16], $0x4000  }
0xc1: {  	[sflag:s16] =	ssyncset.done $0x0  }
0xc2: {  	[sflag:s16] =	ssyncadd.s32 $0xFFFFC000  }
0xc3: {  	[spmem:s2] =	stream.indirect.scatter.add.f32 [tilespmem:s14], [sflag:$0x3], $0x80, s12, s13, $0xb8;
	[tilespmem:$0x1D000] =	vst v63  }
0xc4: {  	_ =	swait.ge [sflag:s10], $0x4000  }
0xc5: {  	[sflag:s10] =	ssyncset.done $0x0  }
0xc6: {  	s9 =	rddreg [dreg:$0x8];
	[sflag:s10] =	ssyncadd.s32 $0xFFFFC000  }
0xc7: {  	[tilespmem:s14], [sflag:$0x1] =	stream.indirect.gather [hbm4b:s4+s13], $0x80, s9, s13, $0xb8;
	[tilespmem:$0x1D000] =	vst v63  }
0xc8: {  	_ =	swait.ge [sflag:s17], $0x4000  }
0xc9: {  	[sflag:s17] =	ssyncset.done $0x0  }
0xca: {  	s9 =	rddreg [dreg:$0x9];
	[sflag:s17] =	ssyncadd.s32 $0xFFFFC000  }
0xcb: {  	[spmem:s2] =	stream.indirect.scatter.add.f32 [tilespmem:s15], [sflag:$0x3], $0x80, s9, s13, $0xb8;
	[tilespmem:$0x1D000] =	vst v63  }
0xcc: {  	_ =	swait.ge [sflag:s10], $0x4000  }
0xcd: {  	[sflag:s10] =	ssyncset.done $0x0  }
0xce: {  	s9 =	rddreg [dreg:$0xa];
	[sflag:s10] =	ssyncadd.s32 $0xFFFFC000  }
0xcf: {  	[tilespmem:s15], [sflag:$0x2] =	stream.indirect.gather [hbm4b:s4+s13], $0x80, s9, s13, $0xb8;
	[tilespmem:$0x1D000] =	vst v63  }
0xd0: {  	_ =	swait.ge [sflag:s16], $0x4000  }
0xd1: {  	[sflag:s16] =	ssyncset.done $0x0  }
0xd2: {  	s9 =	rddreg [dreg:$0xb];
	[sflag:s16] =	ssyncadd.s32 $0xFFFFC000  }
0xd3: {  	[spmem:s2] =	stream.indirect.scatter.add.f32 [tilespmem:s14], [sflag:$0x3], $0x80, s9, s13, $0xb8;
	[tilespmem:$0x1D000] =	vst v63  }
0xd4: {  	_ =	swait.ge [sflag:s10], $0x4000  }
0xd5: {  	[sflag:s10] =	ssyncset.done $0x0  }
0xd6: {  	s9 =	rddreg [dreg:$0xc];
	[sflag:s10] =	ssyncadd.s32 $0xFFFFC000  }
0xd7: {  	[tilespmem:s14], [sflag:$0x1] =	stream.indirect.gather [hbm4b:s4+s13], $0x80, s9, s13, $0xb8;
	[tilespmem:$0x1D000] =	vst v63  }
0xd8: {  	_ =	swait.ge [sflag:s17], $0x4000  }
0xd9: {  	[sflag:s17] =	ssyncset.done $0x0  }
0xda: {  	s9 =	rddreg [dreg:$0xd];
	[sflag:s17] =	ssyncadd.s32 $0xFFFFC000  }
0xdb: {  	[spmem:s2] =	stream.indirect.scatter.add.f32 [tilespmem:s15], [sflag:$0x3], $0x80, s9, s13, $0xb8;
	[tilespmem:$0x1D000] =	vst v63  }
0xdc: {  	_ =	swait.ge [sflag:s10], $0x4000  }
0xdd: {  	[sflag:s10] =	ssyncset.done $0x0  }
0xde: {  	s9 =	rddreg [dreg:$0xe];
	[sflag:s10] =	ssyncadd.s32 $0xFFFFC000  }
0xdf: {  	[tilespmem:s15], [sflag:$0x2] =	stream.indirect.gather [hbm4b:s4+s13], $0x80, s9, s13, $0xb8;
	[tilespmem:$0x1D000] =	vst v63  }
0xe0: {  	_ =	swait.ge [sflag:s16], $0x4000  }
0xe1: {  	[sflag:s16] =	ssyncset.done $0x0  }
0xe2: {  	s9 =	rddreg [dreg:$0xf];
	[sflag:s16] =	ssyncadd.s32 $0xFFFFC000  }
0xe3: {  	[spmem:s2] =	stream.indirect.scatter.add.f32 [tilespmem:s14], [sflag:$0x3], $0x80, s9, s13, $0xb8;
	[tilespmem:$0x1D000] =	vst v63  }
0xe4: {  	_ =	swait.ge [sflag:s10], $0x4000  }
0xe5: {  	[sflag:s10] =	ssyncset.done $0x0  }
0xe6: {  	s9 =	rddreg [dreg:$0x10];
	[sflag:s10] =	ssyncadd.s32 $0xFFFFC000  }
0xe7: {  	[tilespmem:s14], [sflag:$0x1] =	stream.indirect.gather [hbm4b:s4+s13], $0x80, s9, s13, $0xb8;
	[tilespmem:$0x1D000] =	vst v63  }
0xe8: {  	_ =	swait.ge [sflag:s17], $0x4000  }
0xe9: {  	[sflag:s17] =	ssyncset.done $0x0  }
0xea: {  	s9 =	rddreg [dreg:$0x11];
	[sflag:s17] =	ssyncadd.s32 $0xFFFFC000  }
0xeb: {  	[spmem:s2] =	stream.indirect.scatter.add.f32 [tilespmem:s15], [sflag:$0x3], $0x80, s9, s13, $0xb8;
	[tilespmem:$0x1D000] =	vst v63  }
0xec: {  	_ =	swait.ge [sflag:s10], $0x4000  }
0xed: {  	[sflag:s10] =	ssyncset.done $0x0  }
0xee: {  	s9 =	rddreg [dreg:$0x12];
	[sflag:s10] =	ssyncadd.s32 $0xFFFFC000  }
0xef: {  	[tilespmem:s15], [sflag:$0x2] =	stream.indirect.gather [hbm4b:s4+s13], $0x80, s9, s13, $0xb8;
	[tilespmem:$0x1D000] =	vst v63  }
0xf0: {  	_ =	swait.ge [sflag:s16], $0x4000  }
0xf1: {  	[sflag:s16] =	ssyncset.done $0x0  }
0xf2: {  	s9 =	rddreg [dreg:$0x13];
	[sflag:s16] =	ssyncadd.s32 $0xFFFFC000  }
0xf3: {  	[spmem:s2] =	stream.indirect.scatter.add.f32 [tilespmem:s14], [sflag:$0x3], $0x80, s9, s13, $0xb8;
	[tilespmem:$0x1D000] =	vst v63  }
0xf4: {  	_ =	swait.ge [sflag:s10], $0x4000  }
0xf5: {  	[sflag:s10] =	ssyncset.done $0x0  }
0xf6: {  	s9 =	rddreg [dreg:$0x14];
	[sflag:s10] =	ssyncadd.s32 $0xFFFFC000  }
0xf7: {  	[tilespmem:s14], [sflag:$0x1] =	stream.indirect.gather [hbm4b:s4+s13], $0x80, s9, s13, $0xb8;
	[tilespmem:$0x1D000] =	vst v63  }
0xf8: {  	_ =	swait.ge [sflag:s17], $0x4000  }
0xf9: {  	[sflag:s17] =	ssyncset.done $0x0  }
0xfa: {  	[sflag:s17] =	ssyncadd.s32 $0xFFFFC000  }
0xfb: {  	[spmem:s2] =	stream.indirect.scatter.add.f32 [tilespmem:s15], [sflag:$0x3], $0x80, s18, s13, $0xb8;
	[tilespmem:$0x1D000] =	vst v63  }
0xfc: {  	_ =	swait.ge [sflag:s10], $0x4000  }
0xfd: {  	[sflag:s10] =	ssyncset.done $0x0  }
0xfe: {  	[sflag:s10] =	ssyncadd.s32 $0xFFFFC000  }
0xff: {  	[tilespmem:s15], [sflag:$0x2] =	stream.indirect.gather [hbm4b:s4+s13], $0x80, s19, s13, $0xb8;
	[tilespmem:$0x1D000] =	vst v63  }
0x100: {  	_ =	swait.ge [sflag:s16], $0x4000  }
0x101: {  	[sflag:s16] =	ssyncset.done $0x0  }
0x102: {  	[sflag:s16] =	ssyncadd.s32 $0xFFFFC000  }
0x103: {  	[spmem:s2] =	stream.indirect.scatter.add.f32 [tilespmem:s14], [sflag:$0x3], $0x80, s20, s13, $0xb8;
	[tilespmem:$0x1D000] =	vst v63  }
0x104: {  	_ =	swait.ge [sflag:s10], $0x4000  }
0x105: {  	[sflag:s10] =	ssyncset.done $0x0  }
0x106: {  	[sflag:s10] =	ssyncadd.s32 $0xFFFFC000  }
0x107: {  	[tilespmem:s14], [sflag:$0x1] =	stream.indirect.gather [hbm4b:s4+s13], $0x80, s21, s13, $0xb8;
	[tilespmem:$0x1D000] =	vst v63  }
0x108: {  	_ =	swait.ge [sflag:s17], $0x4000  }
0x109: {  	[sflag:s17] =	ssyncset.done $0x0  }
0x10a: {  	[sflag:s17] =	ssyncadd.s32 $0xFFFFC000  }
0x10b: {  	[spmem:s2] =	stream.indirect.scatter.add.f32 [tilespmem:s15], [sflag:$0x3], $0x80, s22, s13, $0xb8;
	[tilespmem:$0x1D000] =	vst v63  }
0x10c: {  	_ =	swait.ge [sflag:s10], $0x4000  }
0x10d: {  	[sflag:s10] =	ssyncset.done $0x0  }
0x10e: {  	[sflag:s10] =	ssyncadd.s32 $0xFFFFC000  }
0x10f: {  	[tilespmem:s15], [sflag:$0x2] =	stream.indirect.gather [hbm4b:s4+s13], $0x80, s23, s13, $0xb8;
	[tilespmem:$0x1D000] =	vst v63  }
0x110: {  	_ =	swait.ge [sflag:s16], $0x4000  }
0x111: {  	[sflag:s16] =	ssyncset.done $0x0  }
0x112: {  	[sflag:s16] =	ssyncadd.s32 $0xFFFFC000  }
0x113: {  	[spmem:s2] =	stream.indirect.scatter.add.f32 [tilespmem:s14], [sflag:$0x3], $0x80, s24, s13, $0xb8;
	[tilespmem:$0x1D000] =	vst v63  }
0x114: {  	_ =	swait.ge [sflag:s10], $0x4000  }
0x115: {  	[sflag:s10] =	ssyncset.done $0x0  }
0x116: {  	[sflag:s10] =	ssyncadd.s32 $0xFFFFC000  }
0x117: {  	[tilespmem:s14], [sflag:$0x1] =	stream.indirect.gather [hbm4b:s4+s13], $0x80, s25, s13, $0xb8;
	[tilespmem:$0x1D000] =	vst v63  }
0x118: {  	_ =	swait.ge [sflag:s17], $0x4000  }
0x119: {  	[sflag:s17] =	ssyncset.done $0x0  }
0x11a: {  	[sflag:s17] =	ssyncadd.s32 $0xFFFFC000  }
0x11b: {  	[spmem:s2] =	stream.indirect.scatter.add.f32 [tilespmem:s15], [sflag:$0x3], $0x80, s26, s13, $0xb8;
	[tilespmem:$0x1D000] =	vst v63  }
0x11c: {  	_ =	swait.ge [sflag:s10], $0x4000  }
0x11d: {  	[sflag:s10] =	ssyncset.done $0x0  }
0x11e: {  	[sflag:s10] =	ssyncadd.s32 $0xFFFFC000  }
0x11f: {  	[tilespmem:s15], [sflag:$0x2] =	stream.indirect.gather [hbm4b:s4+s13], $0x80, s28, s13, $0xb8;
	[tilespmem:$0x1D000] =	vst v63  }
0x120: {  	_ =	swait.ge [sflag:s16], $0x4000  }
0x121: {  	[sflag:s16] =	ssyncset.done $0x0  }
0x122: {  	[sflag:s16] =	ssyncadd.s32 $0xFFFFC000  }
0x123: {  	[spmem:s2] =	stream.indirect.scatter.add.f32 [tilespmem:s14], [sflag:$0x3], $0x80, s29, s13, $0xb8;
	[tilespmem:$0x1D000] =	vst v63  }
0x124: {  	_ =	swait.ge [sflag:s10], $0x4000  }
0x125: {  	[sflag:s10] =	ssyncset.done $0x0  }
0x126: {  	[sflag:s10] =	ssyncadd.s32 $0xFFFFC000  }
0x127: {  	[tilespmem:s14], [sflag:$0x1] =	stream.indirect.gather [hbm4b:s4+s13], $0x80, s30, s13, $0xb8;
	[tilespmem:$0x1D000] =	vst v63  }
0x128: {  	_ =	swait.ge [sflag:s17], $0x4000  }
0x129: {  	[sflag:s17] =	ssyncset.done $0x0  }
0x12a: {  	[sflag:s17] =	ssyncadd.s32 $0xFFFFC000  }
0x12b: {  	[spmem:s2] =	stream.indirect.scatter.add.f32 [tilespmem:s15], [sflag:$0x3], $0x80, s31, s13, $0xb8;
	[tilespmem:$0x1D000] =	vst v63  }
0x12c: {  	_ =	swait.ge [sflag:s10], $0x4000  }
0x12d: {  	[sflag:s10] =	ssyncset.done $0x0  }
0x12e: {  	[sflag:s10] =	ssyncadd.s32 $0xFFFFC000  }
0x12f: {  	[tilespmem:s15], [sflag:$0x2] =	stream.indirect.gather [hbm4b:s4+s13], $0x80, s0, s13, $0xb8;
	[tilespmem:$0x1D000] =	vst v63  }
0x130: {  	_ =	swait.ge [sflag:s16], $0x4000  }
0x131: {  	[sflag:s16] =	ssyncset.done $0x0  }
0x132: {  	[sflag:s16] =	ssyncadd.s32 $0xFFFFC000  }
0x133: {  	[spmem:s2] =	stream.indirect.scatter.add.f32 [tilespmem:s14], [sflag:$0x3], $0x80, s1, s13, $0xb8;
	[tilespmem:$0x1D000] =	vst v63  }
0x134: {  	_ =	swait.ge [sflag:s10], $0x4000  }
0x135: {  	[sflag:s10] =	ssyncset.done $0x0  }
0x136: {  	[sflag:s10] =	ssyncadd.s32 $0xFFFFC000  }
0x137: {  	p0 =	sne.s32 s6, $0x400;
	_ =	swait.ge [sflag:s17], $0x4000  }
.Ltmp0:
0x138: {  	[sflag:s17] =	ssyncset.done $0x0;
	(pc) =	sbr.rel @p0 .LBB2_2-.Ltmp0, $4  }
0x139: {  	[sflag:s17] =	ssyncadd.s32 $0xFFFFC000  }
0x13a: {  	[spmem:s2] =	stream.indirect.scatter.add.f32 [tilespmem:s15], [sflag:$0x3], $0x80, s5, s13, $0xb8;
	[tilespmem:$0x1D000] =	vst v63  }
0x13b: {  	s7 =	smov.u32 s6;
	s6 =	sadd.s32 $0x100, s6;
	_ =	swait.ge [sflag:s10], $0x4000  }
0x13c: {  	s8 =	smov.u32 s7;
	s9 =	rddreg [dreg:$0x5];
	[sflag:s10] =	ssyncset.done $0x0  }
0x13d: {  	[sflag:s10] =	ssyncadd.s32 $0xFFFFC000;
	s6 =	sadd.s32 s8, s9  }
0x13e: {  	[tilespmem:s11], [sflag:$0x3] =	stream.linear.gather [hbm4b:s6+s3], $0x800, $0x38;
	[tilespmem:$0x1D000] =	vst v63  }
0x13f: {  	_ =	swait.ge [sflag:s10], $0x800  }
0x140: {  	s9 =	rddreg [dreg:$0x6];
	[sflag:s10] =	ssyncset.done $0x0  }
0x141: {  	s6 =	sadd.s32 s8, s9;
	[sflag:s10] =	ssyncadd.s32 $0xFFFFF800  }
0x142: {  	[tilespmem:s12], [sflag:$0x3] =	stream.linear.gather [hbm4b:s6+s3], $0x800, $0x38;
	[tilespmem:$0x1D000] =	vst v63  }
0x143: {  	_ =	swait.ge [sflag:s10], $0x800  }
0x144: {  	[sflag:s10] =	ssyncset.done $0x0  }
0x145: {  	[sflag:s10] =	ssyncadd.s32 $0xFFFFF800  }
0x146: {  	[tilespmem:s14], [sflag:$0x1] =	stream.indirect.gather [hbm4b:s4+s13], $0x80, s11, s13, $0xb8;
	[tilespmem:$0x1D000] =	vst v63  }
0x147: {  	s7 =	rddreg [dreg:$0x7]  }
0x148: {  	[tilespmem:s15], [sflag:$0x2] =	stream.indirect.gather [hbm4b:s4+s13], $0x80, s7, s13, $0xb8;
	[tilespmem:$0x1D000] =	vst v63  }
0x149: {  	_ =	swait.ge [sflag:s16], $0x4000  }
0x14a: {  	[sflag:s16] =	ssyncset.done $0x0  }
0x14b: {  	[sflag:s16] =	ssyncadd.s32 $0xFFFFC000  }
0x14c: {  	[spmem:s2] =	stream.indirect.scatter.add.f32 [tilespmem:s14], [sflag:$0x3], $0x80, s12, s13, $0xb8;
	[tilespmem:$0x1D000] =	vst v63  }
0x14d: {  	_ =	swait.ge [sflag:s10], $0x4000  }
0x14e: {  	[sflag:s10] =	ssyncset.done $0x0  }
0x14f: {  	s8 =	rddreg [dreg:$0x8];
	[sflag:s10] =	ssyncadd.s32 $0xFFFFC000  }
0x150: {  	[tilespmem:s14], [sflag:$0x1] =	stream.indirect.gather [hbm4b:s4+s13], $0x80, s8, s13, $0xb8;
	[tilespmem:$0x1D000] =	vst v63  }
0x151: {  	_ =	swait.ge [sflag:s17], $0x4000  }
0x152: {  	[sflag:s17] =	ssyncset.done $0x0  }
0x153: {  	s9 =	rddreg [dreg:$0x9];
	[sflag:s17] =	ssyncadd.s32 $0xFFFFC000  }
0x154: {  	[spmem:s2] =	stream.indirect.scatter.add.f32 [tilespmem:s15], [sflag:$0x3], $0x80, s9, s13, $0xb8;
	[tilespmem:$0x1D000] =	vst v63  }
0x155: {  	_ =	swait.ge [sflag:s10], $0x4000  }
0x156: {  	[sflag:s10] =	ssyncset.done $0x0  }
0x157: {  	s7 =	rddreg [dreg:$0xa];
	[sflag:s10] =	ssyncadd.s32 $0xFFFFC000  }
0x158: {  	[tilespmem:s15], [sflag:$0x2] =	stream.indirect.gather [hbm4b:s4+s13], $0x80, s7, s13, $0xb8;
	[tilespmem:$0x1D000] =	vst v63  }
0x159: {  	_ =	swait.ge [sflag:s16], $0x4000  }
0x15a: {  	[sflag:s16] =	ssyncset.done $0x0  }
0x15b: {  	s8 =	rddreg [dreg:$0xb];
	[sflag:s16] =	ssyncadd.s32 $0xFFFFC000  }
0x15c: {  	[spmem:s2] =	stream.indirect.scatter.add.f32 [tilespmem:s14], [sflag:$0x3], $0x80, s8, s13, $0xb8;
	[tilespmem:$0x1D000] =	vst v63  }
0x15d: {  	_ =	swait.ge [sflag:s10], $0x4000  }
0x15e: {  	[sflag:s10] =	ssyncset.done $0x0  }
0x15f: {  	s9 =	rddreg [dreg:$0xc];
	[sflag:s10] =	ssyncadd.s32 $0xFFFFC000  }
0x160: {  	[tilespmem:s14], [sflag:$0x1] =	stream.indirect.gather [hbm4b:s4+s13], $0x80, s9, s13, $0xb8;
	[tilespmem:$0x1D000] =	vst v63  }
0x161: {  	_ =	swait.ge [sflag:s17], $0x4000  }
0x162: {  	[sflag:s17] =	ssyncset.done $0x0  }
0x163: {  	s7 =	rddreg [dreg:$0xd];
	[sflag:s17] =	ssyncadd.s32 $0xFFFFC000  }
0x164: {  	[spmem:s2] =	stream.indirect.scatter.add.f32 [tilespmem:s15], [sflag:$0x3], $0x80, s7, s13, $0xb8;
	[tilespmem:$0x1D000] =	vst v63  }
0x165: {  	_ =	swait.ge [sflag:s10], $0x4000  }
0x166: {  	[sflag:s10] =	ssyncset.done $0x0  }
0x167: {  	s8 =	rddreg [dreg:$0xe];
	[sflag:s10] =	ssyncadd.s32 $0xFFFFC000  }
0x168: {  	[tilespmem:s15], [sflag:$0x2] =	stream.indirect.gather [hbm4b:s4+s13], $0x80, s8, s13, $0xb8;
	[tilespmem:$0x1D000] =	vst v63  }
0x169: {  	_ =	swait.ge [sflag:s16], $0x4000  }
0x16a: {  	[sflag:s16] =	ssyncset.done $0x0  }
0x16b: {  	s9 =	rddreg [dreg:$0xf];
	[sflag:s16] =	ssyncadd.s32 $0xFFFFC000  }
0x16c: {  	[spmem:s2] =	stream.indirect.scatter.add.f32 [tilespmem:s14], [sflag:$0x3], $0x80, s9, s13, $0xb8;
	[tilespmem:$0x1D000] =	vst v63  }
0x16d: {  	_ =	swait.ge [sflag:s10], $0x4000  }
0x16e: {  	[sflag:s10] =	ssyncset.done $0x0  }
0x16f: {  	s7 =	rddreg [dreg:$0x10];
	[sflag:s10] =	ssyncadd.s32 $0xFFFFC000  }
0x170: {  	[tilespmem:s14], [sflag:$0x1] =	stream.indirect.gather [hbm4b:s4+s13], $0x80, s7, s13, $0xb8;
	[tilespmem:$0x1D000] =	vst v63  }
0x171: {  	_ =	swait.ge [sflag:s17], $0x4000  }
0x172: {  	[sflag:s17] =	ssyncset.done $0x0  }
0x173: {  	s8 =	rddreg [dreg:$0x11];
	[sflag:s17] =	ssyncadd.s32 $0xFFFFC000  }
0x174: {  	[spmem:s2] =	stream.indirect.scatter.add.f32 [tilespmem:s15], [sflag:$0x3], $0x80, s8, s13, $0xb8;
	[tilespmem:$0x1D000] =	vst v63  }
0x175: {  	_ =	swait.ge [sflag:s10], $0x4000  }
0x176: {  	[sflag:s10] =	ssyncset.done $0x0  }
0x177: {  	s9 =	rddreg [dreg:$0x12];
	[sflag:s10] =	ssyncadd.s32 $0xFFFFC000  }
0x178: {  	[tilespmem:s15], [sflag:$0x2] =	stream.indirect.gather [hbm4b:s4+s13], $0x80, s9, s13, $0xb8;
	[tilespmem:$0x1D000] =	vst v63  }
0x179: {  	_ =	swait.ge [sflag:s16], $0x4000  }
0x17a: {  	[sflag:s16] =	ssyncset.done $0x0  }
0x17b: {  	s7 =	rddreg [dreg:$0x13];
	[sflag:s16] =	ssyncadd.s32 $0xFFFFC000  }
0x17c: {  	[spmem:s2] =	stream.indirect.scatter.add.f32 [tilespmem:s14], [sflag:$0x3], $0x80, s7, s13, $0xb8;
	[tilespmem:$0x1D000] =	vst v63  }
0x17d: {  	_ =	swait.ge [sflag:s10], $0x4000  }
0x17e: {  	[sflag:s10] =	ssyncset.done $0x0  }
0x17f: {  	s8 =	rddreg [dreg:$0x14];
	[sflag:s10] =	ssyncadd.s32 $0xFFFFC000  }
0x180: {  	[tilespmem:s14], [sflag:$0x1] =	stream.indirect.gather [hbm4b:s4+s13], $0x80, s8, s13, $0xb8;
	[tilespmem:$0x1D000] =	vst v63  }
0x181: {  	_ =	swait.ge [sflag:s17], $0x4000  }
0x182: {  	[sflag:s17] =	ssyncset.done $0x0  }
0x183: {  	[sflag:s17] =	ssyncadd.s32 $0xFFFFC000  }
0x184: {  	[spmem:s2] =	stream.indirect.scatter.add.f32 [tilespmem:s15], [sflag:$0x3], $0x80, s18, s13, $0xb8;
	[tilespmem:$0x1D000] =	vst v63  }
0x185: {  	_ =	swait.ge [sflag:s10], $0x4000  }
0x186: {  	[sflag:s10] =	ssyncset.done $0x0  }
0x187: {  	[sflag:s10] =	ssyncadd.s32 $0xFFFFC000  }
0x188: {  	[tilespmem:s15], [sflag:$0x2] =	stream.indirect.gather [hbm4b:s4+s13], $0x80, s19, s13, $0xb8;
	[tilespmem:$0x1D000] =	vst v63  }
0x189: {  	_ =	swait.ge [sflag:s16], $0x4000  }
0x18a: {  	[sflag:s16] =	ssyncset.done $0x0  }
0x18b: {  	[sflag:s16] =	ssyncadd.s32 $0xFFFFC000  }
0x18c: {  	[spmem:s2] =	stream.indirect.scatter.add.f32 [tilespmem:s14], [sflag:$0x3], $0x80, s20, s13, $0xb8;
	[tilespmem:$0x1D000] =	vst v63  }
0x18d: {  	_ =	swait.ge [sflag:s10], $0x4000  }
0x18e: {  	[sflag:s10] =	ssyncset.done $0x0  }
0x18f: {  	[sflag:s10] =	ssyncadd.s32 $0xFFFFC000  }
0x190: {  	[tilespmem:s14], [sflag:$0x1] =	stream.indirect.gather [hbm4b:s4+s13], $0x80, s21, s13, $0xb8;
	[tilespmem:$0x1D000] =	vst v63  }
0x191: {  	_ =	swait.ge [sflag:s17], $0x4000  }
0x192: {  	[sflag:s17] =	ssyncset.done $0x0  }
0x193: {  	[sflag:s17] =	ssyncadd.s32 $0xFFFFC000  }
0x194: {  	[spmem:s2] =	stream.indirect.scatter.add.f32 [tilespmem:s15], [sflag:$0x3], $0x80, s22, s13, $0xb8;
	[tilespmem:$0x1D000] =	vst v63  }
0x195: {  	_ =	swait.ge [sflag:s10], $0x4000  }
0x196: {  	[sflag:s10] =	ssyncset.done $0x0  }
0x197: {  	[sflag:s10] =	ssyncadd.s32 $0xFFFFC000  }
0x198: {  	[tilespmem:s15], [sflag:$0x2] =	stream.indirect.gather [hbm4b:s4+s13], $0x80, s23, s13, $0xb8;
	[tilespmem:$0x1D000] =	vst v63  }
0x199: {  	_ =	swait.ge [sflag:s16], $0x4000  }
0x19a: {  	[sflag:s16] =	ssyncset.done $0x0  }
0x19b: {  	[sflag:s16] =	ssyncadd.s32 $0xFFFFC000  }
0x19c: {  	[spmem:s2] =	stream.indirect.scatter.add.f32 [tilespmem:s14], [sflag:$0x3], $0x80, s24, s13, $0xb8;
	[tilespmem:$0x1D000] =	vst v63  }
0x19d: {  	_ =	swait.ge [sflag:s10], $0x4000  }
0x19e: {  	[sflag:s10] =	ssyncset.done $0x0  }
0x19f: {  	[sflag:s10] =	ssyncadd.s32 $0xFFFFC000  }
0x1a0: {  	[tilespmem:s14], [sflag:$0x1] =	stream.indirect.gather [hbm4b:s4+s13], $0x80, s25, s13, $0xb8;
	[tilespmem:$0x1D000] =	vst v63  }
0x1a1: {  	_ =	swait.ge [sflag:s17], $0x4000  }
0x1a2: {  	[sflag:s17] =	ssyncset.done $0x0  }
0x1a3: {  	[sflag:s17] =	ssyncadd.s32 $0xFFFFC000  }
0x1a4: {  	[spmem:s2] =	stream.indirect.scatter.add.f32 [tilespmem:s15], [sflag:$0x3], $0x80, s26, s13, $0xb8;
	[tilespmem:$0x1D000] =	vst v63  }
0x1a5: {  	_ =	swait.ge [sflag:s10], $0x4000  }
0x1a6: {  	[sflag:s10] =	ssyncset.done $0x0  }
0x1a7: {  	[sflag:s10] =	ssyncadd.s32 $0xFFFFC000  }
0x1a8: {  	[tilespmem:s15], [sflag:$0x2] =	stream.indirect.gather [hbm4b:s4+s13], $0x80, s28, s13, $0xb8;
	[tilespmem:$0x1D000] =	vst v63  }
0x1a9: {  	_ =	swait.ge [sflag:s16], $0x4000  }
0x1aa: {  	[sflag:s16] =	ssyncset.done $0x0  }
0x1ab: {  	[sflag:s16] =	ssyncadd.s32 $0xFFFFC000  }
0x1ac: {  	[spmem:s2] =	stream.indirect.scatter.add.f32 [tilespmem:s14], [sflag:$0x3], $0x80, s29, s13, $0xb8;
	[tilespmem:$0x1D000] =	vst v63  }
0x1ad: {  	_ =	swait.ge [sflag:s10], $0x4000  }
0x1ae: {  	[sflag:s10] =	ssyncset.done $0x0  }
0x1af: {  	[sflag:s10] =	ssyncadd.s32 $0xFFFFC000  }
0x1b0: {  	[tilespmem:s14], [sflag:$0x1] =	stream.indirect.gather [hbm4b:s4+s13], $0x80, s30, s13, $0xb8;
	[tilespmem:$0x1D000] =	vst v63  }
0x1b1: {  	_ =	swait.ge [sflag:s17], $0x4000  }
0x1b2: {  	[sflag:s17] =	ssyncset.done $0x0  }
0x1b3: {  	[sflag:s17] =	ssyncadd.s32 $0xFFFFC000  }
0x1b4: {  	[spmem:s2] =	stream.indirect.scatter.add.f32 [tilespmem:s15], [sflag:$0x3], $0x80, s31, s13, $0xb8;
	[tilespmem:$0x1D000] =	vst v63  }
0x1b5: {  	_ =	swait.ge [sflag:s10], $0x4000  }
0x1b6: {  	[sflag:s10] =	ssyncset.done $0x0  }
0x1b7: {  	[sflag:s10] =	ssyncadd.s32 $0xFFFFC000  }
0x1b8: {  	[tilespmem:s15], [sflag:$0x2] =	stream.indirect.gather [hbm4b:s4+s13], $0x80, s0, s13, $0xb8;
	[tilespmem:$0x1D000] =	vst v63  }
0x1b9: {  	_ =	swait.ge [sflag:s16], $0x4000  }
0x1ba: {  	[sflag:s16] =	ssyncset.done $0x0  }
0x1bb: {  	[sflag:s16] =	ssyncadd.s32 $0xFFFFC000  }
0x1bc: {  	[spmem:s2] =	stream.indirect.scatter.add.f32 [tilespmem:s14], [sflag:$0x3], $0x80, s1, s13, $0xb8;
	[tilespmem:$0x1D000] =	vst v63  }
0x1bd: {  	_ =	swait.ge [sflag:s10], $0x4000  }
0x1be: {  	[sflag:s10] =	ssyncset.done $0x0  }
0x1bf: {  	[sflag:s10] =	ssyncadd.s32 $0xFFFFC000  }
0x1c0: {  	_ =	swait.ge [sflag:s17], $0x4000  }
0x1c1: {  	[sflag:s17] =	ssyncset.done $0x0  }
0x1c2: {  	[sflag:s17] =	ssyncadd.s32 $0xFFFFC000  }
0x1c3: {  	[spmem:s2] =	stream.indirect.scatter.add.f32 [tilespmem:s15], [sflag:$0x3], $0x80, s5, s13, $0xb8;
	[tilespmem:$0x1D000] =	vst v63  }
0x1c4: {  	_ =	swait.ge [sflag:s10], $0x4000  }
0x1c5: {  	[sflag:s10] =	ssyncset.done $0x0  }
0x1c6: {  	[sflag:s10] =	ssyncadd.s32 $0xFFFFC000  }
0x1c7: {  	[bflag:$0x0] =	sbarrier.arrive $0xFFFF  }
0x1c8: {  	s8 =	rddreg [dreg:$0x16]  }
0x1c9: {  	s9 =	rddreg [dreg:$0x17]  }
0x1ca: {  	s7 =	rddreg [dreg:$0x19]  }
0x1cb: {  	[hbm:s9], [sflag:s8] =	dma.local [spmem:s7], $0x2800  }
0x1cc: {  	_ =	swait.ge [sflag:s10], $0x2800  }
0x1cd: {  	s6 =	rddreg [dreg:$0x1a]  }
0x1ce: {  	s9 =	sadd.s32 $0x1, s6;
	s6 =	rddreg [dreg:$0x18]  }
0x1cf: {  	p0 =	sne.s32 s9, s6  }
.Ltmp1:
0x1d0: {  	_ = 	snop;
	(pc) =	sbr.rel @p0 .LBB2_1-.Ltmp1, $3  }
0x1d1: {  	_ =	sdelay $0x1  }
0x1d2: {  	[sflag:s10] =	ssyncset.done $0x0  }
0x1d3: {  	[sflag:s10] =	ssyncadd.s32 $0xFFFFD800  }
0x1d4: {  	_ =	sfence.sel $0x180000  }
0x1d5: {  	[bflag:$0x0] =	sbarrier.arrive $0xFFFF  }
0x1d6: {  	_ =	strace $0x9000004A  }
0x1d7: {  	s0 =	stileid.u32;
	[bflag:$0x2] =	sbarrier.arrive $0xFFFF  }
0x1d8: {  	p0 =	sne.s32 s0, $0x0;
	s0 =	rddreg [dreg:$0x4]  }
0x1d9: {  	s0 =	sadd.s32 @!p0 $0x100000, s0  }
0x1da: {  	[sflag:s0] =	ssyncadd.tile.s32 @!p0 $0x1;
	_ =	shalt  }
.Lfunc_end2:
_tile_overlayer_lowered:
.L_overlay_start_2:
0x1db: {  	(tag) =	ssettag $0x2  }
0x1dc: {  	s0 =	rddreg [dreg:$0x0];
	s2 =	stileid.u32  }
0x1dd: {  	s1 =	rddreg [dreg:$0x1];
	p0 =	sne.s32 s2, $0x0  }
0x1de: {  	s3 =	rddreg [dreg:$0x2];
	[bflag:$0x3] =	sbarrier.arrive $0xFFFF;
	s2 =	simm.s32 @!p0 $0x1C03  }
0x1df: {  	[timem:s3], [sflag:s2] =	dma.local @!p0 [hbm:s0], s1  }
0x1e0: {  	s0 =	simm.s32 @!p0 $0x3  }
0x1e1: {  	_ =	swait.ge @!p0 [sflag:s0], s1  }
0x1e2: {  	s1 =	ssub.s32 @!p0 $0x0, s1;
	[sflag:s0] =	ssyncset.done @!p0 $0x0  }
0x1e3: {  	[sflag:s0] =	ssyncadd.s32 @!p0 s1  }
0x1e4: {  	[bflag:$0x3] =	sbarrier.arrive $0xFFFF  }
0x1e5: {  	_ =	shalt  }

</sc_bundles>
